<compile_context>
chip_gen: v7x
topology: tpu7x:2x2x1
jax: 0.10.2.dev20260603
libtpu: 0.0.44.dev20260713+nightly
codegen_flags: <defaults>
</compile_context>

<pallas_src>
import jax
import jax.numpy as jnp
from jax import lax
from jax.experimental import pallas as pl
from jax.experimental.pallas import tpu as pltpu
from jax.experimental.pallas import tpu_sc as plsc

_B = 16384
_D = 64
_NC, _NS = 2, 16
_NW = _NC * _NS
_BPW = _B // _NW
_K = 16

_BB = 1024
_FEAT = 128
_H = 128


def _gather_body(uid_hbm, mid_hbm, utab_hbm, mtab_hbm,
                 urows_hbm, mrows_hbm,
                 uidx_v, midx_v, urows_v, mrows_v, sem):
    wid = lax.axis_index("s") * _NC + lax.axis_index("c")
    base = wid * _BPW
    pltpu.sync_copy(uid_hbm.at[pl.ds(base, _BPW)], uidx_v)
    pltpu.sync_copy(mid_hbm.at[pl.ds(base, _BPW)], midx_v)

    half = _BPW // 2

    for p in range(2):
        def chunk(c, _, p=p):
            iv = uidx_v[pl.ds(p * half + c * _K, 16)]
            jv = midx_v[pl.ds(p * half + c * _K, 16)]
            copies = []
            for k in range(_K):
                i = c * _K + k
                copies.append(pltpu.async_copy(
                    utab_hbm.at[pl.ds(iv[k], 1)],
                    urows_v.at[pl.ds(i, 1)], sem))
                copies.append(pltpu.async_copy(
                    mtab_hbm.at[pl.ds(jv[k], 1)],
                    mrows_v.at[pl.ds(i, 1)], sem))
            for cp in copies:
                cp.wait()
            return _

        lax.fori_loop(0, half // _K, chunk, None)
        pltpu.sync_copy(urows_v, urows_hbm.at[pl.ds(base + p * half, half)])
        pltpu.sync_copy(mrows_v, mrows_hbm.at[pl.ds(base + p * half, half)])


@jax.jit
def _sc_gather(user_ids, movie_ids, user_table, movie_table):
    mesh = plsc.VectorSubcoreMesh(core_axis_name="c", subcore_axis_name="s")
    return pl.kernel(
        _gather_body,
        mesh=mesh,
        out_type=[
            jax.ShapeDtypeStruct((_B, _D), jnp.float32),
            jax.ShapeDtypeStruct((_B, _D), jnp.float32),
        ],
        scratch_types=[
            pltpu.VMEM((_BPW,), jnp.int32),
            pltpu.VMEM((_BPW,), jnp.int32),
            pltpu.VMEM((_BPW // 2, _D), jnp.float32),
            pltpu.VMEM((_BPW // 2, _D), jnp.float32),
            pltpu.SemaphoreType.DMA,
        ],
    )(user_ids, movie_ids, user_table, movie_table)


def _mlp_body(uv_ref, mv_ref, mf_ref, wf_ref, w1u_ref, w1m_ref, w1f_ref,
              b1_ref, w2_ref, b2_ref, out_ref):
    fv = jnp.dot(mf_ref[...], wf_ref[...], preferred_element_type=jnp.float32)
    acc = jnp.dot(uv_ref[...], w1u_ref[...], preferred_element_type=jnp.float32)
    acc = acc + jnp.dot(mv_ref[...], w1m_ref[...], preferred_element_type=jnp.float32)
    acc = acc + jnp.dot(fv, w1f_ref[...], preferred_element_type=jnp.float32)
    acc = acc + b1_ref[...]
    h = jnp.maximum(acc, 0.0)
    out_ref[...] = jnp.sum(h * w2_ref[...], axis=1) + b2_ref[0, 0]


def _mlp(uv, mv, mf, wf, w1u, w1m, w1f, b1p, w2row, b2):
    grid = (_B // _BB,)
    full = lambda i: (0, 0)
    return pl.pallas_call(
        _mlp_body,
        grid=grid,
        in_specs=[
            pl.BlockSpec((_BB, _D), lambda i: (i, 0)),
            pl.BlockSpec((_BB, _D), lambda i: (i, 0)),
            pl.BlockSpec((_BB, _FEAT), lambda i: (i, 0)),
            pl.BlockSpec((_FEAT, _D), full),
            pl.BlockSpec((_D, _H), full),
            pl.BlockSpec((_D, _H), full),
            pl.BlockSpec((_D, _H), full),
            pl.BlockSpec((1, _H), full),
            pl.BlockSpec((1, _H), full),
            pl.BlockSpec((1, 1), full),
        ],
        out_specs=pl.BlockSpec((_BB,), lambda i: (i,)),
        out_shape=jax.ShapeDtypeStruct((_B,), jnp.float32),
    )(uv, mv, mf, wf, w1u, w1m, w1f, b1p, w2row, b2)


def kernel(user_ids, movie_ids, movie_features, user_table, movie_table,
           W_feat, b_feat, W1, b1, W2, b2):
    uv, mv = _sc_gather(
        user_ids.astype(jnp.int32), movie_ids.astype(jnp.int32),
        user_table, movie_table)
    w1u = W1[:_D]
    w1m = W1[_D:2 * _D]
    w1f = W1[2 * _D:]
    b1p = (b1 + b_feat @ w1f).reshape(1, _H)
    out = _mlp(uv, mv, movie_features, W_feat, w1u, w1m, w1f,
               b1p, W2.reshape(1, _H), b2.reshape(1, 1))
    return out

# --- scband reference (transcript-rebuilt; emitter-appended) ---
"""Pipeline reference for scband-deep-ncf-59949153517799 (READ-ONLY COPY).

The authoritative reference and input builder live on the scoring server;
editing this copy changes nothing except your own understanding.
"""

import jax, jax.numpy as jnp
import numpy as np

N_USERS = 1000000
N_MOVIES = 100000
FEAT_DIM = 128
EMB_DIM = 64
BATCH = 16384


def setup_inputs(seed: int = 0) -> dict:
    key = jax.random.key(seed)
    ks = jax.random.split(key, 12)
    user_ids = jax.random.randint(ks[0], (BATCH,), 0, N_USERS, dtype=jnp.int64 if jax.config.jax_enable_x64 else jnp.int32)
    movie_ids = jax.random.randint(ks[1], (BATCH,), 0, N_MOVIES, dtype=jnp.int64 if jax.config.jax_enable_x64 else jnp.int32)
    movie_features = jax.random.normal(ks[2], (BATCH, FEAT_DIM), dtype=jnp.float32)
    user_table = jax.random.normal(ks[3], (N_USERS, EMB_DIM), dtype=jnp.float32) * 0.02
    movie_table = jax.random.normal(ks[4], (N_MOVIES, EMB_DIM), dtype=jnp.float32) * 0.02
    W_feat = jax.random.normal(ks[5], (FEAT_DIM, EMB_DIM), dtype=jnp.float32) * (1.0 / np.sqrt(FEAT_DIM))
    b_feat = jnp.zeros((EMB_DIM,), dtype=jnp.float32)
    W1 = jax.random.normal(ks[6], (EMB_DIM * 3, 128), dtype=jnp.float32) * (1.0 / np.sqrt(EMB_DIM * 3))
    b1 = jnp.zeros((128,), dtype=jnp.float32)
    W2 = jax.random.normal(ks[7], (128, 1), dtype=jnp.float32) * (1.0 / np.sqrt(128))
    b2 = jnp.zeros((1,), dtype=jnp.float32)
    return {
        "user_ids": user_ids,
        "movie_ids": movie_ids,
        "movie_features": movie_features,
        "user_table": user_table,
        "movie_table": movie_table,
        "W_feat": W_feat,
        "b_feat": b_feat,
        "W1": W1,
        "b1": b1,
        "W2": W2,
        "b2": b2,
    }


def reference(user_ids, movie_ids, movie_features, user_table, movie_table, W_feat, b_feat, W1, b1, W2, b2):
    user_vecs = jnp.take(user_table, user_ids, axis=0)
    movie_vecs = jnp.take(movie_table, movie_ids, axis=0)
    movie_feature_vecs = movie_features @ W_feat + b_feat
    combined = jnp.concatenate([user_vecs, movie_vecs, movie_feature_vecs], axis=1)
    h = jnp.maximum(combined @ W1 + b1, 0.0)
    out = h @ W2 + b2
    return jnp.squeeze(out, axis=-1)

if __name__ == "__main__":
    import jax
    _d = setup_inputs()
    print(jax.jit(kernel)(*tuple(_d.values())))

</pallas_src>

<mosaic_0001>
#map = affine_map<(d0, d1) -> (0)>
#map1 = affine_map<(d0, d1) -> (0, 0)>
module attributes {stable_mosaic.version = 14 : i64} {
  func.func @_gather_body(%arg0: i32, %arg1: i32, %arg2: memref<16384xi32, #tpu.memory_space<hbm>>, %arg3: memref<16384xi32, #tpu.memory_space<hbm>>, %arg4: memref<1000000x64xf32, #tpu.memory_space<hbm>>, %arg5: memref<100000x64xf32, #tpu.memory_space<hbm>>, %arg6: memref<16384x64xf32, #tpu.memory_space<hbm>>, %arg7: memref<16384x64xf32, #tpu.memory_space<hbm>>, %arg8: memref<512xi32, #tpu.memory_space<vmem>>, %arg9: memref<512xi32, #tpu.memory_space<vmem>>, %arg10: memref<256x64xf32, #tpu.memory_space<vmem>>, %arg11: memref<256x64xf32, #tpu.memory_space<vmem>>, %arg12: memref<!tpu.dma_semaphore, #tpu.memory_space<semaphore_mem>>) attributes {dimension_semantics = [#tpu.dimension_semantics<core_parallel>, #tpu.dimension_semantics<subcore_parallel>], iteration_bounds = array<i64: 2, 16>, scalar_prefetch = 0 : i64, scratch_operands = 5 : i64, tpu.core_type = #tpu.core_type<sc_vector_subcore>, window_params = [{transform_indices = #map}, {transform_indices = #map}, {transform_indices = #map1}, {transform_indices = #map1}, {transform_indices = #map1}, {transform_indices = #map1}]} {
    %mul3A = arith.constant 2 : i32
    %mul3A_0 = arith.muli %arg1, %mul3A : i32
    %add3A = arith.addi %mul3A_0, %arg0 : i32
    %mul3A_1 = arith.constant 512 : i32
    %mul3A_2 = arith.muli %add3A, %mul3A_1 : i32
    "tpu.region"() ({
      %run_scoped3A = tpu.sem_alloc : memref<!tpu.dma_semaphore, #tpu.memory_space<semaphore_mem>>
      %dma_start3A = tpu.memref_slice %arg2[%mul3A_2] : memref<16384xi32, #tpu.memory_space<hbm>> -> memref<512xi32, #tpu.memory_space<hbm>>
      %dma_start3A_20 = tpu.memref_slice %arg2[%mul3A_2] : memref<16384xi32, #tpu.memory_space<hbm>> -> memref<512xi32, #tpu.memory_space<hbm>>
      tpu.enqueue_dma source(%dma_start3A_20 : memref<512xi32, #tpu.memory_space<hbm>>) target(%arg8 : memref<512xi32, #tpu.memory_space<vmem>>) target_semaphore(%run_scoped3A : memref<!tpu.dma_semaphore, #tpu.memory_space<semaphore_mem>>)
      %dma_wait3A = tpu.memref_slice %arg2[%mul3A_2] : memref<16384xi32, #tpu.memory_space<hbm>> -> memref<512xi32, #tpu.memory_space<hbm>>
      %dma_wait3A_21 = tpu.memref_slice %arg2[%mul3A_2] : memref<16384xi32, #tpu.memory_space<hbm>> -> memref<512xi32, #tpu.memory_space<hbm>>
      tpu.wait_dma2 semaphore(%run_scoped3A : memref<!tpu.dma_semaphore, #tpu.memory_space<semaphore_mem>>) src(%dma_wait3A_21 : memref<512xi32, #tpu.memory_space<hbm>>) dst(%arg8 : memref<512xi32, #tpu.memory_space<vmem>>)
      tpu.yield
    }) : () -> ()
    "tpu.region"() ({
      %run_scoped3A = tpu.sem_alloc : memref<!tpu.dma_semaphore, #tpu.memory_space<semaphore_mem>>
      %dma_start3A = tpu.memref_slice %arg3[%mul3A_2] : memref<16384xi32, #tpu.memory_space<hbm>> -> memref<512xi32, #tpu.memory_space<hbm>>
      %dma_start3A_20 = tpu.memref_slice %arg3[%mul3A_2] : memref<16384xi32, #tpu.memory_space<hbm>> -> memref<512xi32, #tpu.memory_space<hbm>>
      tpu.enqueue_dma source(%dma_start3A_20 : memref<512xi32, #tpu.memory_space<hbm>>) target(%arg9 : memref<512xi32, #tpu.memory_space<vmem>>) target_semaphore(%run_scoped3A : memref<!tpu.dma_semaphore, #tpu.memory_space<semaphore_mem>>)
      %dma_wait3A = tpu.memref_slice %arg3[%mul3A_2] : memref<16384xi32, #tpu.memory_space<hbm>> -> memref<512xi32, #tpu.memory_space<hbm>>
      %dma_wait3A_21 = tpu.memref_slice %arg3[%mul3A_2] : memref<16384xi32, #tpu.memory_space<hbm>> -> memref<512xi32, #tpu.memory_space<hbm>>
      tpu.wait_dma2 semaphore(%run_scoped3A : memref<!tpu.dma_semaphore, #tpu.memory_space<semaphore_mem>>) src(%dma_wait3A_21 : memref<512xi32, #tpu.memory_space<hbm>>) dst(%arg9 : memref<512xi32, #tpu.memory_space<vmem>>)
      tpu.yield
    }) : () -> ()
    %scan3A = arith.constant 0 : i32
    %scan3A_3 = arith.constant 16 : i32
    %scan3A_4 = arith.addi %scan3A, %scan3A_3 : i32
    %scan3A_5 = arith.constant 1 : i32
    scf.for %scan3A_20 = %scan3A to %scan3A_4 step %scan3A_5  : i32 {
      %mul3A_21 = arith.constant 16 : i32
      %mul3A_22 = arith.muli %scan3A_20, %mul3A_21 : i32
      %add3A_23 = arith.constant 0 : i32
      %add3A_24 = arith.addi %add3A_23, %mul3A_22 : i32
      %get3A = arith.index_cast %add3A_24 : i32 to index
      %get3A_25 = tpu.vector_load %arg8[%get3A] {strides = array<i32>} : memref<512xi32, #tpu.memory_space<vmem>>, vector<16xi32>,
      %get3A_26 = vector.shape_cast %get3A_25 : vector<16xi32> to vector<16xi32>
      %mul3A_27 = arith.constant 16 : i32
      %mul3A_28 = arith.muli %scan3A_20, %mul3A_27 : i32
      %add3A_29 = arith.constant 0 : i32
      %add3A_30 = arith.addi %add3A_29, %mul3A_28 : i32
      %get3A_31 = arith.index_cast %add3A_30 : i32 to index
      %get3A_32 = tpu.vector_load %arg9[%get3A_31] {strides = array<i32>} : memref<512xi32, #tpu.memory_space<vmem>>, vector<16xi32>,
      %get3A_33 = vector.shape_cast %get3A_32 : vector<16xi32> to vector<16xi32>
      %mul3A_34 = arith.constant 16 : i32
      %mul3A_35 = arith.muli %scan3A_20, %mul3A_34 : i32
      %add3A_36 = arith.constant 0 : i32
      %add3A_37 = arith.addi %mul3A_35, %add3A_36 : i32
      %slice3A = vector.extract_strided_slice %get3A_26 {offsets = [0], sizes = [1], strides = [1]} : vector<16xi32> to vector<1xi32>
      %squeeze3A = vector.extract %slice3A[0] : i32 from vector<1xi32>
      %dma_start3A = arith.constant 0 : i32
      %dma_start3A_38 = tpu.memref_slice %arg10[%add3A_37, %dma_start3A] : memref<256x64xf32, #tpu.memory_space<vmem>> -> memref<1x64xf32, #tpu.memory_space<vmem>>
      %dma_start3A_39 = arith.constant 0 : i32
      %dma_start3A_40 = tpu.memref_slice %arg4[%squeeze3A, %dma_start3A_39] : memref<1000000x64xf32, #tpu.memory_space<hbm>> -> memref<1x64xf32, #tpu.memory_space<hbm>>
      %dma_start3A_41 = arith.constant 0 : i32
      %dma_start3A_42 = tpu.memref_slice %arg10[%add3A_37, %dma_start3A_41] : memref<256x64xf32, #tpu.memory_space<vmem>> -> memref<1x64xf32, #tpu.memory_space<vmem>>
      %dma_start3A_43 = arith.constant 0 : i32
      %dma_start3A_44 = tpu.memref_slice %arg4[%squeeze3A, %dma_start3A_43] : memref<1000000x64xf32, #tpu.memory_space<hbm>> -> memref<1x64xf32, #tpu.memory_space<hbm>>
      tpu.enqueue_dma source(%dma_start3A_44 : memref<1x64xf32, #tpu.memory_space<hbm>>) target(%dma_start3A_42 : memref<1x64xf32, #tpu.memory_space<vmem>>) target_semaphore(%arg12 : memref<!tpu.dma_semaphore, #tpu.memory_space<semaphore_mem>>)
      %slice3A_45 = vector.extract_strided_slice %get3A_33 {offsets = [0], sizes = [1], strides = [1]} : vector<16xi32> to vector<1xi32>
      %squeeze3A_46 = vector.extract %slice3A_45[0] : i32 from vector<1xi32>
      %dma_start3A_47 = arith.constant 0 : i32
      %dma_start3A_48 = tpu.memref_slice %arg11[%add3A_37, %dma_start3A_47] : memref<256x64xf32, #tpu.memory_space<vmem>> -> memref<1x64xf32, #tpu.memory_space<vmem>>
      %dma_start3A_49 = arith.constant 0 : i32
      %dma_start3A_50 = tpu.memref_slice %arg5[%squeeze3A_46, %dma_start3A_49] : memref<100000x64xf32, #tpu.memory_space<hbm>> -> memref<1x64xf32, #tpu.memory_space<hbm>>
      %dma_start3A_51 = arith.constant 0 : i32
      %dma_start3A_52 = tpu.memref_slice %arg11[%add3A_37, %dma_start3A_51] : memref<256x64xf32, #tpu.memory_space<vmem>> -> memref<1x64xf32, #tpu.memory_space<vmem>>
      %dma_start3A_53 = arith.constant 0 : i32
      %dma_start3A_54 = tpu.memref_slice %arg5[%squeeze3A_46, %dma_start3A_53] : memref<100000x64xf32, #tpu.memory_space<hbm>> -> memref<1x64xf32, #tpu.memory_space<hbm>>
      tpu.enqueue_dma source(%dma_start3A_54 : memref<1x64xf32, #tpu.memory_space<hbm>>) target(%dma_start3A_52 : memref<1x64xf32, #tpu.memory_space<vmem>>) target_semaphore(%arg12 : memref<!tpu.dma_semaphore, #tpu.memory_space<semaphore_mem>>)
      %mul3A_55 = arith.constant 16 : i32
      %mul3A_56 = arith.muli %scan3A_20, %mul3A_55 : i32
      %add3A_57 = arith.constant 1 : i32
      %add3A_58 = arith.addi %mul3A_56, %add3A_57 : i32
      %slice3A_59 = vector.extract_strided_slice %get3A_26 {offsets = [1], sizes = [1], strides = [1]} : vector<16xi32> to vector<1xi32>
      %squeeze3A_60 = vector.extract %slice3A_59[0] : i32 from vector<1xi32>
      %dma_start3A_61 = arith.constant 0 : i32
      %dma_start3A_62 = tpu.memref_slice %arg10[%add3A_58, %dma_start3A_61] : memref<256x64xf32, #tpu.memory_space<vmem>> -> memref<1x64xf32, #tpu.memory_space<vmem>>
      %dma_start3A_63 = arith.constant 0 : i32
      %dma_start3A_64 = tpu.memref_slice %arg4[%squeeze3A_60, %dma_start3A_63] : memref<1000000x64xf32, #tpu.memory_space<hbm>> -> memref<1x64xf32, #tpu.memory_space<hbm>>
      %dma_start3A_65 = arith.constant 0 : i32
      %dma_start3A_66 = tpu.memref_slice %arg10[%add3A_58, %dma_start3A_65] : memref<256x64xf32, #tpu.memory_space<vmem>> -> memref<1x64xf32, #tpu.memory_space<vmem>>
      %dma_start3A_67 = arith.constant 0 : i32
      %dma_start3A_68 = tpu.memref_slice %arg4[%squeeze3A_60, %dma_start3A_67] : memref<1000000x64xf32, #tpu.memory_space<hbm>> -> memref<1x64xf32, #tpu.memory_space<hbm>>
      tpu.enqueue_dma source(%dma_start3A_68 : memref<1x64xf32, #tpu.memory_space<hbm>>) target(%dma_start3A_66 : memref<1x64xf32, #tpu.memory_space<vmem>>) target_semaphore(%arg12 : memref<!tpu.dma_semaphore, #tpu.memory_space<semaphore_mem>>)
      %slice3A_69 = vector.extract_strided_slice %get3A_33 {offsets = [1], sizes = [1], strides = [1]} : vector<16xi32> to vector<1xi32>
      %squeeze3A_70 = vector.extract %slice3A_69[0] : i32 from vector<1xi32>
      %dma_start3A_71 = arith.constant 0 : i32
      %dma_start3A_72 = tpu.memref_slice %arg11[%add3A_58, %dma_start3A_71] : memref<256x64xf32, #tpu.memory_space<vmem>> -> memref<1x64xf32, #tpu.memory_space<vmem>>
      %dma_start3A_73 = arith.constant 0 : i32
      %dma_start3A_74 = tpu.memref_slice %arg5[%squeeze3A_70, %dma_start3A_73] : memref<100000x64xf32, #tpu.memory_space<hbm>> -> memref<1x64xf32, #tpu.memory_space<hbm>>
      %dma_start3A_75 = arith.constant 0 : i32
      %dma_start3A_76 = tpu.memref_slice %arg11[%add3A_58, %dma_start3A_75] : memref<256x64xf32, #tpu.memory_space<vmem>> -> memref<1x64xf32, #tpu.memory_space<vmem>>
      %dma_start3A_77 = arith.constant 0 : i32
      %dma_start3A_78 = tpu.memref_slice %arg5[%squeeze3A_70, %dma_start3A_77] : memref<100000x64xf32, #tpu.memory_space<hbm>> -> memref<1x64xf32, #tpu.memory_space<hbm>>
      tpu.enqueue_dma source(%dma_start3A_78 : memref<1x64xf32, #tpu.memory_space<hbm>>) target(%dma_start3A_76 : memref<1x64xf32, #tpu.memory_space<vmem>>) target_semaphore(%arg12 : memref<!tpu.dma_semaphore, #tpu.memory_space<semaphore_mem>>)
      %mul3A_79 = arith.constant 16 : i32
      %mul3A_80 = arith.muli %scan3A_20, %mul3A_79 : i32
      %add3A_81 = arith.constant 2 : i32
      %add3A_82 = arith.addi %mul3A_80, %add3A_81 : i32
      %slice3A_83 = vector.extract_strided_slice %get3A_26 {offsets = [2], sizes = [1], strides = [1]} : vector<16xi32> to vector<1xi32>
      %squeeze3A_84 = vector.extract %slice3A_83[0] : i32 from vector<1xi32>
      %dma_start3A_85 = arith.constant 0 : i32
      %dma_start3A_86 = tpu.memref_slice %arg10[%add3A_82, %dma_start3A_85] : memref<256x64xf32, #tpu.memory_space<vmem>> -> memref<1x64xf32, #tpu.memory_space<vmem>>
      %dma_start3A_87 = arith.constant 0 : i32
      %dma_start3A_88 = tpu.memref_slice %arg4[%squeeze3A_84, %dma_start3A_87] : memref<1000000x64xf32, #tpu.memory_space<hbm>> -> memref<1x64xf32, #tpu.memory_space<hbm>>
      %dma_start3A_89 = arith.constant 0 : i32
      %dma_start3A_90 = tpu.memref_slice %arg10[%add3A_82, %dma_start3A_89] : memref<256x64xf32, #tpu.memory_space<vmem>> -> memref<1x64xf32, #tpu.memory_space<vmem>>
      %dma_start3A_91 = arith.constant 0 : i32
      %dma_start3A_92 = tpu.memref_slice %arg4[%squeeze3A_84, %dma_start3A_91] : memref<1000000x64xf32, #tpu.memory_space<hbm>> -> memref<1x64xf32, #tpu.memory_space<hbm>>
      tpu.enqueue_dma source(%dma_start3A_92 : memref<1x64xf32, #tpu.memory_space<hbm>>) target(%dma_start3A_90 : memref<1x64xf32, #tpu.memory_space<vmem>>) target_semaphore(%arg12 : memref<!tpu.dma_semaphore, #tpu.memory_space<semaphore_mem>>)
      %slice3A_93 = vector.extract_strided_slice %get3A_33 {offsets = [2], sizes = [1], strides = [1]} : vector<16xi32> to vector<1xi32>
      %squeeze3A_94 = vector.extract %slice3A_93[0] : i32 from vector<1xi32>
      %dma_start3A_95 = arith.constant 0 : i32
      %dma_start3A_96 = tpu.memref_slice %arg11[%add3A_82, %dma_start3A_95] : memref<256x64xf32, #tpu.memory_space<vmem>> -> memref<1x64xf32, #tpu.memory_space<vmem>>
      %dma_start3A_97 = arith.constant 0 : i32
      %dma_start3A_98 = tpu.memref_slice %arg5[%squeeze3A_94, %dma_start3A_97] : memref<100000x64xf32, #tpu.memory_space<hbm>> -> memref<1x64xf32, #tpu.memory_space<hbm>>
      %dma_start3A_99 = arith.constant 0 : i32
      %dma_start3A_100 = tpu.memref_slice %arg11[%add3A_82, %dma_start3A_99] : memref<256x64xf32, #tpu.memory_space<vmem>> -> memref<1x64xf32, #tpu.memory_space<vmem>>
      %dma_start3A_101 = arith.constant 0 : i32
      %dma_start3A_102 = tpu.memref_slice %arg5[%squeeze3A_94, %dma_start3A_101] : memref<100000x64xf32, #tpu.memory_space<hbm>> -> memref<1x64xf32, #tpu.memory_space<hbm>>
      tpu.enqueue_dma source(%dma_start3A_102 : memref<1x64xf32, #tpu.memory_space<hbm>>) target(%dma_start3A_100 : memref<1x64xf32, #tpu.memory_space<vmem>>) target_semaphore(%arg12 : memref<!tpu.dma_semaphore, #tpu.memory_space<semaphore_mem>>)
      %mul3A_103 = arith.constant 16 : i32
      %mul3A_104 = arith.muli %scan3A_20, %mul3A_103 : i32
      %add3A_105 = arith.constant 3 : i32
      %add3A_106 = arith.addi %mul3A_104, %add3A_105 : i32
      %slice3A_107 = vector.extract_strided_slice %get3A_26 {offsets = [3], sizes = [1], strides = [1]} : vector<16xi32> to vector<1xi32>
      %squeeze3A_108 = vector.extract %slice3A_107[0] : i32 from vector<1xi32>
      %dma_start3A_109 = arith.constant 0 : i32
      %dma_start3A_110 = tpu.memref_slice %arg10[%add3A_106, %dma_start3A_109] : memref<256x64xf32, #tpu.memory_space<vmem>> -> memref<1x64xf32, #tpu.memory_space<vmem>>
      %dma_start3A_111 = arith.constant 0 : i32
      %dma_start3A_112 = tpu.memref_slice %arg4[%squeeze3A_108, %dma_start3A_111] : memref<1000000x64xf32, #tpu.memory_space<hbm>> -> memref<1x64xf32, #tpu.memory_space<hbm>>
      %dma_start3A_113 = arith.constant 0 : i32
      %dma_start3A_114 = tpu.memref_slice %arg10[%add3A_106, %dma_start3A_113] : memref<256x64xf32, #tpu.memory_space<vmem>> -> memref<1x64xf32, #tpu.memory_space<vmem>>
      %dma_start3A_115 = arith.constant 0 : i32
      %dma_start3A_116 = tpu.memref_slice %arg4[%squeeze3A_108, %dma_start3A_115] : memref<1000000x64xf32, #tpu.memory_space<hbm>> -> memref<1x64xf32, #tpu.memory_space<hbm>>
      tpu.enqueue_dma source(%dma_start3A_116 : memref<1x64xf32, #tpu.memory_space<hbm>>) target(%dma_start3A_114 : memref<1x64xf32, #tpu.memory_space<vmem>>) target_semaphore(%arg12 : memref<!tpu.dma_semaphore, #tpu.memory_space<semaphore_mem>>)
      %slice3A_117 = vector.extract_strided_slice %get3A_33 {offsets = [3], sizes = [1], strides = [1]} : vector<16xi32> to vector<1xi32>
      %squeeze3A_118 = vector.extract %slice3A_117[0] : i32 from vector<1xi32>
      %dma_start3A_119 = arith.constant 0 : i32
      %dma_start3A_120 = tpu.memref_slice %arg11[%add3A_106, %dma_start3A_119] : memref<256x64xf32, #tpu.memory_space<vmem>> -> memref<1x64xf32, #tpu.memory_space<vmem>>
      %dma_start3A_121 = arith.constant 0 : i32
      %dma_start3A_122 = tpu.memref_slice %arg5[%squeeze3A_118, %dma_start3A_121] : memref<100000x64xf32, #tpu.memory_space<hbm>> -> memref<1x64xf32, #tpu.memory_space<hbm>>
      %dma_start3A_123 = arith.constant 0 : i32
      %dma_start3A_124 = tpu.memref_slice %arg11[%add3A_106, %dma_start3A_123] : memref<256x64xf32, #tpu.memory_space<vmem>> -> memref<1x64xf32, #tpu.memory_space<vmem>>
      %dma_start3A_125 = arith.constant 0 : i32
      %dma_start3A_126 = tpu.memref_slice %arg5[%squeeze3A_118, %dma_start3A_125] : memref<100000x64xf32, #tpu.memory_space<hbm>> -> memref<1x64xf32, #tpu.memory_space<hbm>>
      tpu.enqueue_dma source(%dma_start3A_126 : memref<1x64xf32, #tpu.memory_space<hbm>>) target(%dma_start3A_124 : memref<1x64xf32, #tpu.memory_space<vmem>>) target_semaphore(%arg12 : memref<!tpu.dma_semaphore, #tpu.memory_space<semaphore_mem>>)
      %mul3A_127 = arith.constant 16 : i32
      %mul3A_128 = arith.muli %scan3A_20, %mul3A_127 : i32
      %add3A_129 = arith.constant 4 : i32
      %add3A_130 = arith.addi %mul3A_128, %add3A_129 : i32
      %slice3A_131 = vector.extract_strided_slice %get3A_26 {offsets = [4], sizes = [1], strides = [1]} : vector<16xi32> to vector<1xi32>
      %squeeze3A_132 = vector.extract %slice3A_131[0] : i32 from vector<1xi32>
      %dma_start3A_133 = arith.constant 0 : i32
      %dma_start3A_134 = tpu.memref_slice %arg10[%add3A_130, %dma_start3A_133] : memref<256x64xf32, #tpu.memory_space<vmem>> -> memref<1x64xf32, #tpu.memory_space<vmem>>
      %dma_start3A_135 = arith.constant 0 : i32
      %dma_start3A_136 = tpu.memref_slice %arg4[%squeeze3A_132, %dma_start3A_135] : memref<1000000x64xf32, #tpu.memory_space<hbm>> -> memref<1x64xf32, #tpu.memory_space<hbm>>
      %dma_start3A_137 = arith.constant 0 : i32
      %dma_start3A_138 = tpu.memref_slice %arg10[%add3A_130, %dma_start3A_137] : memref<256x64xf32, #tpu.memory_space<vmem>> -> memref<1x64xf32, #tpu.memory_space<vmem>>
      %dma_start3A_139 = arith.constant 0 : i32
      %dma_start3A_140 = tpu.memref_slice %arg4[%squeeze3A_132, %dma_start3A_139] : memref<1000000x64xf32, #tpu.memory_space<hbm>> -> memref<1x64xf32, #tpu.memory_space<hbm>>
      tpu.enqueue_dma source(%dma_start3A_140 : memref<1x64xf32, #tpu.memory_space<hbm>>) target(%dma_start3A_138 : memref<1x64xf32, #tpu.memory_space<vmem>>) target_semaphore(%arg12 : memref<!tpu.dma_semaphore, #tpu.memory_space<semaphore_mem>>)
      %slice3A_141 = vector.extract_strided_slice %get3A_33 {offsets = [4], sizes = [1], strides = [1]} : vector<16xi32> to vector<1xi32>
      %squeeze3A_142 = vector.extract %slice3A_141[0] : i32 from vector<1xi32>
      %dma_start3A_143 = arith.constant 0 : i32
      %dma_start3A_144 = tpu.memref_slice %arg11[%add3A_130, %dma_start3A_143] : memref<256x64xf32, #tpu.memory_space<vmem>> -> memref<1x64xf32, #tpu.memory_space<vmem>>
      %dma_start3A_145 = arith.constant 0 : i32
      %dma_start3A_146 = tpu.memref_slice %arg5[%squeeze3A_142, %dma_start3A_145] : memref<100000x64xf32, #tpu.memory_space<hbm>> -> memref<1x64xf32, #tpu.memory_space<hbm>>
      %dma_start3A_147 = arith.constant 0 : i32
      %dma_start3A_148 = tpu.memref_slice %arg11[%add3A_130, %dma_start3A_147] : memref<256x64xf32, #tpu.memory_space<vmem>> -> memref<1x64xf32, #tpu.memory_space<vmem>>
      %dma_start3A_149 = arith.constant 0 : i32
      %dma_start3A_150 = tpu.memref_slice %arg5[%squeeze3A_142, %dma_start3A_149] : memref<100000x64xf32, #tpu.memory_space<hbm>> -> memref<1x64xf32, #tpu.memory_space<hbm>>
      tpu.enqueue_dma source(%dma_start3A_150 : memref<1x64xf32, #tpu.memory_space<hbm>>) target(%dma_start3A_148 : memref<1x64xf32, #tpu.memory_space<vmem>>) target_semaphore(%arg12 : memref<!tpu.dma_semaphore, #tpu.memory_space<semaphore_mem>>)
      %mul3A_151 = arith.constant 16 : i32
      %mul3A_152 = arith.muli %scan3A_20, %mul3A_151 : i32
      %add3A_153 = arith.constant 5 : i32
      %add3A_154 = arith.addi %mul3A_152, %add3A_153 : i32
      %slice3A_155 = vector.extract_strided_slice %get3A_26 {offsets = [5], sizes = [1], strides = [1]} : vector<16xi32> to vector<1xi32>
      %squeeze3A_156 = vector.extract %slice3A_155[0] : i32 from vector<1xi32>
      %dma_start3A_157 = arith.constant 0 : i32
      %dma_start3A_158 = tpu.memref_slice %arg10[%add3A_154, %dma_start3A_157] : memref<256x64xf32, #tpu.memory_space<vmem>> -> memref<1x64xf32, #tpu.memory_space<vmem>>
      %dma_start3A_159 = arith.constant 0 : i32
      %dma_start3A_160 = tpu.memref_slice %arg4[%squeeze3A_156, %dma_start3A_159] : memref<1000000x64xf32, #tpu.memory_space<hbm>> -> memref<1x64xf32, #tpu.memory_space<hbm>>
      %dma_start3A_161 = arith.constant 0 : i32
      %dma_start3A_162 = tpu.memref_slice %arg10[%add3A_154, %dma_start3A_161] : memref<256x64xf32, #tpu.memory_space<vmem>> -> memref<1x64xf32, #tpu.memory_space<vmem>>
      %dma_start3A_163 = arith.constant 0 : i32
      %dma_start3A_164 = tpu.memref_slice %arg4[%squeeze3A_156, %dma_start3A_163] : memref<1000000x64xf32, #tpu.memory_space<hbm>> -> memref<1x64xf32, #tpu.memory_space<hbm>>
      tpu.enqueue_dma source(%dma_start3A_164 : memref<1x64xf32, #tpu.memory_space<hbm>>) target(%dma_start3A_162 : memref<1x64xf32, #tpu.memory_space<vmem>>) target_semaphore(%arg12 : memref<!tpu.dma_semaphore, #tpu.memory_space<semaphore_mem>>)
      %slice3A_165 = vector.extract_strided_slice %get3A_33 {offsets = [5], sizes = [1], strides = [1]} : vector<16xi32> to vector<1xi32>
      %squeeze3A_166 = vector.extract %slice3A_165[0] : i32 from vector<1xi32>
      %dma_start3A_167 = arith.constant 0 : i32
      %dma_start3A_168 = tpu.memref_slice %arg11[%add3A_154, %dma_start3A_167] : memref<256x64xf32, #tpu.memory_space<vmem>> -> memref<1x64xf32, #tpu.memory_space<vmem>>
      %dma_start3A_169 = arith.constant 0 : i32
      %dma_start3A_170 = tpu.memref_slice %arg5[%squeeze3A_166, %dma_start3A_169] : memref<100000x64xf32, #tpu.memory_space<hbm>> -> memref<1x64xf32, #tpu.memory_space<hbm>>
      %dma_start3A_171 = arith.constant 0 : i32
      %dma_start3A_172 = tpu.memref_slice %arg11[%add3A_154, %dma_start3A_171] : memref<256x64xf32, #tpu.memory_space<vmem>> -> memref<1x64xf32, #tpu.memory_space<vmem>>
      %dma_start3A_173 = arith.constant 0 : i32
      %dma_start3A_174 = tpu.memref_slice %arg5[%squeeze3A_166, %dma_start3A_173] : memref<100000x64xf32, #tpu.memory_space<hbm>> -> memref<1x64xf32, #tpu.memory_space<hbm>>
      tpu.enqueue_dma source(%dma_start3A_174 : memref<1x64xf32, #tpu.memory_space<hbm>>) target(%dma_start3A_172 : memref<1x64xf32, #tpu.memory_space<vmem>>) target_semaphore(%arg12 : memref<!tpu.dma_semaphore, #tpu.memory_space<semaphore_mem>>)
      %mul3A_175 = arith.constant 16 : i32
      %mul3A_176 = arith.muli %scan3A_20, %mul3A_175 : i32
      %add3A_177 = arith.constant 6 : i32
      %add3A_178 = arith.addi %mul3A_176, %add3A_177 : i32
      %slice3A_179 = vector.extract_strided_slice %get3A_26 {offsets = [6], sizes = [1], strides = [1]} : vector<16xi32> to vector<1xi32>
      %squeeze3A_180 = vector.extract %slice3A_179[0] : i32 from vector<1xi32>
      %dma_start3A_181 = arith.constant 0 : i32
      %dma_start3A_182 = tpu.memref_slice %arg10[%add3A_178, %dma_start3A_181] : memref<256x64xf32, #tpu.memory_space<vmem>> -> memref<1x64xf32, #tpu.memory_space<vmem>>
      %dma_start3A_183 = arith.constant 0 : i32
      %dma_start3A_184 = tpu.memref_slice %arg4[%squeeze3A_180, %dma_start3A_183] : memref<1000000x64xf32, #tpu.memory_space<hbm>> -> memref<1x64xf32, #tpu.memory_space<hbm>>
      %dma_start3A_185 = arith.constant 0 : i32
      %dma_start3A_186 = tpu.memref_slice %arg10[%add3A_178, %dma_start3A_185] : memref<256x64xf32, #tpu.memory_space<vmem>> -> memref<1x64xf32, #tpu.memory_space<vmem>>
      %dma_start3A_187 = arith.constant 0 : i32
      %dma_start3A_188 = tpu.memref_slice %arg4[%squeeze3A_180, %dma_start3A_187] : memref<1000000x64xf32, #tpu.memory_space<hbm>> -> memref<1x64xf32, #tpu.memory_space<hbm>>
      tpu.enqueue_dma source(%dma_start3A_188 : memref<1x64xf32, #tpu.memory_space<hbm>>) target(%dma_start3A_186 : memref<1x64xf32, #tpu.memory_space<vmem>>) target_semaphore(%arg12 : memref<!tpu.dma_semaphore, #tpu.memory_space<semaphore_mem>>)
      %slice3A_189 = vector.extract_strided_slice %get3A_33 {offsets = [6], sizes = [1], strides = [1]} : vector<16xi32> to vector<1xi32>
      %squeeze3A_190 = vector.extract %slice3A_189[0] : i32 from vector<1xi32>
      %dma_start3A_191 = arith.constant 0 : i32
      %dma_start3A_192 = tpu.memref_slice %arg11[%add3A_178, %dma_start3A_191] : memref<256x64xf32, #tpu.memory_space<vmem>> -> memref<1x64xf32, #tpu.memory_space<vmem>>
      %dma_start3A_193 = arith.constant 0 : i32
      %dma_start3A_194 = tpu.memref_slice %arg5[%squeeze3A_190, %dma_start3A_193] : memref<100000x64xf32, #tpu.memory_space<hbm>> -> memref<1x64xf32, #tpu.memory_space<hbm>>
      %dma_start3A_195 = arith.constant 0 : i32
      %dma_start3A_196 = tpu.memref_slice %arg11[%add3A_178, %dma_start3A_195] : memref<256x64xf32, #tpu.memory_space<vmem>> -> memref<1x64xf32, #tpu.memory_space<vmem>>
      %dma_start3A_197 = arith.constant 0 : i32
      %dma_start3A_198 = tpu.memref_slice %arg5[%squeeze3A_190, %dma_start3A_197] : memref<100000x64xf32, #tpu.memory_space<hbm>> -> memref<1x64xf32, #tpu.memory_space<hbm>>
      tpu.enqueue_dma source(%dma_start3A_198 : memref<1x64xf32, #tpu.memory_space<hbm>>) target(%dma_start3A_196 : memref<1x64xf32, #tpu.memory_space<vmem>>) target_semaphore(%arg12 : memref<!tpu.dma_semaphore, #tpu.memory_space<semaphore_mem>>)
      %mul3A_199 = arith.constant 16 : i32
      %mul3A_200 = arith.muli %scan3A_20, %mul3A_199 : i32
      %add3A_201 = arith.constant 7 : i32
      %add3A_202 = arith.addi %mul3A_200, %add3A_201 : i32
      %slice3A_203 = vector.extract_strided_slice %get3A_26 {offsets = [7], sizes = [1], strides = [1]} : vector<16xi32> to vector<1xi32>
      %squeeze3A_204 = vector.extract %slice3A_203[0] : i32 from vector<1xi32>
      %dma_start3A_205 = arith.constant 0 : i32
      %dma_start3A_206 = tpu.memref_slice %arg10[%add3A_202, %dma_start3A_205] : memref<256x64xf32, #tpu.memory_space<vmem>> -> memref<1x64xf32, #tpu.memory_space<vmem>>
      %dma_start3A_207 = arith.constant 0 : i32
      %dma_start3A_208 = tpu.memref_slice %arg4[%squeeze3A_204, %dma_start3A_207] : memref<1000000x64xf32, #tpu.memory_space<hbm>> -> memref<1x64xf32, #tpu.memory_space<hbm>>
      %dma_start3A_209 = arith.constant 0 : i32
      %dma_start3A_210 = tpu.memref_slice %arg10[%add3A_202, %dma_start3A_209] : memref<256x64xf32, #tpu.memory_space<vmem>> -> memref<1x64xf32, #tpu.memory_space<vmem>>
      %dma_start3A_211 = arith.constant 0 : i32
      %dma_start3A_212 = tpu.memref_slice %arg4[%squeeze3A_204, %dma_start3A_211] : memref<1000000x64xf32, #tpu.memory_space<hbm>> -> memref<1x64xf32, #tpu.memory_space<hbm>>
      tpu.enqueue_dma source(%dma_start3A_212 : memref<1x64xf32, #tpu.memory_space<hbm>>) target(%dma_start3A_210 : memref<1x64xf32, #tpu.memory_space<vmem>>) target_semaphore(%arg12 : memref<!tpu.dma_semaphore, #tpu.memory_space<semaphore_mem>>)
      %slice3A_213 = vector.extract_strided_slice %get3A_33 {offsets = [7], sizes = [1], strides = [1]} : vector<16xi32> to vector<1xi32>
      %squeeze3A_214 = vector.extract %slice3A_213[0] : i32 from vector<1xi32>
      %dma_start3A_215 = arith.constant 0 : i32
      %dma_start3A_216 = tpu.memref_slice %arg11[%add3A_202, %dma_start3A_215] : memref<256x64xf32, #tpu.memory_space<vmem>> -> memref<1x64xf32, #tpu.memory_space<vmem>>
      %dma_start3A_217 = arith.constant 0 : i32
      %dma_start3A_218 = tpu.memref_slice %arg5[%squeeze3A_214, %dma_start3A_217] : memref<100000x64xf32, #tpu.memory_space<hbm>> -> memref<1x64xf32, #tpu.memory_space<hbm>>
      %dma_start3A_219 = arith.constant 0 : i32
      %dma_start3A_220 = tpu.memref_slice %arg11[%add3A_202, %dma_start3A_219] : memref<256x64xf32, #tpu.memory_space<vmem>> -> memref<1x64xf32, #tpu.memory_space<vmem>>
      %dma_start3A_221 = arith.constant 0 : i32
      %dma_start3A_222 = tpu.memref_slice %arg5[%squeeze3A_214, %dma_start3A_221] : memref<100000x64xf32, #tpu.memory_space<hbm>> -> memref<1x64xf32, #tpu.memory_space<hbm>>
      tpu.enqueue_dma source(%dma_start3A_222 : memref<1x64xf32, #tpu.memory_space<hbm>>) target(%dma_start3A_220 : memref<1x64xf32, #tpu.memory_space<vmem>>) target_semaphore(%arg12 : memref<!tpu.dma_semaphore, #tpu.memory_space<semaphore_mem>>)
      %mul3A_223 = arith.constant 16 : i32
      %mul3A_224 = arith.muli %scan3A_20, %mul3A_223 : i32
      %add3A_225 = arith.constant 8 : i32
      %add3A_226 = arith.addi %mul3A_224, %add3A_225 : i32
      %slice3A_227 = vector.extract_strided_slice %get3A_26 {offsets = [8], sizes = [1], strides = [1]} : vector<16xi32> to vector<1xi32>
      %squeeze3A_228 = vector.extract %slice3A_227[0] : i32 from vector<1xi32>
      %dma_start3A_229 = arith.constant 0 : i32
      %dma_start3A_230 = tpu.memref_slice %arg10[%add3A_226, %dma_start3A_229] : memref<256x64xf32, #tpu.memory_space<vmem>> -> memref<1x64xf32, #tpu.memory_space<vmem>>
      %dma_start3A_231 = arith.constant 0 : i32
      %dma_start3A_232 = tpu.memref_slice %arg4[%squeeze3A_228, %dma_start3A_231] : memref<1000000x64xf32, #tpu.memory_space<hbm>> -> memref<1x64xf32, #tpu.memory_space<hbm>>
      %dma_start3A_233 = arith.constant 0 : i32
      %dma_start3A_234 = tpu.memref_slice %arg10[%add3A_226, %dma_start3A_233] : memref<256x64xf32, #tpu.memory_space<vmem>> -> memref<1x64xf32, #tpu.memory_space<vmem>>
      %dma_start3A_235 = arith.constant 0 : i32
      %dma_start3A_236 = tpu.memref_slice %arg4[%squeeze3A_228, %dma_start3A_235] : memref<1000000x64xf32, #tpu.memory_space<hbm>> -> memref<1x64xf32, #tpu.memory_space<hbm>>
      tpu.enqueue_dma source(%dma_start3A_236 : memref<1x64xf32, #tpu.memory_space<hbm>>) target(%dma_start3A_234 : memref<1x64xf32, #tpu.memory_space<vmem>>) target_semaphore(%arg12 : memref<!tpu.dma_semaphore, #tpu.memory_space<semaphore_mem>>)
      %slice3A_237 = vector.extract_strided_slice %get3A_33 {offsets = [8], sizes = [1], strides = [1]} : vector<16xi32> to vector<1xi32>
      %squeeze3A_238 = vector.extract %slice3A_237[0] : i32 from vector<1xi32>
      %dma_start3A_239 = arith.constant 0 : i32
      %dma_start3A_240 = tpu.memref_slice %arg11[%add3A_226, %dma_start3A_239] : memref<256x64xf32, #tpu.memory_space<vmem>> -> memref<1x64xf32, #tpu.memory_space<vmem>>
      %dma_start3A_241 = arith.constant 0 : i32
      %dma_start3A_242 = tpu.memref_slice %arg5[%squeeze3A_238, %dma_start3A_241] : memref<100000x64xf32, #tpu.memory_space<hbm>> -> memref<1x64xf32, #tpu.memory_space<hbm>>
      %dma_start3A_243 = arith.constant 0 : i32
      %dma_start3A_244 = tpu.memref_slice %arg11[%add3A_226, %dma_start3A_243] : memref<256x64xf32, #tpu.memory_space<vmem>> -> memref<1x64xf32, #tpu.memory_space<vmem>>
      %dma_start3A_245 = arith.constant 0 : i32
      %dma_start3A_246 = tpu.memref_slice %arg5[%squeeze3A_238, %dma_start3A_245] : memref<100000x64xf32, #tpu.memory_space<hbm>> -> memref<1x64xf32, #tpu.memory_space<hbm>>
      tpu.enqueue_dma source(%dma_start3A_246 : memref<1x64xf32, #tpu.memory_space<hbm>>) target(%dma_start3A_244 : memref<1x64xf32, #tpu.memory_space<vmem>>) target_semaphore(%arg12 : memref<!tpu.dma_semaphore, #tpu.memory_space<semaphore_mem>>)
      %mul3A_247 = arith.constant 16 : i32
      %mul3A_248 = arith.muli %scan3A_20, %mul3A_247 : i32
      %add3A_249 = arith.constant 9 : i32
      %add3A_250 = arith.addi %mul3A_248, %add3A_249 : i32
      %slice3A_251 = vector.extract_strided_slice %get3A_26 {offsets = [9], sizes = [1], strides = [1]} : vector<16xi32> to vector<1xi32>
      %squeeze3A_252 = vector.extract %slice3A_251[0] : i32 from vector<1xi32>
      %dma_start3A_253 = arith.constant 0 : i32
      %dma_start3A_254 = tpu.memref_slice %arg10[%add3A_250, %dma_start3A_253] : memref<256x64xf32, #tpu.memory_space<vmem>> -> memref<1x64xf32, #tpu.memory_space<vmem>>
      %dma_start3A_255 = arith.constant 0 : i32
      %dma_start3A_256 = tpu.memref_slice %arg4[%squeeze3A_252, %dma_start3A_255] : memref<1000000x64xf32, #tpu.memory_space<hbm>> -> memref<1x64xf32, #tpu.memory_space<hbm>>
      %dma_start3A_257 = arith.constant 0 : i32
      %dma_start3A_258 = tpu.memref_slice %arg10[%add3A_250, %dma_start3A_257] : memref<256x64xf32, #tpu.memory_space<vmem>> -> memref<1x64xf32, #tpu.memory_space<vmem>>
      %dma_start3A_259 = arith.constant 0 : i32
      %dma_start3A_260 = tpu.memref_slice %arg4[%squeeze3A_252, %dma_start3A_259] : memref<1000000x64xf32, #tpu.memory_space<hbm>> -> memref<1x64xf32, #tpu.memory_space<hbm>>
      tpu.enqueue_dma source(%dma_start3A_260 : memref<1x64xf32, #tpu.memory_space<hbm>>) target(%dma_start3A_258 : memref<1x64xf32, #tpu.memory_space<vmem>>) target_semaphore(%arg12 : memref<!tpu.dma_semaphore, #tpu.memory_space<semaphore_mem>>)
      %slice3A_261 = vector.extract_strided_slice %get3A_33 {offsets = [9], sizes = [1], strides = [1]} : vector<16xi32> to vector<1xi32>
      %squeeze3A_262 = vector.extract %slice3A_261[0] : i32 from vector<1xi32>
      %dma_start3A_263 = arith.constant 0 : i32
      %dma_start3A_264 = tpu.memref_slice %arg11[%add3A_250, %dma_start3A_263] : memref<256x64xf32, #tpu.memory_space<vmem>> -> memref<1x64xf32, #tpu.memory_space<vmem>>
      %dma_start3A_265 = arith.constant 0 : i32
      %dma_start3A_266 = tpu.memref_slice %arg5[%squeeze3A_262, %dma_start3A_265] : memref<100000x64xf32, #tpu.memory_space<hbm>> -> memref<1x64xf32, #tpu.memory_space<hbm>>
      %dma_start3A_267 = arith.constant 0 : i32
      %dma_start3A_268 = tpu.memref_slice %arg11[%add3A_250, %dma_start3A_267] : memref<256x64xf32, #tpu.memory_space<vmem>> -> memref<1x64xf32, #tpu.memory_space<vmem>>
      %dma_start3A_269 = arith.constant 0 : i32
      %dma_start3A_270 = tpu.memref_slice %arg5[%squeeze3A_262, %dma_start3A_269] : memref<100000x64xf32, #tpu.memory_space<hbm>> -> memref<1x64xf32, #tpu.memory_space<hbm>>
      tpu.enqueue_dma source(%dma_start3A_270 : memref<1x64xf32, #tpu.memory_space<hbm>>) target(%dma_start3A_268 : memref<1x64xf32, #tpu.memory_space<vmem>>) target_semaphore(%arg12 : memref<!tpu.dma_semaphore, #tpu.memory_space<semaphore_mem>>)
      %mul3A_271 = arith.constant 16 : i32
      %mul3A_272 = arith.muli %scan3A_20, %mul3A_271 : i32
      %add3A_273 = arith.constant 10 : i32
      %add3A_274 = arith.addi %mul3A_272, %add3A_273 : i32
      %slice3A_275 = vector.extract_strided_slice %get3A_26 {offsets = [10], sizes = [1], strides = [1]} : vector<16xi32> to vector<1xi32>
      %squeeze3A_276 = vector.extract %slice3A_275[0] : i32 from vector<1xi32>
      %dma_start3A_277 = arith.constant 0 : i32
      %dma_start3A_278 = tpu.memref_slice %arg10[%add3A_274, %dma_start3A_277] : memref<256x64xf32, #tpu.memory_space<vmem>> -> memref<1x64xf32, #tpu.memory_space<vmem>>
      %dma_start3A_279 = arith.constant 0 : i32
      %dma_start3A_280 = tpu.memref_slice %arg4[%squeeze3A_276, %dma_start3A_279] : memref<1000000x64xf32, #tpu.memory_space<hbm>> -> memref<1x64xf32, #tpu.memory_space<hbm>>
      %dma_start3A_281 = arith.constant 0 : i32
      %dma_start3A_282 = tpu.memref_slice %arg10[%add3A_274, %dma_start3A_281] : memref<256x64xf32, #tpu.memory_space<vmem>> -> memref<1x64xf32, #tpu.memory_space<vmem>>
      %dma_start3A_283 = arith.constant 0 : i32
      %dma_start3A_284 = tpu.memref_slice %arg4[%squeeze3A_276, %dma_start3A_283] : memref<1000000x64xf32, #tpu.memory_space<hbm>> -> memref<1x64xf32, #tpu.memory_space<hbm>>
      tpu.enqueue_dma source(%dma_start3A_284 : memref<1x64xf32, #tpu.memory_space<hbm>>) target(%dma_start3A_282 : memref<1x64xf32, #tpu.memory_space<vmem>>) target_semaphore(%arg12 : memref<!tpu.dma_semaphore, #tpu.memory_space<semaphore_mem>>)
      %slice3A_285 = vector.extract_strided_slice %get3A_33 {offsets = [10], sizes = [1], strides = [1]} : vector<16xi32> to vector<1xi32>
      %squeeze3A_286 = vector.extract %slice3A_285[0] : i32 from vector<1xi32>
      %dma_start3A_287 = arith.constant 0 : i32
      %dma_start3A_288 = tpu.memref_slice %arg11[%add3A_274, %dma_start3A_287] : memref<256x64xf32, #tpu.memory_space<vmem>> -> memref<1x64xf32, #tpu.memory_space<vmem>>
      %dma_start3A_289 = arith.constant 0 : i32
      %dma_start3A_290 = tpu.memref_slice %arg5[%squeeze3A_286, %dma_start3A_289] : memref<100000x64xf32, #tpu.memory_space<hbm>> -> memref<1x64xf32, #tpu.memory_space<hbm>>
      %dma_start3A_291 = arith.constant 0 : i32
      %dma_start3A_292 = tpu.memref_slice %arg11[%add3A_274, %dma_start3A_291] : memref<256x64xf32, #tpu.memory_space<vmem>> -> memref<1x64xf32, #tpu.memory_space<vmem>>
      %dma_start3A_293 = arith.constant 0 : i32
      %dma_start3A_294 = tpu.memref_slice %arg5[%squeeze3A_286, %dma_start3A_293] : memref<100000x64xf32, #tpu.memory_space<hbm>> -> memref<1x64xf32, #tpu.memory_space<hbm>>
      tpu.enqueue_dma source(%dma_start3A_294 : memref<1x64xf32, #tpu.memory_space<hbm>>) target(%dma_start3A_292 : memref<1x64xf32, #tpu.memory_space<vmem>>) target_semaphore(%arg12 : memref<!tpu.dma_semaphore, #tpu.memory_space<semaphore_mem>>)
      %mul3A_295 = arith.constant 16 : i32
      %mul3A_296 = arith.muli %scan3A_20, %mul3A_295 : i32
      %add3A_297 = arith.constant 11 : i32
      %add3A_298 = arith.addi %mul3A_296, %add3A_297 : i32
      %slice3A_299 = vector.extract_strided_slice %get3A_26 {offsets = [11], sizes = [1], strides = [1]} : vector<16xi32> to vector<1xi32>
      %squeeze3A_300 = vector.extract %slice3A_299[0] : i32 from vector<1xi32>
      %dma_start3A_301 = arith.constant 0 : i32
      %dma_start3A_302 = tpu.memref_slice %arg10[%add3A_298, %dma_start3A_301] : memref<256x64xf32, #tpu.memory_space<vmem>> -> memref<1x64xf32, #tpu.memory_space<vmem>>
      %dma_start3A_303 = arith.constant 0 : i32
      %dma_start3A_304 = tpu.memref_slice %arg4[%squeeze3A_300, %dma_start3A_303] : memref<1000000x64xf32, #tpu.memory_space<hbm>> -> memref<1x64xf32, #tpu.memory_space<hbm>>
      %dma_start3A_305 = arith.constant 0 : i32
      %dma_start3A_306 = tpu.memref_slice %arg10[%add3A_298, %dma_start3A_305] : memref<256x64xf32, #tpu.memory_space<vmem>> -> memref<1x64xf32, #tpu.memory_space<vmem>>
      %dma_start3A_307 = arith.constant 0 : i32
      %dma_start3A_308 = tpu.memref_slice %arg4[%squeeze3A_300, %dma_start3A_307] : memref<1000000x64xf32, #tpu.memory_space<hbm>> -> memref<1x64xf32, #tpu.memory_space<hbm>>
      tpu.enqueue_dma source(%dma_start3A_308 : memref<1x64xf32, #tpu.memory_space<hbm>>) target(%dma_start3A_306 : memref<1x64xf32, #tpu.memory_space<vmem>>) target_semaphore(%arg12 : memref<!tpu.dma_semaphore, #tpu.memory_space<semaphore_mem>>)
      %slice3A_309 = vector.extract_strided_slice %get3A_33 {offsets = [11], sizes = [1], strides = [1]} : vector<16xi32> to vector<1xi32>
      %squeeze3A_310 = vector.extract %slice3A_309[0] : i32 from vector<1xi32>
      %dma_start3A_311 = arith.constant 0 : i32
      %dma_start3A_312 = tpu.memref_slice %arg11[%add3A_298, %dma_start3A_311] : memref<256x64xf32, #tpu.memory_space<vmem>> -> memref<1x64xf32, #tpu.memory_space<vmem>>
      %dma_start3A_313 = arith.constant 0 : i32
      %dma_start3A_314 = tpu.memref_slice %arg5[%squeeze3A_310, %dma_start3A_313] : memref<100000x64xf32, #tpu.memory_space<hbm>> -> memref<1x64xf32, #tpu.memory_space<hbm>>
      %dma_start3A_315 = arith.constant 0 : i32
      %dma_start3A_316 = tpu.memref_slice %arg11[%add3A_298, %dma_start3A_315] : memref<256x64xf32, #tpu.memory_space<vmem>> -> memref<1x64xf32, #tpu.memory_space<vmem>>
      %dma_start3A_317 = arith.constant 0 : i32
      %dma_start3A_318 = tpu.memref_slice %arg5[%squeeze3A_310, %dma_start3A_317] : memref<100000x64xf32, #tpu.memory_space<hbm>> -> memref<1x64xf32, #tpu.memory_space<hbm>>
      tpu.enqueue_dma source(%dma_start3A_318 : memref<1x64xf32, #tpu.memory_space<hbm>>) target(%dma_start3A_316 : memref<1x64xf32, #tpu.memory_space<vmem>>) target_semaphore(%arg12 : memref<!tpu.dma_semaphore, #tpu.memory_space<semaphore_mem>>)
      %mul3A_319 = arith.constant 16 : i32
      %mul3A_320 = arith.muli %scan3A_20, %mul3A_319 : i32
      %add3A_321 = arith.constant 12 : i32
      %add3A_322 = arith.addi %mul3A_320, %add3A_321 : i32
      %slice3A_323 = vector.extract_strided_slice %get3A_26 {offsets = [12], sizes = [1], strides = [1]} : vector<16xi32> to vector<1xi32>
      %squeeze3A_324 = vector.extract %slice3A_323[0] : i32 from vector<1xi32>
      %dma_start3A_325 = arith.constant 0 : i32
      %dma_start3A_326 = tpu.memref_slice %arg10[%add3A_322, %dma_start3A_325] : memref<256x64xf32, #tpu.memory_space<vmem>> -> memref<1x64xf32, #tpu.memory_space<vmem>>
      %dma_start3A_327 = arith.constant 0 : i32
      %dma_start3A_328 = tpu.memref_slice %arg4[%squeeze3A_324, %dma_start3A_327] : memref<1000000x64xf32, #tpu.memory_space<hbm>> -> memref<1x64xf32, #tpu.memory_space<hbm>>
      %dma_start3A_329 = arith.constant 0 : i32
      %dma_start3A_330 = tpu.memref_slice %arg10[%add3A_322, %dma_start3A_329] : memref<256x64xf32, #tpu.memory_space<vmem>> -> memref<1x64xf32, #tpu.memory_space<vmem>>
      %dma_start3A_331 = arith.constant 0 : i32
      %dma_start3A_332 = tpu.memref_slice %arg4[%squeeze3A_324, %dma_start3A_331] : memref<1000000x64xf32, #tpu.memory_space<hbm>> -> memref<1x64xf32, #tpu.memory_space<hbm>>
      tpu.enqueue_dma source(%dma_start3A_332 : memref<1x64xf32, #tpu.memory_space<hbm>>) target(%dma_start3A_330 : memref<1x64xf32, #tpu.memory_space<vmem>>) target_semaphore(%arg12 : memref<!tpu.dma_semaphore, #tpu.memory_space<semaphore_mem>>)
      %slice3A_333 = vector.extract_strided_slice %get3A_33 {offsets = [12], sizes = [1], strides = [1]} : vector<16xi32> to vector<1xi32>
      %squeeze3A_334 = vector.extract %slice3A_333[0] : i32 from vector<1xi32>
      %dma_start3A_335 = arith.constant 0 : i32
      %dma_start3A_336 = tpu.memref_slice %arg11[%add3A_322, %dma_start3A_335] : memref<256x64xf32, #tpu.memory_space<vmem>> -> memref<1x64xf32, #tpu.memory_space<vmem>>
      %dma_start3A_337 = arith.constant 0 : i32
      %dma_start3A_338 = tpu.memref_slice %arg5[%squeeze3A_334, %dma_start3A_337] : memref<100000x64xf32, #tpu.memory_space<hbm>> -> memref<1x64xf32, #tpu.memory_space<hbm>>
      %dma_start3A_339 = arith.constant 0 : i32
      %dma_start3A_340 = tpu.memref_slice %arg11[%add3A_322, %dma_start3A_339] : memref<256x64xf32, #tpu.memory_space<vmem>> -> memref<1x64xf32, #tpu.memory_space<vmem>>
      %dma_start3A_341 = arith.constant 0 : i32
      %dma_start3A_342 = tpu.memref_slice %arg5[%squeeze3A_334, %dma_start3A_341] : memref<100000x64xf32, #tpu.memory_space<hbm>> -> memref<1x64xf32, #tpu.memory_space<hbm>>
      tpu.enqueue_dma source(%dma_start3A_342 : memref<1x64xf32, #tpu.memory_space<hbm>>) target(%dma_start3A_340 : memref<1x64xf32, #tpu.memory_space<vmem>>) target_semaphore(%arg12 : memref<!tpu.dma_semaphore, #tpu.memory_space<semaphore_mem>>)
      %mul3A_343 = arith.constant 16 : i32
      %mul3A_344 = arith.muli %scan3A_20, %mul3A_343 : i32
      %add3A_345 = arith.constant 13 : i32
      %add3A_346 = arith.addi %mul3A_344, %add3A_345 : i32
      %slice3A_347 = vector.extract_strided_slice %get3A_26 {offsets = [13], sizes = [1], strides = [1]} : vector<16xi32> to vector<1xi32>
      %squeeze3A_348 = vector.extract %slice3A_347[0] : i32 from vector<1xi32>
      %dma_start3A_349 = arith.constant 0 : i32
      %dma_start3A_350 = tpu.memref_slice %arg10[%add3A_346, %dma_start3A_349] : memref<256x64xf32, #tpu.memory_space<vmem>> -> memref<1x64xf32, #tpu.memory_space<vmem>>
      %dma_start3A_351 = arith.constant 0 : i32
      %dma_start3A_352 = tpu.memref_slice %arg4[%squeeze3A_348, %dma_start3A_351] : memref<1000000x64xf32, #tpu.memory_space<hbm>> -> memref<1x64xf32, #tpu.memory_space<hbm>>
      %dma_start3A_353 = arith.constant 0 : i32
      %dma_start3A_354 = tpu.memref_slice %arg10[%add3A_346, %dma_start3A_353] : memref<256x64xf32, #tpu.memory_space<vmem>> -> memref<1x64xf32, #tpu.memory_space<vmem>>
      %dma_start3A_355 = arith.constant 0 : i32
      %dma_start3A_356 = tpu.memref_slice %arg4[%squeeze3A_348, %dma_start3A_355] : memref<1000000x64xf32, #tpu.memory_space<hbm>> -> memref<1x64xf32, #tpu.memory_space<hbm>>
      tpu.enqueue_dma source(%dma_start3A_356 : memref<1x64xf32, #tpu.memory_space<hbm>>) target(%dma_start3A_354 : memref<1x64xf32, #tpu.memory_space<vmem>>) target_semaphore(%arg12 : memref<!tpu.dma_semaphore, #tpu.memory_space<semaphore_mem>>)
      %slice3A_357 = vector.extract_strided_slice %get3A_33 {offsets = [13], sizes = [1], strides = [1]} : vector<16xi32> to vector<1xi32>
      %squeeze3A_358 = vector.extract %slice3A_357[0] : i32 from vector<1xi32>
      %dma_start3A_359 = arith.constant 0 : i32
      %dma_start3A_360 = tpu.memref_slice %arg11[%add3A_346, %dma_start3A_359] : memref<256x64xf32, #tpu.memory_space<vmem>> -> memref<1x64xf32, #tpu.memory_space<vmem>>
      %dma_start3A_361 = arith.constant 0 : i32
      %dma_start3A_362 = tpu.memref_slice %arg5[%squeeze3A_358, %dma_start3A_361] : memref<100000x64xf32, #tpu.memory_space<hbm>> -> memref<1x64xf32, #tpu.memory_space<hbm>>
      %dma_start3A_363 = arith.constant 0 : i32
      %dma_start3A_364 = tpu.memref_slice %arg11[%add3A_346, %dma_start3A_363] : memref<256x64xf32, #tpu.memory_space<vmem>> -> memref<1x64xf32, #tpu.memory_space<vmem>>
      %dma_start3A_365 = arith.constant 0 : i32
      %dma_start3A_366 = tpu.memref_slice %arg5[%squeeze3A_358, %dma_start3A_365] : memref<100000x64xf32, #tpu.memory_space<hbm>> -> memref<1x64xf32, #tpu.memory_space<hbm>>
      tpu.enqueue_dma source(%dma_start3A_366 : memref<1x64xf32, #tpu.memory_space<hbm>>) target(%dma_start3A_364 : memref<1x64xf32, #tpu.memory_space<vmem>>) target_semaphore(%arg12 : memref<!tpu.dma_semaphore, #tpu.memory_space<semaphore_mem>>)
      %mul3A_367 = arith.constant 16 : i32
      %mul3A_368 = arith.muli %scan3A_20, %mul3A_367 : i32
      %add3A_369 = arith.constant 14 : i32
      %add3A_370 = arith.addi %mul3A_368, %add3A_369 : i32
      %slice3A_371 = vector.extract_strided_slice %get3A_26 {offsets = [14], sizes = [1], strides = [1]} : vector<16xi32> to vector<1xi32>
      %squeeze3A_372 = vector.extract %slice3A_371[0] : i32 from vector<1xi32>
      %dma_start3A_373 = arith.constant 0 : i32
      %dma_start3A_374 = tpu.memref_slice %arg10[%add3A_370, %dma_start3A_373] : memref<256x64xf32, #tpu.memory_space<vmem>> -> memref<1x64xf32, #tpu.memory_space<vmem>>
      %dma_start3A_375 = arith.constant 0 : i32
      %dma_start3A_376 = tpu.memref_slice %arg4[%squeeze3A_372, %dma_start3A_375] : memref<1000000x64xf32, #tpu.memory_space<hbm>> -> memref<1x64xf32, #tpu.memory_space<hbm>>
      %dma_start3A_377 = arith.constant 0 : i32
      %dma_start3A_378 = tpu.memref_slice %arg10[%add3A_370, %dma_start3A_377] : memref<256x64xf32, #tpu.memory_space<vmem>> -> memref<1x64xf32, #tpu.memory_space<vmem>>
      %dma_start3A_379 = arith.constant 0 : i32
      %dma_start3A_380 = tpu.memref_slice %arg4[%squeeze3A_372, %dma_start3A_379] : memref<1000000x64xf32, #tpu.memory_space<hbm>> -> memref<1x64xf32, #tpu.memory_space<hbm>>
      tpu.enqueue_dma source(%dma_start3A_380 : memref<1x64xf32, #tpu.memory_space<hbm>>) target(%dma_start3A_378 : memref<1x64xf32, #tpu.memory_space<vmem>>) target_semaphore(%arg12 : memref<!tpu.dma_semaphore, #tpu.memory_space<semaphore_mem>>)
      %slice3A_381 = vector.extract_strided_slice %get3A_33 {offsets = [14], sizes = [1], strides = [1]} : vector<16xi32> to vector<1xi32>
      %squeeze3A_382 = vector.extract %slice3A_381[0] : i32 from vector<1xi32>
      %dma_start3A_383 = arith.constant 0 : i32
      %dma_start3A_384 = tpu.memref_slice %arg11[%add3A_370, %dma_start3A_383] : memref<256x64xf32, #tpu.memory_space<vmem>> -> memref<1x64xf32, #tpu.memory_space<vmem>>
      %dma_start3A_385 = arith.constant 0 : i32
      %dma_start3A_386 = tpu.memref_slice %arg5[%squeeze3A_382, %dma_start3A_385] : memref<100000x64xf32, #tpu.memory_space<hbm>> -> memref<1x64xf32, #tpu.memory_space<hbm>>
      %dma_start3A_387 = arith.constant 0 : i32
      %dma_start3A_388 = tpu.memref_slice %arg11[%add3A_370, %dma_start3A_387] : memref<256x64xf32, #tpu.memory_space<vmem>> -> memref<1x64xf32, #tpu.memory_space<vmem>>
      %dma_start3A_389 = arith.constant 0 : i32
      %dma_start3A_390 = tpu.memref_slice %arg5[%squeeze3A_382, %dma_start3A_389] : memref<100000x64xf32, #tpu.memory_space<hbm>> -> memref<1x64xf32, #tpu.memory_space<hbm>>
      tpu.enqueue_dma source(%dma_start3A_390 : memref<1x64xf32, #tpu.memory_space<hbm>>) target(%dma_start3A_388 : memref<1x64xf32, #tpu.memory_space<vmem>>) target_semaphore(%arg12 : memref<!tpu.dma_semaphore, #tpu.memory_space<semaphore_mem>>)
      %mul3A_391 = arith.constant 16 : i32
      %mul3A_392 = arith.muli %scan3A_20, %mul3A_391 : i32
      %add3A_393 = arith.constant 15 : i32
      %add3A_394 = arith.addi %mul3A_392, %add3A_393 : i32
      %slice3A_395 = vector.extract_strided_slice %get3A_26 {offsets = [15], sizes = [1], strides = [1]} : vector<16xi32> to vector<1xi32>
      %squeeze3A_396 = vector.extract %slice3A_395[0] : i32 from vector<1xi32>
      %dma_start3A_397 = arith.constant 0 : i32
      %dma_start3A_398 = tpu.memref_slice %arg10[%add3A_394, %dma_start3A_397] : memref<256x64xf32, #tpu.memory_space<vmem>> -> memref<1x64xf32, #tpu.memory_space<vmem>>
      %dma_start3A_399 = arith.constant 0 : i32
      %dma_start3A_400 = tpu.memref_slice %arg4[%squeeze3A_396, %dma_start3A_399] : memref<1000000x64xf32, #tpu.memory_space<hbm>> -> memref<1x64xf32, #tpu.memory_space<hbm>>
      %dma_start3A_401 = arith.constant 0 : i32
      %dma_start3A_402 = tpu.memref_slice %arg10[%add3A_394, %dma_start3A_401] : memref<256x64xf32, #tpu.memory_space<vmem>> -> memref<1x64xf32, #tpu.memory_space<vmem>>
      %dma_start3A_403 = arith.constant 0 : i32
      %dma_start3A_404 = tpu.memref_slice %arg4[%squeeze3A_396, %dma_start3A_403] : memref<1000000x64xf32, #tpu.memory_space<hbm>> -> memref<1x64xf32, #tpu.memory_space<hbm>>
      tpu.enqueue_dma source(%dma_start3A_404 : memref<1x64xf32, #tpu.memory_space<hbm>>) target(%dma_start3A_402 : memref<1x64xf32, #tpu.memory_space<vmem>>) target_semaphore(%arg12 : memref<!tpu.dma_semaphore, #tpu.memory_space<semaphore_mem>>)
      %slice3A_405 = vector.extract_strided_slice %get3A_33 {offsets = [15], sizes = [1], strides = [1]} : vector<16xi32> to vector<1xi32>
      %squeeze3A_406 = vector.extract %slice3A_405[0] : i32 from vector<1xi32>
      %dma_start3A_407 = arith.constant 0 : i32
      %dma_start3A_408 = tpu.memref_slice %arg11[%add3A_394, %dma_start3A_407] : memref<256x64xf32, #tpu.memory_space<vmem>> -> memref<1x64xf32, #tpu.memory_space<vmem>>
      %dma_start3A_409 = arith.constant 0 : i32
      %dma_start3A_410 = tpu.memref_slice %arg5[%squeeze3A_406, %dma_start3A_409] : memref<100000x64xf32, #tpu.memory_space<hbm>> -> memref<1x64xf32, #tpu.memory_space<hbm>>
      %dma_start3A_411 = arith.constant 0 : i32
      %dma_start3A_412 = tpu.memref_slice %arg11[%add3A_394, %dma_start3A_411] : memref<256x64xf32, #tpu.memory_space<vmem>> -> memref<1x64xf32, #tpu.memory_space<vmem>>
      %dma_start3A_413 = arith.constant 0 : i32
      %dma_start3A_414 = tpu.memref_slice %arg5[%squeeze3A_406, %dma_start3A_413] : memref<100000x64xf32, #tpu.memory_space<hbm>> -> memref<1x64xf32, #tpu.memory_space<hbm>>
      tpu.enqueue_dma source(%dma_start3A_414 : memref<1x64xf32, #tpu.memory_space<hbm>>) target(%dma_start3A_412 : memref<1x64xf32, #tpu.memory_space<vmem>>) target_semaphore(%arg12 : memref<!tpu.dma_semaphore, #tpu.memory_space<semaphore_mem>>)
      %dma_wait3A = arith.constant 0 : i32
      %dma_wait3A_415 = tpu.memref_slice %arg10[%add3A_37, %dma_wait3A] : memref<256x64xf32, #tpu.memory_space<vmem>> -> memref<1x64xf32, #tpu.memory_space<vmem>>
      %dma_wait3A_416 = arith.constant 0 : i32
      %dma_wait3A_417 = tpu.memref_slice %arg4[%squeeze3A, %dma_wait3A_416] : memref<1000000x64xf32, #tpu.memory_space<hbm>> -> memref<1x64xf32, #tpu.memory_space<hbm>>
      %dma_wait3A_418 = arith.constant 0 : i32
      %dma_wait3A_419 = tpu.memref_slice %arg10[%add3A_37, %dma_wait3A_418] : memref<256x64xf32, #tpu.memory_space<vmem>> -> memref<1x64xf32, #tpu.memory_space<vmem>>
      %dma_wait3A_420 = arith.constant 0 : i32
      %dma_wait3A_421 = tpu.memref_slice %arg4[%squeeze3A, %dma_wait3A_420] : memref<1000000x64xf32, #tpu.memory_space<hbm>> -> memref<1x64xf32, #tpu.memory_space<hbm>>
      tpu.wait_dma2 semaphore(%arg12 : memref<!tpu.dma_semaphore, #tpu.memory_space<semaphore_mem>>) src(%dma_wait3A_421 : memref<1x64xf32, #tpu.memory_space<hbm>>) dst(%dma_wait3A_419 : memref<1x64xf32, #tpu.memory_space<vmem>>)
      %dma_wait3A_422 = arith.constant 0 : i32
      %dma_wait3A_423 = tpu.memref_slice %arg11[%add3A_37, %dma_wait3A_422] : memref<256x64xf32, #tpu.memory_space<vmem>> -> memref<1x64xf32, #tpu.memory_space<vmem>>
      %dma_wait3A_424 = arith.constant 0 : i32
      %dma_wait3A_425 = tpu.memref_slice %arg5[%squeeze3A_46, %dma_wait3A_424] : memref<100000x64xf32, #tpu.memory_space<hbm>> -> memref<1x64xf32, #tpu.memory_space<hbm>>
      %dma_wait3A_426 = arith.constant 0 : i32
      %dma_wait3A_427 = tpu.memref_slice %arg11[%add3A_37, %dma_wait3A_426] : memref<256x64xf32, #tpu.memory_space<vmem>> -> memref<1x64xf32, #tpu.memory_space<vmem>>
      %dma_wait3A_428 = arith.constant 0 : i32
      %dma_wait3A_429 = tpu.memref_slice %arg5[%squeeze3A_46, %dma_wait3A_428] : memref<100000x64xf32, #tpu.memory_space<hbm>> -> memref<1x64xf32, #tpu.memory_space<hbm>>
      tpu.wait_dma2 semaphore(%arg12 : memref<!tpu.dma_semaphore, #tpu.memory_space<semaphore_mem>>) src(%dma_wait3A_429 : memref<1x64xf32, #tpu.memory_space<hbm>>) dst(%dma_wait3A_427 : memref<1x64xf32, #tpu.memory_space<vmem>>)
      %dma_wait3A_430 = arith.constant 0 : i32
      %dma_wait3A_431 = tpu.memref_slice %arg10[%add3A_58, %dma_wait3A_430] : memref<256x64xf32, #tpu.memory_space<vmem>> -> memref<1x64xf32, #tpu.memory_space<vmem>>
      %dma_wait3A_432 = arith.constant 0 : i32
      %dma_wait3A_433 = tpu.memref_slice %arg4[%squeeze3A_60, %dma_wait3A_432] : memref<1000000x64xf32, #tpu.memory_space<hbm>> -> memref<1x64xf32, #tpu.memory_space<hbm>>
      %dma_wait3A_434 = arith.constant 0 : i32
      %dma_wait3A_435 = tpu.memref_slice %arg10[%add3A_58, %dma_wait3A_434] : memref<256x64xf32, #tpu.memory_space<vmem>> -> memref<1x64xf32, #tpu.memory_space<vmem>>
      %dma_wait3A_436 = arith.constant 0 : i32
      %dma_wait3A_437 = tpu.memref_slice %arg4[%squeeze3A_60, %dma_wait3A_436] : memref<1000000x64xf32, #tpu.memory_space<hbm>> -> memref<1x64xf32, #tpu.memory_space<hbm>>
      tpu.wait_dma2 semaphore(%arg12 : memref<!tpu.dma_semaphore, #tpu.memory_space<semaphore_mem>>) src(%dma_wait3A_437 : memref<1x64xf32, #tpu.memory_space<hbm>>) dst(%dma_wait3A_435 : memref<1x64xf32, #tpu.memory_space<vmem>>)
      %dma_wait3A_438 = arith.constant 0 : i32
      %dma_wait3A_439 = tpu.memref_slice %arg11[%add3A_58, %dma_wait3A_438] : memref<256x64xf32, #tpu.memory_space<vmem>> -> memref<1x64xf32, #tpu.memory_space<vmem>>
      %dma_wait3A_440 = arith.constant 0 : i32
      %dma_wait3A_441 = tpu.memref_slice %arg5[%squeeze3A_70, %dma_wait3A_440] : memref<100000x64xf32, #tpu.memory_space<hbm>> -> memref<1x64xf32, #tpu.memory_space<hbm>>
      %dma_wait3A_442 = arith.constant 0 : i32
      %dma_wait3A_443 = tpu.memref_slice %arg11[%add3A_58, %dma_wait3A_442] : memref<256x64xf32, #tpu.memory_space<vmem>> -> memref<1x64xf32, #tpu.memory_space<vmem>>
      %dma_wait3A_444 = arith.constant 0 : i32
      %dma_wait3A_445 = tpu.memref_slice %arg5[%squeeze3A_70, %dma_wait3A_444] : memref<100000x64xf32, #tpu.memory_space<hbm>> -> memref<1x64xf32, #tpu.memory_space<hbm>>
      tpu.wait_dma2 semaphore(%arg12 : memref<!tpu.dma_semaphore, #tpu.memory_space<semaphore_mem>>) src(%dma_wait3A_445 : memref<1x64xf32, #tpu.memory_space<hbm>>) dst(%dma_wait3A_443 : memref<1x64xf32, #tpu.memory_space<vmem>>)
      %dma_wait3A_446 = arith.constant 0 : i32
      %dma_wait3A_447 = tpu.memref_slice %arg10[%add3A_82, %dma_wait3A_446] : memref<256x64xf32, #tpu.memory_space<vmem>> -> memref<1x64xf32, #tpu.memory_space<vmem>>
      %dma_wait3A_448 = arith.constant 0 : i32
      %dma_wait3A_449 = tpu.memref_slice %arg4[%squeeze3A_84, %dma_wait3A_448] : memref<1000000x64xf32, #tpu.memory_space<hbm>> -> memref<1x64xf32, #tpu.memory_space<hbm>>
      %dma_wait3A_450 = arith.constant 0 : i32
      %dma_wait3A_451 = tpu.memref_slice %arg10[%add3A_82, %dma_wait3A_450] : memref<256x64xf32, #tpu.memory_space<vmem>> -> memref<1x64xf32, #tpu.memory_space<vmem>>
      %dma_wait3A_452 = arith.constant 0 : i32
      %dma_wait3A_453 = tpu.memref_slice %arg4[%squeeze3A_84, %dma_wait3A_452] : memref<1000000x64xf32, #tpu.memory_space<hbm>> -> memref<1x64xf32, #tpu.memory_space<hbm>>
      tpu.wait_dma2 semaphore(%arg12 : memref<!tpu.dma_semaphore, #tpu.memory_space<semaphore_mem>>) src(%dma_wait3A_453 : memref<1x64xf32, #tpu.memory_space<hbm>>) dst(%dma_wait3A_451 : memref<1x64xf32, #tpu.memory_space<vmem>>)
      %dma_wait3A_454 = arith.constant 0 : i32
      %dma_wait3A_455 = tpu.memref_slice %arg11[%add3A_82, %dma_wait3A_454] : memref<256x64xf32, #tpu.memory_space<vmem>> -> memref<1x64xf32, #tpu.memory_space<vmem>>
      %dma_wait3A_456 = arith.constant 0 : i32
      %dma_wait3A_457 = tpu.memref_slice %arg5[%squeeze3A_94, %dma_wait3A_456] : memref<100000x64xf32, #tpu.memory_space<hbm>> -> memref<1x64xf32, #tpu.memory_space<hbm>>
      %dma_wait3A_458 = arith.constant 0 : i32
      %dma_wait3A_459 = tpu.memref_slice %arg11[%add3A_82, %dma_wait3A_458] : memref<256x64xf32, #tpu.memory_space<vmem>> -> memref<1x64xf32, #tpu.memory_space<vmem>>
      %dma_wait3A_460 = arith.constant 0 : i32
      %dma_wait3A_461 = tpu.memref_slice %arg5[%squeeze3A_94, %dma_wait3A_460] : memref<100000x64xf32, #tpu.memory_space<hbm>> -> memref<1x64xf32, #tpu.memory_space<hbm>>
      tpu.wait_dma2 semaphore(%arg12 : memref<!tpu.dma_semaphore, #tpu.memory_space<semaphore_mem>>) src(%dma_wait3A_461 : memref<1x64xf32, #tpu.memory_space<hbm>>) dst(%dma_wait3A_459 : memref<1x64xf32, #tpu.memory_space<vmem>>)
      %dma_wait3A_462 = arith.constant 0 : i32
      %dma_wait3A_463 = tpu.memref_slice %arg10[%add3A_106, %dma_wait3A_462] : memref<256x64xf32, #tpu.memory_space<vmem>> -> memref<1x64xf32, #tpu.memory_space<vmem>>
      %dma_wait3A_464 = arith.constant 0 : i32
      %dma_wait3A_465 = tpu.memref_slice %arg4[%squeeze3A_108, %dma_wait3A_464] : memref<1000000x64xf32, #tpu.memory_space<hbm>> -> memref<1x64xf32, #tpu.memory_space<hbm>>
      %dma_wait3A_466 = arith.constant 0 : i32
      %dma_wait3A_467 = tpu.memref_slice %arg10[%add3A_106, %dma_wait3A_466] : memref<256x64xf32, #tpu.memory_space<vmem>> -> memref<1x64xf32, #tpu.memory_space<vmem>>
      %dma_wait3A_468 = arith.constant 0 : i32
      %dma_wait3A_469 = tpu.memref_slice %arg4[%squeeze3A_108, %dma_wait3A_468] : memref<1000000x64xf32, #tpu.memory_space<hbm>> -> memref<1x64xf32, #tpu.memory_space<hbm>>
      tpu.wait_dma2 semaphore(%arg12 : memref<!tpu.dma_semaphore, #tpu.memory_space<semaphore_mem>>) src(%dma_wait3A_469 : memref<1x64xf32, #tpu.memory_space<hbm>>) dst(%dma_wait3A_467 : memref<1x64xf32, #tpu.memory_space<vmem>>)
      %dma_wait3A_470 = arith.constant 0 : i32
      %dma_wait3A_471 = tpu.memref_slice %arg11[%add3A_106, %dma_wait3A_470] : memref<256x64xf32, #tpu.memory_space<vmem>> -> memref<1x64xf32, #tpu.memory_space<vmem>>
      %dma_wait3A_472 = arith.constant 0 : i32
      %dma_wait3A_473 = tpu.memref_slice %arg5[%squeeze3A_118, %dma_wait3A_472] : memref<100000x64xf32, #tpu.memory_space<hbm>> -> memref<1x64xf32, #tpu.memory_space<hbm>>
      %dma_wait3A_474 = arith.constant 0 : i32
      %dma_wait3A_475 = tpu.memref_slice %arg11[%add3A_106, %dma_wait3A_474] : memref<256x64xf32, #tpu.memory_space<vmem>> -> memref<1x64xf32, #tpu.memory_space<vmem>>
      %dma_wait3A_476 = arith.constant 0 : i32
      %dma_wait3A_477 = tpu.memref_slice %arg5[%squeeze3A_118, %dma_wait3A_476] : memref<100000x64xf32, #tpu.memory_space<hbm>> -> memref<1x64xf32, #tpu.memory_space<hbm>>
      tpu.wait_dma2 semaphore(%arg12 : memref<!tpu.dma_semaphore, #tpu.memory_space<semaphore_mem>>) src(%dma_wait3A_477 : memref<1x64xf32, #tpu.memory_space<hbm>>) dst(%dma_wait3A_475 : memref<1x64xf32, #tpu.memory_space<vmem>>)
      %dma_wait3A_478 = arith.constant 0 : i32
      %dma_wait3A_479 = tpu.memref_slice %arg10[%add3A_130, %dma_wait3A_478] : memref<256x64xf32, #tpu.memory_space<vmem>> -> memref<1x64xf32, #tpu.memory_space<vmem>>
      %dma_wait3A_480 = arith.constant 0 : i32
      %dma_wait3A_481 = tpu.memref_slice %arg4[%squeeze3A_132, %dma_wait3A_480] : memref<1000000x64xf32, #tpu.memory_space<hbm>> -> memref<1x64xf32, #tpu.memory_space<hbm>>
      %dma_wait3A_482 = arith.constant 0 : i32
      %dma_wait3A_483 = tpu.memref_slice %arg10[%add3A_130, %dma_wait3A_482] : memref<256x64xf32, #tpu.memory_space<vmem>> -> memref<1x64xf32, #tpu.memory_space<vmem>>
      %dma_wait3A_484 = arith.constant 0 : i32
      %dma_wait3A_485 = tpu.memref_slice %arg4[%squeeze3A_132, %dma_wait3A_484] : memref<1000000x64xf32, #tpu.memory_space<hbm>> -> memref<1x64xf32, #tpu.memory_space<hbm>>
      tpu.wait_dma2 semaphore(%arg12 : memref<!tpu.dma_semaphore, #tpu.memory_space<semaphore_mem>>) src(%dma_wait3A_485 : memref<1x64xf32, #tpu.memory_space<hbm>>) dst(%dma_wait3A_483 : memref<1x64xf32, #tpu.memory_space<vmem>>)
      %dma_wait3A_486 = arith.constant 0 : i32
      %dma_wait3A_487 = tpu.memref_slice %arg11[%add3A_130, %dma_wait3A_486] : memref<256x64xf32, #tpu.memory_space<vmem>> -> memref<1x64xf32, #tpu.memory_space<vmem>>
      %dma_wait3A_488 = arith.constant 0 : i32
      %dma_wait3A_489 = tpu.memref_slice %arg5[%squeeze3A_142, %dma_wait3A_488] : memref<100000x64xf32, #tpu.memory_space<hbm>> -> memref<1x64xf32, #tpu.memory_space<hbm>>
      %dma_wait3A_490 = arith.constant 0 : i32
      %dma_wait3A_491 = tpu.memref_slice %arg11[%add3A_130, %dma_wait3A_490] : memref<256x64xf32, #tpu.memory_space<vmem>> -> memref<1x64xf32, #tpu.memory_space<vmem>>
      %dma_wait3A_492 = arith.constant 0 : i32
      %dma_wait3A_493 = tpu.memref_slice %arg5[%squeeze3A_142, %dma_wait3A_492] : memref<100000x64xf32, #tpu.memory_space<hbm>> -> memref<1x64xf32, #tpu.memory_space<hbm>>
      tpu.wait_dma2 semaphore(%arg12 : memref<!tpu.dma_semaphore, #tpu.memory_space<semaphore_mem>>) src(%dma_wait3A_493 : memref<1x64xf32, #tpu.memory_space<hbm>>) dst(%dma_wait3A_491 : memref<1x64xf32, #tpu.memory_space<vmem>>)
      %dma_wait3A_494 = arith.constant 0 : i32
      %dma_wait3A_495 = tpu.memref_slice %arg10[%add3A_154, %dma_wait3A_494] : memref<256x64xf32, #tpu.memory_space<vmem>> -> memref<1x64xf32, #tpu.memory_space<vmem>>
      %dma_wait3A_496 = arith.constant 0 : i32
      %dma_wait3A_497 = tpu.memref_slice %arg4[%squeeze3A_156, %dma_wait3A_496] : memref<1000000x64xf32, #tpu.memory_space<hbm>> -> memref<1x64xf32, #tpu.memory_space<hbm>>
      %dma_wait3A_498 = arith.constant 0 : i32
      %dma_wait3A_499 = tpu.memref_slice %arg10[%add3A_154, %dma_wait3A_498] : memref<256x64xf32, #tpu.memory_space<vmem>> -> memref<1x64xf32, #tpu.memory_space<vmem>>
      %dma_wait3A_500 = arith.constant 0 : i32
      %dma_wait3A_501 = tpu.memref_slice %arg4[%squeeze3A_156, %dma_wait3A_500] : memref<1000000x64xf32, #tpu.memory_space<hbm>> -> memref<1x64xf32, #tpu.memory_space<hbm>>
      tpu.wait_dma2 semaphore(%arg12 : memref<!tpu.dma_semaphore, #tpu.memory_space<semaphore_mem>>) src(%dma_wait3A_501 : memref<1x64xf32, #tpu.memory_space<hbm>>) dst(%dma_wait3A_499 : memref<1x64xf32, #tpu.memory_space<vmem>>)
      %dma_wait3A_502 = arith.constant 0 : i32
      %dma_wait3A_503 = tpu.memref_slice %arg11[%add3A_154, %dma_wait3A_502] : memref<256x64xf32, #tpu.memory_space<vmem>> -> memref<1x64xf32, #tpu.memory_space<vmem>>
      %dma_wait3A_504 = arith.constant 0 : i32
      %dma_wait3A_505 = tpu.memref_slice %arg5[%squeeze3A_166, %dma_wait3A_504] : memref<100000x64xf32, #tpu.memory_space<hbm>> -> memref<1x64xf32, #tpu.memory_space<hbm>>
      %dma_wait3A_506 = arith.constant 0 : i32
      %dma_wait3A_507 = tpu.memref_slice %arg11[%add3A_154, %dma_wait3A_506] : memref<256x64xf32, #tpu.memory_space<vmem>> -> memref<1x64xf32, #tpu.memory_space<vmem>>
      %dma_wait3A_508 = arith.constant 0 : i32
      %dma_wait3A_509 = tpu.memref_slice %arg5[%squeeze3A_166, %dma_wait3A_508] : memref<100000x64xf32, #tpu.memory_space<hbm>> -> memref<1x64xf32, #tpu.memory_space<hbm>>
      tpu.wait_dma2 semaphore(%arg12 : memref<!tpu.dma_semaphore, #tpu.memory_space<semaphore_mem>>) src(%dma_wait3A_509 : memref<1x64xf32, #tpu.memory_space<hbm>>) dst(%dma_wait3A_507 : memref<1x64xf32, #tpu.memory_space<vmem>>)
      %dma_wait3A_510 = arith.constant 0 : i32
      %dma_wait3A_511 = tpu.memref_slice %arg10[%add3A_178, %dma_wait3A_510] : memref<256x64xf32, #tpu.memory_space<vmem>> -> memref<1x64xf32, #tpu.memory_space<vmem>>
      %dma_wait3A_512 = arith.constant 0 : i32
      %dma_wait3A_513 = tpu.memref_slice %arg4[%squeeze3A_180, %dma_wait3A_512] : memref<1000000x64xf32, #tpu.memory_space<hbm>> -> memref<1x64xf32, #tpu.memory_space<hbm>>
      %dma_wait3A_514 = arith.constant 0 : i32
      %dma_wait3A_515 = tpu.memref_slice %arg10[%add3A_178, %dma_wait3A_514] : memref<256x64xf32, #tpu.memory_space<vmem>> -> memref<1x64xf32, #tpu.memory_space<vmem>>
      %dma_wait3A_516 = arith.constant 0 : i32
      %dma_wait3A_517 = tpu.memref_slice %arg4[%squeeze3A_180, %dma_wait3A_516] : memref<1000000x64xf32, #tpu.memory_space<hbm>> -> memref<1x64xf32, #tpu.memory_space<hbm>>
      tpu.wait_dma2 semaphore(%arg12 : memref<!tpu.dma_semaphore, #tpu.memory_space<semaphore_mem>>) src(%dma_wait3A_517 : memref<1x64xf32, #tpu.memory_space<hbm>>) dst(%dma_wait3A_515 : memref<1x64xf32, #tpu.memory_space<vmem>>)
      %dma_wait3A_518 = arith.constant 0 : i32
      %dma_wait3A_519 = tpu.memref_slice %arg11[%add3A_178, %dma_wait3A_518] : memref<256x64xf32, #tpu.memory_space<vmem>> -> memref<1x64xf32, #tpu.memory_space<vmem>>
      %dma_wait3A_520 = arith.constant 0 : i32
      %dma_wait3A_521 = tpu.memref_slice %arg5[%squeeze3A_190, %dma_wait3A_520] : memref<100000x64xf32, #tpu.memory_space<hbm>> -> memref<1x64xf32, #tpu.memory_space<hbm>>
      %dma_wait3A_522 = arith.constant 0 : i32
      %dma_wait3A_523 = tpu.memref_slice %arg11[%add3A_178, %dma_wait3A_522] : memref<256x64xf32, #tpu.memory_space<vmem>> -> memref<1x64xf32, #tpu.memory_space<vmem>>
      %dma_wait3A_524 = arith.constant 0 : i32
      %dma_wait3A_525 = tpu.memref_slice %arg5[%squeeze3A_190, %dma_wait3A_524] : memref<100000x64xf32, #tpu.memory_space<hbm>> -> memref<1x64xf32, #tpu.memory_space<hbm>>
      tpu.wait_dma2 semaphore(%arg12 : memref<!tpu.dma_semaphore, #tpu.memory_space<semaphore_mem>>) src(%dma_wait3A_525 : memref<1x64xf32, #tpu.memory_space<hbm>>) dst(%dma_wait3A_523 : memref<1x64xf32, #tpu.memory_space<vmem>>)
      %dma_wait3A_526 = arith.constant 0 : i32
      %dma_wait3A_527 = tpu.memref_slice %arg10[%add3A_202, %dma_wait3A_526] : memref<256x64xf32, #tpu.memory_space<vmem>> -> memref<1x64xf32, #tpu.memory_space<vmem>>
      %dma_wait3A_528 = arith.constant 0 : i32
      %dma_wait3A_529 = tpu.memref_slice %arg4[%squeeze3A_204, %dma_wait3A_528] : memref<1000000x64xf32, #tpu.memory_space<hbm>> -> memref<1x64xf32, #tpu.memory_space<hbm>>
      %dma_wait3A_530 = arith.constant 0 : i32
      %dma_wait3A_531 = tpu.memref_slice %arg10[%add3A_202, %dma_wait3A_530] : memref<256x64xf32, #tpu.memory_space<vmem>> -> memref<1x64xf32, #tpu.memory_space<vmem>>
      %dma_wait3A_532 = arith.constant 0 : i32
      %dma_wait3A_533 = tpu.memref_slice %arg4[%squeeze3A_204, %dma_wait3A_532] : memref<1000000x64xf32, #tpu.memory_space<hbm>> -> memref<1x64xf32, #tpu.memory_space<hbm>>
      tpu.wait_dma2 semaphore(%arg12 : memref<!tpu.dma_semaphore, #tpu.memory_space<semaphore_mem>>) src(%dma_wait3A_533 : memref<1x64xf32, #tpu.memory_space<hbm>>) dst(%dma_wait3A_531 : memref<1x64xf32, #tpu.memory_space<vmem>>)
      %dma_wait3A_534 = arith.constant 0 : i32
      %dma_wait3A_535 = tpu.memref_slice %arg11[%add3A_202, %dma_wait3A_534] : memref<256x64xf32, #tpu.memory_space<vmem>> -> memref<1x64xf32, #tpu.memory_space<vmem>>
      %dma_wait3A_536 = arith.constant 0 : i32
      %dma_wait3A_537 = tpu.memref_slice %arg5[%squeeze3A_214, %dma_wait3A_536] : memref<100000x64xf32, #tpu.memory_space<hbm>> -> memref<1x64xf32, #tpu.memory_space<hbm>>
      %dma_wait3A_538 = arith.constant 0 : i32
      %dma_wait3A_539 = tpu.memref_slice %arg11[%add3A_202, %dma_wait3A_538] : memref<256x64xf32, #tpu.memory_space<vmem>> -> memref<1x64xf32, #tpu.memory_space<vmem>>
      %dma_wait3A_540 = arith.constant 0 : i32
      %dma_wait3A_541 = tpu.memref_slice %arg5[%squeeze3A_214, %dma_wait3A_540] : memref<100000x64xf32, #tpu.memory_space<hbm>> -> memref<1x64xf32, #tpu.memory_space<hbm>>
      tpu.wait_dma2 semaphore(%arg12 : memref<!tpu.dma_semaphore, #tpu.memory_space<semaphore_mem>>) src(%dma_wait3A_541 : memref<1x64xf32, #tpu.memory_space<hbm>>) dst(%dma_wait3A_539 : memref<1x64xf32, #tpu.memory_space<vmem>>)
      %dma_wait3A_542 = arith.constant 0 : i32
      %dma_wait3A_543 = tpu.memref_slice %arg10[%add3A_226, %dma_wait3A_542] : memref<256x64xf32, #tpu.memory_space<vmem>> -> memref<1x64xf32, #tpu.memory_space<vmem>>
      %dma_wait3A_544 = arith.constant 0 : i32
      %dma_wait3A_545 = tpu.memref_slice %arg4[%squeeze3A_228, %dma_wait3A_544] : memref<1000000x64xf32, #tpu.memory_space<hbm>> -> memref<1x64xf32, #tpu.memory_space<hbm>>
      %dma_wait3A_546 = arith.constant 0 : i32
      %dma_wait3A_547 = tpu.memref_slice %arg10[%add3A_226, %dma_wait3A_546] : memref<256x64xf32, #tpu.memory_space<vmem>> -> memref<1x64xf32, #tpu.memory_space<vmem>>
      %dma_wait3A_548 = arith.constant 0 : i32
      %dma_wait3A_549 = tpu.memref_slice %arg4[%squeeze3A_228, %dma_wait3A_548] : memref<1000000x64xf32, #tpu.memory_space<hbm>> -> memref<1x64xf32, #tpu.memory_space<hbm>>
      tpu.wait_dma2 semaphore(%arg12 : memref<!tpu.dma_semaphore, #tpu.memory_space<semaphore_mem>>) src(%dma_wait3A_549 : memref<1x64xf32, #tpu.memory_space<hbm>>) dst(%dma_wait3A_547 : memref<1x64xf32, #tpu.memory_space<vmem>>)
      %dma_wait3A_550 = arith.constant 0 : i32
      %dma_wait3A_551 = tpu.memref_slice %arg11[%add3A_226, %dma_wait3A_550] : memref<256x64xf32, #tpu.memory_space<vmem>> -> memref<1x64xf32, #tpu.memory_space<vmem>>
      %dma_wait3A_552 = arith.constant 0 : i32
      %dma_wait3A_553 = tpu.memref_slice %arg5[%squeeze3A_238, %dma_wait3A_552] : memref<100000x64xf32, #tpu.memory_space<hbm>> -> memref<1x64xf32, #tpu.memory_space<hbm>>
      %dma_wait3A_554 = arith.constant 0 : i32
      %dma_wait3A_555 = tpu.memref_slice %arg11[%add3A_226, %dma_wait3A_554] : memref<256x64xf32, #tpu.memory_space<vmem>> -> memref<1x64xf32, #tpu.memory_space<vmem>>
      %dma_wait3A_556 = arith.constant 0 : i32
      %dma_wait3A_557 = tpu.memref_slice %arg5[%squeeze3A_238, %dma_wait3A_556] : memref<100000x64xf32, #tpu.memory_space<hbm>> -> memref<1x64xf32, #tpu.memory_space<hbm>>
      tpu.wait_dma2 semaphore(%arg12 : memref<!tpu.dma_semaphore, #tpu.memory_space<semaphore_mem>>) src(%dma_wait3A_557 : memref<1x64xf32, #tpu.memory_space<hbm>>) dst(%dma_wait3A_555 : memref<1x64xf32, #tpu.memory_space<vmem>>)
      %dma_wait3A_558 = arith.constant 0 : i32
      %dma_wait3A_559 = tpu.memref_slice %arg10[%add3A_250, %dma_wait3A_558] : memref<256x64xf32, #tpu.memory_space<vmem>> -> memref<1x64xf32, #tpu.memory_space<vmem>>
      %dma_wait3A_560 = arith.constant 0 : i32
      %dma_wait3A_561 = tpu.memref_slice %arg4[%squeeze3A_252, %dma_wait3A_560] : memref<1000000x64xf32, #tpu.memory_space<hbm>> -> memref<1x64xf32, #tpu.memory_space<hbm>>
      %dma_wait3A_562 = arith.constant 0 : i32
      %dma_wait3A_563 = tpu.memref_slice %arg10[%add3A_250, %dma_wait3A_562] : memref<256x64xf32, #tpu.memory_space<vmem>> -> memref<1x64xf32, #tpu.memory_space<vmem>>
      %dma_wait3A_564 = arith.constant 0 : i32
      %dma_wait3A_565 = tpu.memref_slice %arg4[%squeeze3A_252, %dma_wait3A_564] : memref<1000000x64xf32, #tpu.memory_space<hbm>> -> memref<1x64xf32, #tpu.memory_space<hbm>>
      tpu.wait_dma2 semaphore(%arg12 : memref<!tpu.dma_semaphore, #tpu.memory_space<semaphore_mem>>) src(%dma_wait3A_565 : memref<1x64xf32, #tpu.memory_space<hbm>>) dst(%dma_wait3A_563 : memref<1x64xf32, #tpu.memory_space<vmem>>)
      %dma_wait3A_566 = arith.constant 0 : i32
      %dma_wait3A_567 = tpu.memref_slice %arg11[%add3A_250, %dma_wait3A_566] : memref<256x64xf32, #tpu.memory_space<vmem>> -> memref<1x64xf32, #tpu.memory_space<vmem>>
      %dma_wait3A_568 = arith.constant 0 : i32
      %dma_wait3A_569 = tpu.memref_slice %arg5[%squeeze3A_262, %dma_wait3A_568] : memref<100000x64xf32, #tpu.memory_space<hbm>> -> memref<1x64xf32, #tpu.memory_space<hbm>>
      %dma_wait3A_570 = arith.constant 0 : i32
      %dma_wait3A_571 = tpu.memref_slice %arg11[%add3A_250, %dma_wait3A_570] : memref<256x64xf32, #tpu.memory_space<vmem>> -> memref<1x64xf32, #tpu.memory_space<vmem>>
      %dma_wait3A_572 = arith.constant 0 : i32
      %dma_wait3A_573 = tpu.memref_slice %arg5[%squeeze3A_262, %dma_wait3A_572] : memref<100000x64xf32, #tpu.memory_space<hbm>> -> memref<1x64xf32, #tpu.memory_space<hbm>>
      tpu.wait_dma2 semaphore(%arg12 : memref<!tpu.dma_semaphore, #tpu.memory_space<semaphore_mem>>) src(%dma_wait3A_573 : memref<1x64xf32, #tpu.memory_space<hbm>>) dst(%dma_wait3A_571 : memref<1x64xf32, #tpu.memory_space<vmem>>)
      %dma_wait3A_574 = arith.constant 0 : i32
      %dma_wait3A_575 = tpu.memref_slice %arg10[%add3A_274, %dma_wait3A_574] : memref<256x64xf32, #tpu.memory_space<vmem>> -> memref<1x64xf32, #tpu.memory_space<vmem>>
      %dma_wait3A_576 = arith.constant 0 : i32
      %dma_wait3A_577 = tpu.memref_slice %arg4[%squeeze3A_276, %dma_wait3A_576] : memref<1000000x64xf32, #tpu.memory_space<hbm>> -> memref<1x64xf32, #tpu.memory_space<hbm>>
      %dma_wait3A_578 = arith.constant 0 : i32
      %dma_wait3A_579 = tpu.memref_slice %arg10[%add3A_274, %dma_wait3A_578] : memref<256x64xf32, #tpu.memory_space<vmem>> -> memref<1x64xf32, #tpu.memory_space<vmem>>
      %dma_wait3A_580 = arith.constant 0 : i32
      %dma_wait3A_581 = tpu.memref_slice %arg4[%squeeze3A_276, %dma_wait3A_580] : memref<1000000x64xf32, #tpu.memory_space<hbm>> -> memref<1x64xf32, #tpu.memory_space<hbm>>
      tpu.wait_dma2 semaphore(%arg12 : memref<!tpu.dma_semaphore, #tpu.memory_space<semaphore_mem>>) src(%dma_wait3A_581 : memref<1x64xf32, #tpu.memory_space<hbm>>) dst(%dma_wait3A_579 : memref<1x64xf32, #tpu.memory_space<vmem>>)
      %dma_wait3A_582 = arith.constant 0 : i32
      %dma_wait3A_583 = tpu.memref_slice %arg11[%add3A_274, %dma_wait3A_582] : memref<256x64xf32, #tpu.memory_space<vmem>> -> memref<1x64xf32, #tpu.memory_space<vmem>>
      %dma_wait3A_584 = arith.constant 0 : i32
      %dma_wait3A_585 = tpu.memref_slice %arg5[%squeeze3A_286, %dma_wait3A_584] : memref<100000x64xf32, #tpu.memory_space<hbm>> -> memref<1x64xf32, #tpu.memory_space<hbm>>
      %dma_wait3A_586 = arith.constant 0 : i32
      %dma_wait3A_587 = tpu.memref_slice %arg11[%add3A_274, %dma_wait3A_586] : memref<256x64xf32, #tpu.memory_space<vmem>> -> memref<1x64xf32, #tpu.memory_space<vmem>>
      %dma_wait3A_588 = arith.constant 0 : i32
      %dma_wait3A_589 = tpu.memref_slice %arg5[%squeeze3A_286, %dma_wait3A_588] : memref<100000x64xf32, #tpu.memory_space<hbm>> -> memref<1x64xf32, #tpu.memory_space<hbm>>
      tpu.wait_dma2 semaphore(%arg12 : memref<!tpu.dma_semaphore, #tpu.memory_space<semaphore_mem>>) src(%dma_wait3A_589 : memref<1x64xf32, #tpu.memory_space<hbm>>) dst(%dma_wait3A_587 : memref<1x64xf32, #tpu.memory_space<vmem>>)
      %dma_wait3A_590 = arith.constant 0 : i32
      %dma_wait3A_591 = tpu.memref_slice %arg10[%add3A_298, %dma_wait3A_590] : memref<256x64xf32, #tpu.memory_space<vmem>> -> memref<1x64xf32, #tpu.memory_space<vmem>>
      %dma_wait3A_592 = arith.constant 0 : i32
      %dma_wait3A_593 = tpu.memref_slice %arg4[%squeeze3A_300, %dma_wait3A_592] : memref<1000000x64xf32, #tpu.memory_space<hbm>> -> memref<1x64xf32, #tpu.memory_space<hbm>>
      %dma_wait3A_594 = arith.constant 0 : i32
      %dma_wait3A_595 = tpu.memref_slice %arg10[%add3A_298, %dma_wait3A_594] : memref<256x64xf32, #tpu.memory_space<vmem>> -> memref<1x64xf32, #tpu.memory_space<vmem>>
      %dma_wait3A_596 = arith.constant 0 : i32
      %dma_wait3A_597 = tpu.memref_slice %arg4[%squeeze3A_300, %dma_wait3A_596] : memref<1000000x64xf32, #tpu.memory_space<hbm>> -> memref<1x64xf32, #tpu.memory_space<hbm>>
      tpu.wait_dma2 semaphore(%arg12 : memref<!tpu.dma_semaphore, #tpu.memory_space<semaphore_mem>>) src(%dma_wait3A_597 : memref<1x64xf32, #tpu.memory_space<hbm>>) dst(%dma_wait3A_595 : memref<1x64xf32, #tpu.memory_space<vmem>>)
      %dma_wait3A_598 = arith.constant 0 : i32
      %dma_wait3A_599 = tpu.memref_slice %arg11[%add3A_298, %dma_wait3A_598] : memref<256x64xf32, #tpu.memory_space<vmem>> -> memref<1x64xf32, #tpu.memory_space<vmem>>
      %dma_wait3A_600 = arith.constant 0 : i32
      %dma_wait3A_601 = tpu.memref_slice %arg5[%squeeze3A_310, %dma_wait3A_600] : memref<100000x64xf32, #tpu.memory_space<hbm>> -> memref<1x64xf32, #tpu.memory_space<hbm>>
      %dma_wait3A_602 = arith.constant 0 : i32
      %dma_wait3A_603 = tpu.memref_slice %arg11[%add3A_298, %dma_wait3A_602] : memref<256x64xf32, #tpu.memory_space<vmem>> -> memref<1x64xf32, #tpu.memory_space<vmem>>
      %dma_wait3A_604 = arith.constant 0 : i32
      %dma_wait3A_605 = tpu.memref_slice %arg5[%squeeze3A_310, %dma_wait3A_604] : memref<100000x64xf32, #tpu.memory_space<hbm>> -> memref<1x64xf32, #tpu.memory_space<hbm>>
      tpu.wait_dma2 semaphore(%arg12 : memref<!tpu.dma_semaphore, #tpu.memory_space<semaphore_mem>>) src(%dma_wait3A_605 : memref<1x64xf32, #tpu.memory_space<hbm>>) dst(%dma_wait3A_603 : memref<1x64xf32, #tpu.memory_space<vmem>>)
      %dma_wait3A_606 = arith.constant 0 : i32
      %dma_wait3A_607 = tpu.memref_slice %arg10[%add3A_322, %dma_wait3A_606] : memref<256x64xf32, #tpu.memory_space<vmem>> -> memref<1x64xf32, #tpu.memory_space<vmem>>
      %dma_wait3A_608 = arith.constant 0 : i32
      %dma_wait3A_609 = tpu.memref_slice %arg4[%squeeze3A_324, %dma_wait3A_608] : memref<1000000x64xf32, #tpu.memory_space<hbm>> -> memref<1x64xf32, #tpu.memory_space<hbm>>
      %dma_wait3A_610 = arith.constant 0 : i32
      %dma_wait3A_611 = tpu.memref_slice %arg10[%add3A_322, %dma_wait3A_610] : memref<256x64xf32, #tpu.memory_space<vmem>> -> memref<1x64xf32, #tpu.memory_space<vmem>>
      %dma_wait3A_612 = arith.constant 0 : i32
      %dma_wait3A_613 = tpu.memref_slice %arg4[%squeeze3A_324, %dma_wait3A_612] : memref<1000000x64xf32, #tpu.memory_space<hbm>> -> memref<1x64xf32, #tpu.memory_space<hbm>>
      tpu.wait_dma2 semaphore(%arg12 : memref<!tpu.dma_semaphore, #tpu.memory_space<semaphore_mem>>) src(%dma_wait3A_613 : memref<1x64xf32, #tpu.memory_space<hbm>>) dst(%dma_wait3A_611 : memref<1x64xf32, #tpu.memory_space<vmem>>)
      %dma_wait3A_614 = arith.constant 0 : i32
      %dma_wait3A_615 = tpu.memref_slice %arg11[%add3A_322, %dma_wait3A_614] : memref<256x64xf32, #tpu.memory_space<vmem>> -> memref<1x64xf32, #tpu.memory_space<vmem>>
      %dma_wait3A_616 = arith.constant 0 : i32
      %dma_wait3A_617 = tpu.memref_slice %arg5[%squeeze3A_334, %dma_wait3A_616] : memref<100000x64xf32, #tpu.memory_space<hbm>> -> memref<1x64xf32, #tpu.memory_space<hbm>>
      %dma_wait3A_618 = arith.constant 0 : i32
      %dma_wait3A_619 = tpu.memref_slice %arg11[%add3A_322, %dma_wait3A_618] : memref<256x64xf32, #tpu.memory_space<vmem>> -> memref<1x64xf32, #tpu.memory_space<vmem>>
      %dma_wait3A_620 = arith.constant 0 : i32
      %dma_wait3A_621 = tpu.memref_slice %arg5[%squeeze3A_334, %dma_wait3A_620] : memref<100000x64xf32, #tpu.memory_space<hbm>> -> memref<1x64xf32, #tpu.memory_space<hbm>>
      tpu.wait_dma2 semaphore(%arg12 : memref<!tpu.dma_semaphore, #tpu.memory_space<semaphore_mem>>) src(%dma_wait3A_621 : memref<1x64xf32, #tpu.memory_space<hbm>>) dst(%dma_wait3A_619 : memref<1x64xf32, #tpu.memory_space<vmem>>)
      %dma_wait3A_622 = arith.constant 0 : i32
      %dma_wait3A_623 = tpu.memref_slice %arg10[%add3A_346, %dma_wait3A_622] : memref<256x64xf32, #tpu.memory_space<vmem>> -> memref<1x64xf32, #tpu.memory_space<vmem>>
      %dma_wait3A_624 = arith.constant 0 : i32
      %dma_wait3A_625 = tpu.memref_slice %arg4[%squeeze3A_348, %dma_wait3A_624] : memref<1000000x64xf32, #tpu.memory_space<hbm>> -> memref<1x64xf32, #tpu.memory_space<hbm>>
      %dma_wait3A_626 = arith.constant 0 : i32
      %dma_wait3A_627 = tpu.memref_slice %arg10[%add3A_346, %dma_wait3A_626] : memref<256x64xf32, #tpu.memory_space<vmem>> -> memref<1x64xf32, #tpu.memory_space<vmem>>
      %dma_wait3A_628 = arith.constant 0 : i32
      %dma_wait3A_629 = tpu.memref_slice %arg4[%squeeze3A_348, %dma_wait3A_628] : memref<1000000x64xf32, #tpu.memory_space<hbm>> -> memref<1x64xf32, #tpu.memory_space<hbm>>
      tpu.wait_dma2 semaphore(%arg12 : memref<!tpu.dma_semaphore, #tpu.memory_space<semaphore_mem>>) src(%dma_wait3A_629 : memref<1x64xf32, #tpu.memory_space<hbm>>) dst(%dma_wait3A_627 : memref<1x64xf32, #tpu.memory_space<vmem>>)
      %dma_wait3A_630 = arith.constant 0 : i32
      %dma_wait3A_631 = tpu.memref_slice %arg11[%add3A_346, %dma_wait3A_630] : memref<256x64xf32, #tpu.memory_space<vmem>> -> memref<1x64xf32, #tpu.memory_space<vmem>>
      %dma_wait3A_632 = arith.constant 0 : i32
      %dma_wait3A_633 = tpu.memref_slice %arg5[%squeeze3A_358, %dma_wait3A_632] : memref<100000x64xf32, #tpu.memory_space<hbm>> -> memref<1x64xf32, #tpu.memory_space<hbm>>
      %dma_wait3A_634 = arith.constant 0 : i32
      %dma_wait3A_635 = tpu.memref_slice %arg11[%add3A_346, %dma_wait3A_634] : memref<256x64xf32, #tpu.memory_space<vmem>> -> memref<1x64xf32, #tpu.memory_space<vmem>>
      %dma_wait3A_636 = arith.constant 0 : i32
      %dma_wait3A_637 = tpu.memref_slice %arg5[%squeeze3A_358, %dma_wait3A_636] : memref<100000x64xf32, #tpu.memory_space<hbm>> -> memref<1x64xf32, #tpu.memory_space<hbm>>
      tpu.wait_dma2 semaphore(%arg12 : memref<!tpu.dma_semaphore, #tpu.memory_space<semaphore_mem>>) src(%dma_wait3A_637 : memref<1x64xf32, #tpu.memory_space<hbm>>) dst(%dma_wait3A_635 : memref<1x64xf32, #tpu.memory_space<vmem>>)
      %dma_wait3A_638 = arith.constant 0 : i32
      %dma_wait3A_639 = tpu.memref_slice %arg10[%add3A_370, %dma_wait3A_638] : memref<256x64xf32, #tpu.memory_space<vmem>> -> memref<1x64xf32, #tpu.memory_space<vmem>>
      %dma_wait3A_640 = arith.constant 0 : i32
      %dma_wait3A_641 = tpu.memref_slice %arg4[%squeeze3A_372, %dma_wait3A_640] : memref<1000000x64xf32, #tpu.memory_space<hbm>> -> memref<1x64xf32, #tpu.memory_space<hbm>>
      %dma_wait3A_642 = arith.constant 0 : i32
      %dma_wait3A_643 = tpu.memref_slice %arg10[%add3A_370, %dma_wait3A_642] : memref<256x64xf32, #tpu.memory_space<vmem>> -> memref<1x64xf32, #tpu.memory_space<vmem>>
      %dma_wait3A_644 = arith.constant 0 : i32
      %dma_wait3A_645 = tpu.memref_slice %arg4[%squeeze3A_372, %dma_wait3A_644] : memref<1000000x64xf32, #tpu.memory_space<hbm>> -> memref<1x64xf32, #tpu.memory_space<hbm>>
      tpu.wait_dma2 semaphore(%arg12 : memref<!tpu.dma_semaphore, #tpu.memory_space<semaphore_mem>>) src(%dma_wait3A_645 : memref<1x64xf32, #tpu.memory_space<hbm>>) dst(%dma_wait3A_643 : memref<1x64xf32, #tpu.memory_space<vmem>>)
      %dma_wait3A_646 = arith.constant 0 : i32
      %dma_wait3A_647 = tpu.memref_slice %arg11[%add3A_370, %dma_wait3A_646] : memref<256x64xf32, #tpu.memory_space<vmem>> -> memref<1x64xf32, #tpu.memory_space<vmem>>
      %dma_wait3A_648 = arith.constant 0 : i32
      %dma_wait3A_649 = tpu.memref_slice %arg5[%squeeze3A_382, %dma_wait3A_648] : memref<100000x64xf32, #tpu.memory_space<hbm>> -> memref<1x64xf32, #tpu.memory_space<hbm>>
      %dma_wait3A_650 = arith.constant 0 : i32
      %dma_wait3A_651 = tpu.memref_slice %arg11[%add3A_370, %dma_wait3A_650] : memref<256x64xf32, #tpu.memory_space<vmem>> -> memref<1x64xf32, #tpu.memory_space<vmem>>
      %dma_wait3A_652 = arith.constant 0 : i32
      %dma_wait3A_653 = tpu.memref_slice %arg5[%squeeze3A_382, %dma_wait3A_652] : memref<100000x64xf32, #tpu.memory_space<hbm>> -> memref<1x64xf32, #tpu.memory_space<hbm>>
      tpu.wait_dma2 semaphore(%arg12 : memref<!tpu.dma_semaphore, #tpu.memory_space<semaphore_mem>>) src(%dma_wait3A_653 : memref<1x64xf32, #tpu.memory_space<hbm>>) dst(%dma_wait3A_651 : memref<1x64xf32, #tpu.memory_space<vmem>>)
      %dma_wait3A_654 = arith.constant 0 : i32
      %dma_wait3A_655 = tpu.memref_slice %arg10[%add3A_394, %dma_wait3A_654] : memref<256x64xf32, #tpu.memory_space<vmem>> -> memref<1x64xf32, #tpu.memory_space<vmem>>
      %dma_wait3A_656 = arith.constant 0 : i32
      %dma_wait3A_657 = tpu.memref_slice %arg4[%squeeze3A_396, %dma_wait3A_656] : memref<1000000x64xf32, #tpu.memory_space<hbm>> -> memref<1x64xf32, #tpu.memory_space<hbm>>
      %dma_wait3A_658 = arith.constant 0 : i32
      %dma_wait3A_659 = tpu.memref_slice %arg10[%add3A_394, %dma_wait3A_658] : memref<256x64xf32, #tpu.memory_space<vmem>> -> memref<1x64xf32, #tpu.memory_space<vmem>>
      %dma_wait3A_660 = arith.constant 0 : i32
      %dma_wait3A_661 = tpu.memref_slice %arg4[%squeeze3A_396, %dma_wait3A_660] : memref<1000000x64xf32, #tpu.memory_space<hbm>> -> memref<1x64xf32, #tpu.memory_space<hbm>>
      tpu.wait_dma2 semaphore(%arg12 : memref<!tpu.dma_semaphore, #tpu.memory_space<semaphore_mem>>) src(%dma_wait3A_661 : memref<1x64xf32, #tpu.memory_space<hbm>>) dst(%dma_wait3A_659 : memref<1x64xf32, #tpu.memory_space<vmem>>)
      %dma_wait3A_662 = arith.constant 0 : i32
      %dma_wait3A_663 = tpu.memref_slice %arg11[%add3A_394, %dma_wait3A_662] : memref<256x64xf32, #tpu.memory_space<vmem>> -> memref<1x64xf32, #tpu.memory_space<vmem>>
      %dma_wait3A_664 = arith.constant 0 : i32
      %dma_wait3A_665 = tpu.memref_slice %arg5[%squeeze3A_406, %dma_wait3A_664] : memref<100000x64xf32, #tpu.memory_space<hbm>> -> memref<1x64xf32, #tpu.memory_space<hbm>>
      %dma_wait3A_666 = arith.constant 0 : i32
      %dma_wait3A_667 = tpu.memref_slice %arg11[%add3A_394, %dma_wait3A_666] : memref<256x64xf32, #tpu.memory_space<vmem>> -> memref<1x64xf32, #tpu.memory_space<vmem>>
      %dma_wait3A_668 = arith.constant 0 : i32
      %dma_wait3A_669 = tpu.memref_slice %arg5[%squeeze3A_406, %dma_wait3A_668] : memref<100000x64xf32, #tpu.memory_space<hbm>> -> memref<1x64xf32, #tpu.memory_space<hbm>>
      tpu.wait_dma2 semaphore(%arg12 : memref<!tpu.dma_semaphore, #tpu.memory_space<semaphore_mem>>) src(%dma_wait3A_669 : memref<1x64xf32, #tpu.memory_space<hbm>>) dst(%dma_wait3A_667 : memref<1x64xf32, #tpu.memory_space<vmem>>)
    }
    %scan3A_6 = arith.constant 16 : i32
    %add3A_7 = arith.constant 0 : i32
    %add3A_8 = arith.addi %mul3A_2, %add3A_7 : i32
    "tpu.region"() ({
      %run_scoped3A = tpu.sem_alloc : memref<!tpu.dma_semaphore, #tpu.memory_space<semaphore_mem>>
      %dma_start3A = arith.constant 0 : i32
      %dma_start3A_20 = tpu.memref_slice %arg6[%add3A_8, %dma_start3A] : memref<16384x64xf32, #tpu.memory_space<hbm>> -> memref<256x64xf32, #tpu.memory_space<hbm>>
      %dma_start3A_21 = arith.constant 0 : i32
      %dma_start3A_22 = tpu.memref_slice %arg6[%add3A_8, %dma_start3A_21] : memref<16384x64xf32, #tpu.memory_space<hbm>> -> memref<256x64xf32, #tpu.memory_space<hbm>>
      tpu.enqueue_dma source(%arg10 : memref<256x64xf32, #tpu.memory_space<vmem>>) target(%dma_start3A_22 : memref<256x64xf32, #tpu.memory_space<hbm>>) target_semaphore(%run_scoped3A : memref<!tpu.dma_semaphore, #tpu.memory_space<semaphore_mem>>)
      %dma_wait3A = arith.constant 0 : i32
      %dma_wait3A_23 = tpu.memref_slice %arg6[%add3A_8, %dma_wait3A] : memref<16384x64xf32, #tpu.memory_space<hbm>> -> memref<256x64xf32, #tpu.memory_space<hbm>>
      %dma_wait3A_24 = arith.constant 0 : i32
      %dma_wait3A_25 = tpu.memref_slice %arg6[%add3A_8, %dma_wait3A_24] : memref<16384x64xf32, #tpu.memory_space<hbm>> -> memref<256x64xf32, #tpu.memory_space<hbm>>
      tpu.wait_dma2 semaphore(%run_scoped3A : memref<!tpu.dma_semaphore, #tpu.memory_space<semaphore_mem>>) src(%arg10 : memref<256x64xf32, #tpu.memory_space<vmem>>) dst(%dma_wait3A_25 : memref<256x64xf32, #tpu.memory_space<hbm>>)
      tpu.yield
    }) : () -> ()
    %add3A_9 = arith.constant 0 : i32
    %add3A_10 = arith.addi %mul3A_2, %add3A_9 : i32
    "tpu.region"() ({
      %run_scoped3A = tpu.sem_alloc : memref<!tpu.dma_semaphore, #tpu.memory_space<semaphore_mem>>
      %dma_start3A = arith.constant 0 : i32
      %dma_start3A_20 = tpu.memref_slice %arg7[%add3A_10, %dma_start3A] : memref<16384x64xf32, #tpu.memory_space<hbm>> -> memref<256x64xf32, #tpu.memory_space<hbm>>
      %dma_start3A_21 = arith.constant 0 : i32
      %dma_start3A_22 = tpu.memref_slice %arg7[%add3A_10, %dma_start3A_21] : memref<16384x64xf32, #tpu.memory_space<hbm>> -> memref<256x64xf32, #tpu.memory_space<hbm>>
      tpu.enqueue_dma source(%arg11 : memref<256x64xf32, #tpu.memory_space<vmem>>) target(%dma_start3A_22 : memref<256x64xf32, #tpu.memory_space<hbm>>) target_semaphore(%run_scoped3A : memref<!tpu.dma_semaphore, #tpu.memory_space<semaphore_mem>>)
      %dma_wait3A = arith.constant 0 : i32
      %dma_wait3A_23 = tpu.memref_slice %arg7[%add3A_10, %dma_wait3A] : memref<16384x64xf32, #tpu.memory_space<hbm>> -> memref<256x64xf32, #tpu.memory_space<hbm>>
      %dma_wait3A_24 = arith.constant 0 : i32
      %dma_wait3A_25 = tpu.memref_slice %arg7[%add3A_10, %dma_wait3A_24] : memref<16384x64xf32, #tpu.memory_space<hbm>> -> memref<256x64xf32, #tpu.memory_space<hbm>>
      tpu.wait_dma2 semaphore(%run_scoped3A : memref<!tpu.dma_semaphore, #tpu.memory_space<semaphore_mem>>) src(%arg11 : memref<256x64xf32, #tpu.memory_space<vmem>>) dst(%dma_wait3A_25 : memref<256x64xf32, #tpu.memory_space<hbm>>)
      tpu.yield
    }) : () -> ()
    %scan3A_11 = arith.constant 0 : i32
    %scan3A_12 = arith.constant 16 : i32
    %scan3A_13 = arith.addi %scan3A_11, %scan3A_12 : i32
    %scan3A_14 = arith.constant 1 : i32
    scf.for %scan3A_20 = %scan3A_11 to %scan3A_13 step %scan3A_14  : i32 {
      %mul3A_21 = arith.constant 16 : i32
      %mul3A_22 = arith.muli %scan3A_20, %mul3A_21 : i32
      %add3A_23 = arith.constant 256 : i32
      %add3A_24 = arith.addi %add3A_23, %mul3A_22 : i32
      %get3A = arith.index_cast %add3A_24 : i32 to index
      %get3A_25 = tpu.vector_load %arg8[%get3A] {strides = array<i32>} : memref<512xi32, #tpu.memory_space<vmem>>, vector<16xi32>,
      %get3A_26 = vector.shape_cast %get3A_25 : vector<16xi32> to vector<16xi32>
      %mul3A_27 = arith.constant 16 : i32
      %mul3A_28 = arith.muli %scan3A_20, %mul3A_27 : i32
      %add3A_29 = arith.constant 256 : i32
      %add3A_30 = arith.addi %add3A_29, %mul3A_28 : i32
      %get3A_31 = arith.index_cast %add3A_30 : i32 to index
      %get3A_32 = tpu.vector_load %arg9[%get3A_31] {strides = array<i32>} : memref<512xi32, #tpu.memory_space<vmem>>, vector<16xi32>,
      %get3A_33 = vector.shape_cast %get3A_32 : vector<16xi32> to vector<16xi32>
      %mul3A_34 = arith.constant 16 : i32
      %mul3A_35 = arith.muli %scan3A_20, %mul3A_34 : i32
      %add3A_36 = arith.constant 0 : i32
      %add3A_37 = arith.addi %mul3A_35, %add3A_36 : i32
      %slice3A = vector.extract_strided_slice %get3A_26 {offsets = [0], sizes = [1], strides = [1]} : vector<16xi32> to vector<1xi32>
      %squeeze3A = vector.extract %slice3A[0] : i32 from vector<1xi32>
      %dma_start3A = arith.constant 0 : i32
      %dma_start3A_38 = tpu.memref_slice %arg10[%add3A_37, %dma_start3A] : memref<256x64xf32, #tpu.memory_space<vmem>> -> memref<1x64xf32, #tpu.memory_space<vmem>>
      %dma_start3A_39 = arith.constant 0 : i32
      %dma_start3A_40 = tpu.memref_slice %arg4[%squeeze3A, %dma_start3A_39] : memref<1000000x64xf32, #tpu.memory_space<hbm>> -> memref<1x64xf32, #tpu.memory_space<hbm>>
      %dma_start3A_41 = arith.constant 0 : i32
      %dma_start3A_42 = tpu.memref_slice %arg10[%add3A_37, %dma_start3A_41] : memref<256x64xf32, #tpu.memory_space<vmem>> -> memref<1x64xf32, #tpu.memory_space<vmem>>
      %dma_start3A_43 = arith.constant 0 : i32
      %dma_start3A_44 = tpu.memref_slice %arg4[%squeeze3A, %dma_start3A_43] : memref<1000000x64xf32, #tpu.memory_space<hbm>> -> memref<1x64xf32, #tpu.memory_space<hbm>>
      tpu.enqueue_dma source(%dma_start3A_44 : memref<1x64xf32, #tpu.memory_space<hbm>>) target(%dma_start3A_42 : memref<1x64xf32, #tpu.memory_space<vmem>>) target_semaphore(%arg12 : memref<!tpu.dma_semaphore, #tpu.memory_space<semaphore_mem>>)
      %slice3A_45 = vector.extract_strided_slice %get3A_33 {offsets = [0], sizes = [1], strides = [1]} : vector<16xi32> to vector<1xi32>
      %squeeze3A_46 = vector.extract %slice3A_45[0] : i32 from vector<1xi32>
      %dma_start3A_47 = arith.constant 0 : i32
      %dma_start3A_48 = tpu.memref_slice %arg11[%add3A_37, %dma_start3A_47] : memref<256x64xf32, #tpu.memory_space<vmem>> -> memref<1x64xf32, #tpu.memory_space<vmem>>
      %dma_start3A_49 = arith.constant 0 : i32
      %dma_start3A_50 = tpu.memref_slice %arg5[%squeeze3A_46, %dma_start3A_49] : memref<100000x64xf32, #tpu.memory_space<hbm>> -> memref<1x64xf32, #tpu.memory_space<hbm>>
      %dma_start3A_51 = arith.constant 0 : i32
      %dma_start3A_52 = tpu.memref_slice %arg11[%add3A_37, %dma_start3A_51] : memref<256x64xf32, #tpu.memory_space<vmem>> -> memref<1x64xf32, #tpu.memory_space<vmem>>
      %dma_start3A_53 = arith.constant 0 : i32
      %dma_start3A_54 = tpu.memref_slice %arg5[%squeeze3A_46, %dma_start3A_53] : memref<100000x64xf32, #tpu.memory_space<hbm>> -> memref<1x64xf32, #tpu.memory_space<hbm>>
      tpu.enqueue_dma source(%dma_start3A_54 : memref<1x64xf32, #tpu.memory_space<hbm>>) target(%dma_start3A_52 : memref<1x64xf32, #tpu.memory_space<vmem>>) target_semaphore(%arg12 : memref<!tpu.dma_semaphore, #tpu.memory_space<semaphore_mem>>)
      %mul3A_55 = arith.constant 16 : i32
      %mul3A_56 = arith.muli %scan3A_20, %mul3A_55 : i32
      %add3A_57 = arith.constant 1 : i32
      %add3A_58 = arith.addi %mul3A_56, %add3A_57 : i32
      %slice3A_59 = vector.extract_strided_slice %get3A_26 {offsets = [1], sizes = [1], strides = [1]} : vector<16xi32> to vector<1xi32>
      %squeeze3A_60 = vector.extract %slice3A_59[0] : i32 from vector<1xi32>
      %dma_start3A_61 = arith.constant 0 : i32
      %dma_start3A_62 = tpu.memref_slice %arg10[%add3A_58, %dma_start3A_61] : memref<256x64xf32, #tpu.memory_space<vmem>> -> memref<1x64xf32, #tpu.memory_space<vmem>>
      %dma_start3A_63 = arith.constant 0 : i32
      %dma_start3A_64 = tpu.memref_slice %arg4[%squeeze3A_60, %dma_start3A_63] : memref<1000000x64xf32, #tpu.memory_space<hbm>> -> memref<1x64xf32, #tpu.memory_space<hbm>>
      %dma_start3A_65 = arith.constant 0 : i32
      %dma_start3A_66 = tpu.memref_slice %arg10[%add3A_58, %dma_start3A_65] : memref<256x64xf32, #tpu.memory_space<vmem>> -> memref<1x64xf32, #tpu.memory_space<vmem>>
      %dma_start3A_67 = arith.constant 0 : i32
      %dma_start3A_68 = tpu.memref_slice %arg4[%squeeze3A_60, %dma_start3A_67] : memref<1000000x64xf32, #tpu.memory_space<hbm>> -> memref<1x64xf32, #tpu.memory_space<hbm>>
      tpu.enqueue_dma source(%dma_start3A_68 : memref<1x64xf32, #tpu.memory_space<hbm>>) target(%dma_start3A_66 : memref<1x64xf32, #tpu.memory_space<vmem>>) target_semaphore(%arg12 : memref<!tpu.dma_semaphore, #tpu.memory_space<semaphore_mem>>)
      %slice3A_69 = vector.extract_strided_slice %get3A_33 {offsets = [1], sizes = [1], strides = [1]} : vector<16xi32> to vector<1xi32>
      %squeeze3A_70 = vector.extract %slice3A_69[0] : i32 from vector<1xi32>
      %dma_start3A_71 = arith.constant 0 : i32
      %dma_start3A_72 = tpu.memref_slice %arg11[%add3A_58, %dma_start3A_71] : memref<256x64xf32, #tpu.memory_space<vmem>> -> memref<1x64xf32, #tpu.memory_space<vmem>>
      %dma_start3A_73 = arith.constant 0 : i32
      %dma_start3A_74 = tpu.memref_slice %arg5[%squeeze3A_70, %dma_start3A_73] : memref<100000x64xf32, #tpu.memory_space<hbm>> -> memref<1x64xf32, #tpu.memory_space<hbm>>
      %dma_start3A_75 = arith.constant 0 : i32
      %dma_start3A_76 = tpu.memref_slice %arg11[%add3A_58, %dma_start3A_75] : memref<256x64xf32, #tpu.memory_space<vmem>> -> memref<1x64xf32, #tpu.memory_space<vmem>>
      %dma_start3A_77 = arith.constant 0 : i32
      %dma_start3A_78 = tpu.memref_slice %arg5[%squeeze3A_70, %dma_start3A_77] : memref<100000x64xf32, #tpu.memory_space<hbm>> -> memref<1x64xf32, #tpu.memory_space<hbm>>
      tpu.enqueue_dma source(%dma_start3A_78 : memref<1x64xf32, #tpu.memory_space<hbm>>) target(%dma_start3A_76 : memref<1x64xf32, #tpu.memory_space<vmem>>) target_semaphore(%arg12 : memref<!tpu.dma_semaphore, #tpu.memory_space<semaphore_mem>>)
      %mul3A_79 = arith.constant 16 : i32
      %mul3A_80 = arith.muli %scan3A_20, %mul3A_79 : i32
      %add3A_81 = arith.constant 2 : i32
      %add3A_82 = arith.addi %mul3A_80, %add3A_81 : i32
      %slice3A_83 = vector.extract_strided_slice %get3A_26 {offsets = [2], sizes = [1], strides = [1]} : vector<16xi32> to vector<1xi32>
      %squeeze3A_84 = vector.extract %slice3A_83[0] : i32 from vector<1xi32>
      %dma_start3A_85 = arith.constant 0 : i32
      %dma_start3A_86 = tpu.memref_slice %arg10[%add3A_82, %dma_start3A_85] : memref<256x64xf32, #tpu.memory_space<vmem>> -> memref<1x64xf32, #tpu.memory_space<vmem>>
      %dma_start3A_87 = arith.constant 0 : i32
      %dma_start3A_88 = tpu.memref_slice %arg4[%squeeze3A_84, %dma_start3A_87] : memref<1000000x64xf32, #tpu.memory_space<hbm>> -> memref<1x64xf32, #tpu.memory_space<hbm>>
      %dma_start3A_89 = arith.constant 0 : i32
      %dma_start3A_90 = tpu.memref_slice %arg10[%add3A_82, %dma_start3A_89] : memref<256x64xf32, #tpu.memory_space<vmem>> -> memref<1x64xf32, #tpu.memory_space<vmem>>
      %dma_start3A_91 = arith.constant 0 : i32
      %dma_start3A_92 = tpu.memref_slice %arg4[%squeeze3A_84, %dma_start3A_91] : memref<1000000x64xf32, #tpu.memory_space<hbm>> -> memref<1x64xf32, #tpu.memory_space<hbm>>
      tpu.enqueue_dma source(%dma_start3A_92 : memref<1x64xf32, #tpu.memory_space<hbm>>) target(%dma_start3A_90 : memref<1x64xf32, #tpu.memory_space<vmem>>) target_semaphore(%arg12 : memref<!tpu.dma_semaphore, #tpu.memory_space<semaphore_mem>>)
      %slice3A_93 = vector.extract_strided_slice %get3A_33 {offsets = [2], sizes = [1], strides = [1]} : vector<16xi32> to vector<1xi32>
      %squeeze3A_94 = vector.extract %slice3A_93[0] : i32 from vector<1xi32>
      %dma_start3A_95 = arith.constant 0 : i32
      %dma_start3A_96 = tpu.memref_slice %arg11[%add3A_82, %dma_start3A_95] : memref<256x64xf32, #tpu.memory_space<vmem>> -> memref<1x64xf32, #tpu.memory_space<vmem>>
      %dma_start3A_97 = arith.constant 0 : i32
      %dma_start3A_98 = tpu.memref_slice %arg5[%squeeze3A_94, %dma_start3A_97] : memref<100000x64xf32, #tpu.memory_space<hbm>> -> memref<1x64xf32, #tpu.memory_space<hbm>>
      %dma_start3A_99 = arith.constant 0 : i32
      %dma_start3A_100 = tpu.memref_slice %arg11[%add3A_82, %dma_start3A_99] : memref<256x64xf32, #tpu.memory_space<vmem>> -> memref<1x64xf32, #tpu.memory_space<vmem>>
      %dma_start3A_101 = arith.constant 0 : i32
      %dma_start3A_102 = tpu.memref_slice %arg5[%squeeze3A_94, %dma_start3A_101] : memref<100000x64xf32, #tpu.memory_space<hbm>> -> memref<1x64xf32, #tpu.memory_space<hbm>>
      tpu.enqueue_dma source(%dma_start3A_102 : memref<1x64xf32, #tpu.memory_space<hbm>>) target(%dma_start3A_100 : memref<1x64xf32, #tpu.memory_space<vmem>>) target_semaphore(%arg12 : memref<!tpu.dma_semaphore, #tpu.memory_space<semaphore_mem>>)
      %mul3A_103 = arith.constant 16 : i32
      %mul3A_104 = arith.muli %scan3A_20, %mul3A_103 : i32
      %add3A_105 = arith.constant 3 : i32
      %add3A_106 = arith.addi %mul3A_104, %add3A_105 : i32
      %slice3A_107 = vector.extract_strided_slice %get3A_26 {offsets = [3], sizes = [1], strides = [1]} : vector<16xi32> to vector<1xi32>
      %squeeze3A_108 = vector.extract %slice3A_107[0] : i32 from vector<1xi32>
      %dma_start3A_109 = arith.constant 0 : i32
      %dma_start3A_110 = tpu.memref_slice %arg10[%add3A_106, %dma_start3A_109] : memref<256x64xf32, #tpu.memory_space<vmem>> -> memref<1x64xf32, #tpu.memory_space<vmem>>
      %dma_start3A_111 = arith.constant 0 : i32
      %dma_start3A_112 = tpu.memref_slice %arg4[%squeeze3A_108, %dma_start3A_111] : memref<1000000x64xf32, #tpu.memory_space<hbm>> -> memref<1x64xf32, #tpu.memory_space<hbm>>
      %dma_start3A_113 = arith.constant 0 : i32
      %dma_start3A_114 = tpu.memref_slice %arg10[%add3A_106, %dma_start3A_113] : memref<256x64xf32, #tpu.memory_space<vmem>> -> memref<1x64xf32, #tpu.memory_space<vmem>>
      %dma_start3A_115 = arith.constant 0 : i32
      %dma_start3A_116 = tpu.memref_slice %arg4[%squeeze3A_108, %dma_start3A_115] : memref<1000000x64xf32, #tpu.memory_space<hbm>> -> memref<1x64xf32, #tpu.memory_space<hbm>>
      tpu.enqueue_dma source(%dma_start3A_116 : memref<1x64xf32, #tpu.memory_space<hbm>>) target(%dma_start3A_114 : memref<1x64xf32, #tpu.memory_space<vmem>>) target_semaphore(%arg12 : memref<!tpu.dma_semaphore, #tpu.memory_space<semaphore_mem>>)
      %slice3A_117 = vector.extract_strided_slice %get3A_33 {offsets = [3], sizes = [1], strides = [1]} : vector<16xi32> to vector<1xi32>
      %squeeze3A_118 = vector.extract %slice3A_117[0] : i32 from vector<1xi32>
      %dma_start3A_119 = arith.constant 0 : i32
      %dma_start3A_120 = tpu.memref_slice %arg11[%add3A_106, %dma_start3A_119] : memref<256x64xf32, #tpu.memory_space<vmem>> -> memref<1x64xf32, #tpu.memory_space<vmem>>
      %dma_start3A_121 = arith.constant 0 : i32
      %dma_start3A_122 = tpu.memref_slice %arg5[%squeeze3A_118, %dma_start3A_121] : memref<100000x64xf32, #tpu.memory_space<hbm>> -> memref<1x64xf32, #tpu.memory_space<hbm>>
      %dma_start3A_123 = arith.constant 0 : i32
      %dma_start3A_124 = tpu.memref_slice %arg11[%add3A_106, %dma_start3A_123] : memref<256x64xf32, #tpu.memory_space<vmem>> -> memref<1x64xf32, #tpu.memory_space<vmem>>
      %dma_start3A_125 = arith.constant 0 : i32
      %dma_start3A_126 = tpu.memref_slice %arg5[%squeeze3A_118, %dma_start3A_125] : memref<100000x64xf32, #tpu.memory_space<hbm>> -> memref<1x64xf32, #tpu.memory_space<hbm>>
      tpu.enqueue_dma source(%dma_start3A_126 : memref<1x64xf32, #tpu.memory_space<hbm>>) target(%dma_start3A_124 : memref<1x64xf32, #tpu.memory_space<vmem>>) target_semaphore(%arg12 : memref<!tpu.dma_semaphore, #tpu.memory_space<semaphore_mem>>)
      %mul3A_127 = arith.constant 16 : i32
      %mul3A_128 = arith.muli %scan3A_20, %mul3A_127 : i32
      %add3A_129 = arith.constant 4 : i32
      %add3A_130 = arith.addi %mul3A_128, %add3A_129 : i32
      %slice3A_131 = vector.extract_strided_slice %get3A_26 {offsets = [4], sizes = [1], strides = [1]} : vector<16xi32> to vector<1xi32>
      %squeeze3A_132 = vector.extract %slice3A_131[0] : i32 from vector<1xi32>
      %dma_start3A_133 = arith.constant 0 : i32
      %dma_start3A_134 = tpu.memref_slice %arg10[%add3A_130, %dma_start3A_133] : memref<256x64xf32, #tpu.memory_space<vmem>> -> memref<1x64xf32, #tpu.memory_space<vmem>>
      %dma_start3A_135 = arith.constant 0 : i32
      %dma_start3A_136 = tpu.memref_slice %arg4[%squeeze3A_132, %dma_start3A_135] : memref<1000000x64xf32, #tpu.memory_space<hbm>> -> memref<1x64xf32, #tpu.memory_space<hbm>>
      %dma_start3A_137 = arith.constant 0 : i32
      %dma_start3A_138 = tpu.memref_slice %arg10[%add3A_130, %dma_start3A_137] : memref<256x64xf32, #tpu.memory_space<vmem>> -> memref<1x64xf32, #tpu.memory_space<vmem>>
      %dma_start3A_139 = arith.constant 0 : i32
      %dma_start3A_140 = tpu.memref_slice %arg4[%squeeze3A_132, %dma_start3A_139] : memref<1000000x64xf32, #tpu.memory_space<hbm>> -> memref<1x64xf32, #tpu.memory_space<hbm>>
      tpu.enqueue_dma source(%dma_start3A_140 : memref<1x64xf32, #tpu.memory_space<hbm>>) target(%dma_start3A_138 : memref<1x64xf32, #tpu.memory_space<vmem>>) target_semaphore(%arg12 : memref<!tpu.dma_semaphore, #tpu.memory_space<semaphore_mem>>)
      %slice3A_141 = vector.extract_strided_slice %get3A_33 {offsets = [4], sizes = [1], strides = [1]} : vector<16xi32> to vector<1xi32>
      %squeeze3A_142 = vector.extract %slice3A_141[0] : i32 from vector<1xi32>
      %dma_start3A_143 = arith.constant 0 : i32
      %dma_start3A_144 = tpu.memref_slice %arg11[%add3A_130, %dma_start3A_143] : memref<256x64xf32, #tpu.memory_space<vmem>> -> memref<1x64xf32, #tpu.memory_space<vmem>>
      %dma_start3A_145 = arith.constant 0 : i32
      %dma_start3A_146 = tpu.memref_slice %arg5[%squeeze3A_142, %dma_start3A_145] : memref<100000x64xf32, #tpu.memory_space<hbm>> -> memref<1x64xf32, #tpu.memory_space<hbm>>
      %dma_start3A_147 = arith.constant 0 : i32
      %dma_start3A_148 = tpu.memref_slice %arg11[%add3A_130, %dma_start3A_147] : memref<256x64xf32, #tpu.memory_space<vmem>> -> memref<1x64xf32, #tpu.memory_space<vmem>>
      %dma_start3A_149 = arith.constant 0 : i32
      %dma_start3A_150 = tpu.memref_slice %arg5[%squeeze3A_142, %dma_start3A_149] : memref<100000x64xf32, #tpu.memory_space<hbm>> -> memref<1x64xf32, #tpu.memory_space<hbm>>
      tpu.enqueue_dma source(%dma_start3A_150 : memref<1x64xf32, #tpu.memory_space<hbm>>) target(%dma_start3A_148 : memref<1x64xf32, #tpu.memory_space<vmem>>) target_semaphore(%arg12 : memref<!tpu.dma_semaphore, #tpu.memory_space<semaphore_mem>>)
      %mul3A_151 = arith.constant 16 : i32
      %mul3A_152 = arith.muli %scan3A_20, %mul3A_151 : i32
      %add3A_153 = arith.constant 5 : i32
      %add3A_154 = arith.addi %mul3A_152, %add3A_153 : i32
      %slice3A_155 = vector.extract_strided_slice %get3A_26 {offsets = [5], sizes = [1], strides = [1]} : vector<16xi32> to vector<1xi32>
      %squeeze3A_156 = vector.extract %slice3A_155[0] : i32 from vector<1xi32>
      %dma_start3A_157 = arith.constant 0 : i32
      %dma_start3A_158 = tpu.memref_slice %arg10[%add3A_154, %dma_start3A_157] : memref<256x64xf32, #tpu.memory_space<vmem>> -> memref<1x64xf32, #tpu.memory_space<vmem>>
      %dma_start3A_159 = arith.constant 0 : i32
      %dma_start3A_160 = tpu.memref_slice %arg4[%squeeze3A_156, %dma_start3A_159] : memref<1000000x64xf32, #tpu.memory_space<hbm>> -> memref<1x64xf32, #tpu.memory_space<hbm>>
      %dma_start3A_161 = arith.constant 0 : i32
      %dma_start3A_162 = tpu.memref_slice %arg10[%add3A_154, %dma_start3A_161] : memref<256x64xf32, #tpu.memory_space<vmem>> -> memref<1x64xf32, #tpu.memory_space<vmem>>
      %dma_start3A_163 = arith.constant 0 : i32
      %dma_start3A_164 = tpu.memref_slice %arg4[%squeeze3A_156, %dma_start3A_163] : memref<1000000x64xf32, #tpu.memory_space<hbm>> -> memref<1x64xf32, #tpu.memory_space<hbm>>
      tpu.enqueue_dma source(%dma_start3A_164 : memref<1x64xf32, #tpu.memory_space<hbm>>) target(%dma_start3A_162 : memref<1x64xf32, #tpu.memory_space<vmem>>) target_semaphore(%arg12 : memref<!tpu.dma_semaphore, #tpu.memory_space<semaphore_mem>>)
      %slice3A_165 = vector.extract_strided_slice %get3A_33 {offsets = [5], sizes = [1], strides = [1]} : vector<16xi32> to vector<1xi32>
      %squeeze3A_166 = vector.extract %slice3A_165[0] : i32 from vector<1xi32>
      %dma_start3A_167 = arith.constant 0 : i32
      %dma_start3A_168 = tpu.memref_slice %arg11[%add3A_154, %dma_start3A_167] : memref<256x64xf32, #tpu.memory_space<vmem>> -> memref<1x64xf32, #tpu.memory_space<vmem>>
      %dma_start3A_169 = arith.constant 0 : i32
      %dma_start3A_170 = tpu.memref_slice %arg5[%squeeze3A_166, %dma_start3A_169] : memref<100000x64xf32, #tpu.memory_space<hbm>> -> memref<1x64xf32, #tpu.memory_space<hbm>>
      %dma_start3A_171 = arith.constant 0 : i32
      %dma_start3A_172 = tpu.memref_slice %arg11[%add3A_154, %dma_start3A_171] : memref<256x64xf32, #tpu.memory_space<vmem>> -> memref<1x64xf32, #tpu.memory_space<vmem>>
      %dma_start3A_173 = arith.constant 0 : i32
      %dma_start3A_174 = tpu.memref_slice %arg5[%squeeze3A_166, %dma_start3A_173] : memref<100000x64xf32, #tpu.memory_space<hbm>> -> memref<1x64xf32, #tpu.memory_space<hbm>>
      tpu.enqueue_dma source(%dma_start3A_174 : memref<1x64xf32, #tpu.memory_space<hbm>>) target(%dma_start3A_172 : memref<1x64xf32, #tpu.memory_space<vmem>>) target_semaphore(%arg12 : memref<!tpu.dma_semaphore, #tpu.memory_space<semaphore_mem>>)
      %mul3A_175 = arith.constant 16 : i32
      %mul3A_176 = arith.muli %scan3A_20, %mul3A_175 : i32
      %add3A_177 = arith.constant 6 : i32
      %add3A_178 = arith.addi %mul3A_176, %add3A_177 : i32
      %slice3A_179 = vector.extract_strided_slice %get3A_26 {offsets = [6], sizes = [1], strides = [1]} : vector<16xi32> to vector<1xi32>
      %squeeze3A_180 = vector.extract %slice3A_179[0] : i32 from vector<1xi32>
      %dma_start3A_181 = arith.constant 0 : i32
      %dma_start3A_182 = tpu.memref_slice %arg10[%add3A_178, %dma_start3A_181] : memref<256x64xf32, #tpu.memory_space<vmem>> -> memref<1x64xf32, #tpu.memory_space<vmem>>
      %dma_start3A_183 = arith.constant 0 : i32
      %dma_start3A_184 = tpu.memref_slice %arg4[%squeeze3A_180, %dma_start3A_183] : memref<1000000x64xf32, #tpu.memory_space<hbm>> -> memref<1x64xf32, #tpu.memory_space<hbm>>
      %dma_start3A_185 = arith.constant 0 : i32
      %dma_start3A_186 = tpu.memref_slice %arg10[%add3A_178, %dma_start3A_185] : memref<256x64xf32, #tpu.memory_space<vmem>> -> memref<1x64xf32, #tpu.memory_space<vmem>>
      %dma_start3A_187 = arith.constant 0 : i32
      %dma_start3A_188 = tpu.memref_slice %arg4[%squeeze3A_180, %dma_start3A_187] : memref<1000000x64xf32, #tpu.memory_space<hbm>> -> memref<1x64xf32, #tpu.memory_space<hbm>>
      tpu.enqueue_dma source(%dma_start3A_188 : memref<1x64xf32, #tpu.memory_space<hbm>>) target(%dma_start3A_186 : memref<1x64xf32, #tpu.memory_space<vmem>>) target_semaphore(%arg12 : memref<!tpu.dma_semaphore, #tpu.memory_space<semaphore_mem>>)
      %slice3A_189 = vector.extract_strided_slice %get3A_33 {offsets = [6], sizes = [1], strides = [1]} : vector<16xi32> to vector<1xi32>
      %squeeze3A_190 = vector.extract %slice3A_189[0] : i32 from vector<1xi32>
      %dma_start3A_191 = arith.constant 0 : i32
      %dma_start3A_192 = tpu.memref_slice %arg11[%add3A_178, %dma_start3A_191] : memref<256x64xf32, #tpu.memory_space<vmem>> -> memref<1x64xf32, #tpu.memory_space<vmem>>
      %dma_start3A_193 = arith.constant 0 : i32
      %dma_start3A_194 = tpu.memref_slice %arg5[%squeeze3A_190, %dma_start3A_193] : memref<100000x64xf32, #tpu.memory_space<hbm>> -> memref<1x64xf32, #tpu.memory_space<hbm>>
      %dma_start3A_195 = arith.constant 0 : i32
      %dma_start3A_196 = tpu.memref_slice %arg11[%add3A_178, %dma_start3A_195] : memref<256x64xf32, #tpu.memory_space<vmem>> -> memref<1x64xf32, #tpu.memory_space<vmem>>
      %dma_start3A_197 = arith.constant 0 : i32
      %dma_start3A_198 = tpu.memref_slice %arg5[%squeeze3A_190, %dma_start3A_197] : memref<100000x64xf32, #tpu.memory_space<hbm>> -> memref<1x64xf32, #tpu.memory_space<hbm>>
      tpu.enqueue_dma source(%dma_start3A_198 : memref<1x64xf32, #tpu.memory_space<hbm>>) target(%dma_start3A_196 : memref<1x64xf32, #tpu.memory_space<vmem>>) target_semaphore(%arg12 : memref<!tpu.dma_semaphore, #tpu.memory_space<semaphore_mem>>)
      %mul3A_199 = arith.constant 16 : i32
      %mul3A_200 = arith.muli %scan3A_20, %mul3A_199 : i32
      %add3A_201 = arith.constant 7 : i32
      %add3A_202 = arith.addi %mul3A_200, %add3A_201 : i32
      %slice3A_203 = vector.extract_strided_slice %get3A_26 {offsets = [7], sizes = [1], strides = [1]} : vector<16xi32> to vector<1xi32>
      %squeeze3A_204 = vector.extract %slice3A_203[0] : i32 from vector<1xi32>
      %dma_start3A_205 = arith.constant 0 : i32
      %dma_start3A_206 = tpu.memref_slice %arg10[%add3A_202, %dma_start3A_205] : memref<256x64xf32, #tpu.memory_space<vmem>> -> memref<1x64xf32, #tpu.memory_space<vmem>>
      %dma_start3A_207 = arith.constant 0 : i32
      %dma_start3A_208 = tpu.memref_slice %arg4[%squeeze3A_204, %dma_start3A_207] : memref<1000000x64xf32, #tpu.memory_space<hbm>> -> memref<1x64xf32, #tpu.memory_space<hbm>>
      %dma_start3A_209 = arith.constant 0 : i32
      %dma_start3A_210 = tpu.memref_slice %arg10[%add3A_202, %dma_start3A_209] : memref<256x64xf32, #tpu.memory_space<vmem>> -> memref<1x64xf32, #tpu.memory_space<vmem>>
      %dma_start3A_211 = arith.constant 0 : i32
      %dma_start3A_212 = tpu.memref_slice %arg4[%squeeze3A_204, %dma_start3A_211] : memref<1000000x64xf32, #tpu.memory_space<hbm>> -> memref<1x64xf32, #tpu.memory_space<hbm>>
      tpu.enqueue_dma source(%dma_start3A_212 : memref<1x64xf32, #tpu.memory_space<hbm>>) target(%dma_start3A_210 : memref<1x64xf32, #tpu.memory_space<vmem>>) target_semaphore(%arg12 : memref<!tpu.dma_semaphore, #tpu.memory_space<semaphore_mem>>)
      %slice3A_213 = vector.extract_strided_slice %get3A_33 {offsets = [7], sizes = [1], strides = [1]} : vector<16xi32> to vector<1xi32>
      %squeeze3A_214 = vector.extract %slice3A_213[0] : i32 from vector<1xi32>
      %dma_start3A_215 = arith.constant 0 : i32
      %dma_start3A_216 = tpu.memref_slice %arg11[%add3A_202, %dma_start3A_215] : memref<256x64xf32, #tpu.memory_space<vmem>> -> memref<1x64xf32, #tpu.memory_space<vmem>>
      %dma_start3A_217 = arith.constant 0 : i32
      %dma_start3A_218 = tpu.memref_slice %arg5[%squeeze3A_214, %dma_start3A_217] : memref<100000x64xf32, #tpu.memory_space<hbm>> -> memref<1x64xf32, #tpu.memory_space<hbm>>
      %dma_start3A_219 = arith.constant 0 : i32
      %dma_start3A_220 = tpu.memref_slice %arg11[%add3A_202, %dma_start3A_219] : memref<256x64xf32, #tpu.memory_space<vmem>> -> memref<1x64xf32, #tpu.memory_space<vmem>>
      %dma_start3A_221 = arith.constant 0 : i32
      %dma_start3A_222 = tpu.memref_slice %arg5[%squeeze3A_214, %dma_start3A_221] : memref<100000x64xf32, #tpu.memory_space<hbm>> -> memref<1x64xf32, #tpu.memory_space<hbm>>
      tpu.enqueue_dma source(%dma_start3A_222 : memref<1x64xf32, #tpu.memory_space<hbm>>) target(%dma_start3A_220 : memref<1x64xf32, #tpu.memory_space<vmem>>) target_semaphore(%arg12 : memref<!tpu.dma_semaphore, #tpu.memory_space<semaphore_mem>>)
      %mul3A_223 = arith.constant 16 : i32
      %mul3A_224 = arith.muli %scan3A_20, %mul3A_223 : i32
      %add3A_225 = arith.constant 8 : i32
      %add3A_226 = arith.addi %mul3A_224, %add3A_225 : i32
      %slice3A_227 = vector.extract_strided_slice %get3A_26 {offsets = [8], sizes = [1], strides = [1]} : vector<16xi32> to vector<1xi32>
      %squeeze3A_228 = vector.extract %slice3A_227[0] : i32 from vector<1xi32>
      %dma_start3A_229 = arith.constant 0 : i32
      %dma_start3A_230 = tpu.memref_slice %arg10[%add3A_226, %dma_start3A_229] : memref<256x64xf32, #tpu.memory_space<vmem>> -> memref<1x64xf32, #tpu.memory_space<vmem>>
      %dma_start3A_231 = arith.constant 0 : i32
      %dma_start3A_232 = tpu.memref_slice %arg4[%squeeze3A_228, %dma_start3A_231] : memref<1000000x64xf32, #tpu.memory_space<hbm>> -> memref<1x64xf32, #tpu.memory_space<hbm>>
      %dma_start3A_233 = arith.constant 0 : i32
      %dma_start3A_234 = tpu.memref_slice %arg10[%add3A_226, %dma_start3A_233] : memref<256x64xf32, #tpu.memory_space<vmem>> -> memref<1x64xf32, #tpu.memory_space<vmem>>
      %dma_start3A_235 = arith.constant 0 : i32
      %dma_start3A_236 = tpu.memref_slice %arg4[%squeeze3A_228, %dma_start3A_235] : memref<1000000x64xf32, #tpu.memory_space<hbm>> -> memref<1x64xf32, #tpu.memory_space<hbm>>
      tpu.enqueue_dma source(%dma_start3A_236 : memref<1x64xf32, #tpu.memory_space<hbm>>) target(%dma_start3A_234 : memref<1x64xf32, #tpu.memory_space<vmem>>) target_semaphore(%arg12 : memref<!tpu.dma_semaphore, #tpu.memory_space<semaphore_mem>>)
      %slice3A_237 = vector.extract_strided_slice %get3A_33 {offsets = [8], sizes = [1], strides = [1]} : vector<16xi32> to vector<1xi32>
      %squeeze3A_238 = vector.extract %slice3A_237[0] : i32 from vector<1xi32>
      %dma_start3A_239 = arith.constant 0 : i32
      %dma_start3A_240 = tpu.memref_slice %arg11[%add3A_226, %dma_start3A_239] : memref<256x64xf32, #tpu.memory_space<vmem>> -> memref<1x64xf32, #tpu.memory_space<vmem>>
      %dma_start3A_241 = arith.constant 0 : i32
      %dma_start3A_242 = tpu.memref_slice %arg5[%squeeze3A_238, %dma_start3A_241] : memref<100000x64xf32, #tpu.memory_space<hbm>> -> memref<1x64xf32, #tpu.memory_space<hbm>>
      %dma_start3A_243 = arith.constant 0 : i32
      %dma_start3A_244 = tpu.memref_slice %arg11[%add3A_226, %dma_start3A_243] : memref<256x64xf32, #tpu.memory_space<vmem>> -> memref<1x64xf32, #tpu.memory_space<vmem>>
      %dma_start3A_245 = arith.constant 0 : i32
      %dma_start3A_246 = tpu.memref_slice %arg5[%squeeze3A_238, %dma_start3A_245] : memref<100000x64xf32, #tpu.memory_space<hbm>> -> memref<1x64xf32, #tpu.memory_space<hbm>>
      tpu.enqueue_dma source(%dma_start3A_246 : memref<1x64xf32, #tpu.memory_space<hbm>>) target(%dma_start3A_244 : memref<1x64xf32, #tpu.memory_space<vmem>>) target_semaphore(%arg12 : memref<!tpu.dma_semaphore, #tpu.memory_space<semaphore_mem>>)
      %mul3A_247 = arith.constant 16 : i32
      %mul3A_248 = arith.muli %scan3A_20, %mul3A_247 : i32
      %add3A_249 = arith.constant 9 : i32
      %add3A_250 = arith.addi %mul3A_248, %add3A_249 : i32
      %slice3A_251 = vector.extract_strided_slice %get3A_26 {offsets = [9], sizes = [1], strides = [1]} : vector<16xi32> to vector<1xi32>
      %squeeze3A_252 = vector.extract %slice3A_251[0] : i32 from vector<1xi32>
      %dma_start3A_253 = arith.constant 0 : i32
      %dma_start3A_254 = tpu.memref_slice %arg10[%add3A_250, %dma_start3A_253] : memref<256x64xf32, #tpu.memory_space<vmem>> -> memref<1x64xf32, #tpu.memory_space<vmem>>
      %dma_start3A_255 = arith.constant 0 : i32
      %dma_start3A_256 = tpu.memref_slice %arg4[%squeeze3A_252, %dma_start3A_255] : memref<1000000x64xf32, #tpu.memory_space<hbm>> -> memref<1x64xf32, #tpu.memory_space<hbm>>
      %dma_start3A_257 = arith.constant 0 : i32
      %dma_start3A_258 = tpu.memref_slice %arg10[%add3A_250, %dma_start3A_257] : memref<256x64xf32, #tpu.memory_space<vmem>> -> memref<1x64xf32, #tpu.memory_space<vmem>>
      %dma_start3A_259 = arith.constant 0 : i32
      %dma_start3A_260 = tpu.memref_slice %arg4[%squeeze3A_252, %dma_start3A_259] : memref<1000000x64xf32, #tpu.memory_space<hbm>> -> memref<1x64xf32, #tpu.memory_space<hbm>>
      tpu.enqueue_dma source(%dma_start3A_260 : memref<1x64xf32, #tpu.memory_space<hbm>>) target(%dma_start3A_258 : memref<1x64xf32, #tpu.memory_space<vmem>>) target_semaphore(%arg12 : memref<!tpu.dma_semaphore, #tpu.memory_space<semaphore_mem>>)
      %slice3A_261 = vector.extract_strided_slice %get3A_33 {offsets = [9], sizes = [1], strides = [1]} : vector<16xi32> to vector<1xi32>
      %squeeze3A_262 = vector.extract %slice3A_261[0] : i32 from vector<1xi32>
      %dma_start3A_263 = arith.constant 0 : i32
      %dma_start3A_264 = tpu.memref_slice %arg11[%add3A_250, %dma_start3A_263] : memref<256x64xf32, #tpu.memory_space<vmem>> -> memref<1x64xf32, #tpu.memory_space<vmem>>
      %dma_start3A_265 = arith.constant 0 : i32
      %dma_start3A_266 = tpu.memref_slice %arg5[%squeeze3A_262, %dma_start3A_265] : memref<100000x64xf32, #tpu.memory_space<hbm>> -> memref<1x64xf32, #tpu.memory_space<hbm>>
      %dma_start3A_267 = arith.constant 0 : i32
      %dma_start3A_268 = tpu.memref_slice %arg11[%add3A_250, %dma_start3A_267] : memref<256x64xf32, #tpu.memory_space<vmem>> -> memref<1x64xf32, #tpu.memory_space<vmem>>
      %dma_start3A_269 = arith.constant 0 : i32
      %dma_start3A_270 = tpu.memref_slice %arg5[%squeeze3A_262, %dma_start3A_269] : memref<100000x64xf32, #tpu.memory_space<hbm>> -> memref<1x64xf32, #tpu.memory_space<hbm>>
      tpu.enqueue_dma source(%dma_start3A_270 : memref<1x64xf32, #tpu.memory_space<hbm>>) target(%dma_start3A_268 : memref<1x64xf32, #tpu.memory_space<vmem>>) target_semaphore(%arg12 : memref<!tpu.dma_semaphore, #tpu.memory_space<semaphore_mem>>)
      %mul3A_271 = arith.constant 16 : i32
      %mul3A_272 = arith.muli %scan3A_20, %mul3A_271 : i32
      %add3A_273 = arith.constant 10 : i32
      %add3A_274 = arith.addi %mul3A_272, %add3A_273 : i32
      %slice3A_275 = vector.extract_strided_slice %get3A_26 {offsets = [10], sizes = [1], strides = [1]} : vector<16xi32> to vector<1xi32>
      %squeeze3A_276 = vector.extract %slice3A_275[0] : i32 from vector<1xi32>
      %dma_start3A_277 = arith.constant 0 : i32
      %dma_start3A_278 = tpu.memref_slice %arg10[%add3A_274, %dma_start3A_277] : memref<256x64xf32, #tpu.memory_space<vmem>> -> memref<1x64xf32, #tpu.memory_space<vmem>>
      %dma_start3A_279 = arith.constant 0 : i32
      %dma_start3A_280 = tpu.memref_slice %arg4[%squeeze3A_276, %dma_start3A_279] : memref<1000000x64xf32, #tpu.memory_space<hbm>> -> memref<1x64xf32, #tpu.memory_space<hbm>>
      %dma_start3A_281 = arith.constant 0 : i32
      %dma_start3A_282 = tpu.memref_slice %arg10[%add3A_274, %dma_start3A_281] : memref<256x64xf32, #tpu.memory_space<vmem>> -> memref<1x64xf32, #tpu.memory_space<vmem>>
      %dma_start3A_283 = arith.constant 0 : i32
      %dma_start3A_284 = tpu.memref_slice %arg4[%squeeze3A_276, %dma_start3A_283] : memref<1000000x64xf32, #tpu.memory_space<hbm>> -> memref<1x64xf32, #tpu.memory_space<hbm>>
      tpu.enqueue_dma source(%dma_start3A_284 : memref<1x64xf32, #tpu.memory_space<hbm>>) target(%dma_start3A_282 : memref<1x64xf32, #tpu.memory_space<vmem>>) target_semaphore(%arg12 : memref<!tpu.dma_semaphore, #tpu.memory_space<semaphore_mem>>)
      %slice3A_285 = vector.extract_strided_slice %get3A_33 {offsets = [10], sizes = [1], strides = [1]} : vector<16xi32> to vector<1xi32>
      %squeeze3A_286 = vector.extract %slice3A_285[0] : i32 from vector<1xi32>
      %dma_start3A_287 = arith.constant 0 : i32
      %dma_start3A_288 = tpu.memref_slice %arg11[%add3A_274, %dma_start3A_287] : memref<256x64xf32, #tpu.memory_space<vmem>> -> memref<1x64xf32, #tpu.memory_space<vmem>>
      %dma_start3A_289 = arith.constant 0 : i32
      %dma_start3A_290 = tpu.memref_slice %arg5[%squeeze3A_286, %dma_start3A_289] : memref<100000x64xf32, #tpu.memory_space<hbm>> -> memref<1x64xf32, #tpu.memory_space<hbm>>
      %dma_start3A_291 = arith.constant 0 : i32
      %dma_start3A_292 = tpu.memref_slice %arg11[%add3A_274, %dma_start3A_291] : memref<256x64xf32, #tpu.memory_space<vmem>> -> memref<1x64xf32, #tpu.memory_space<vmem>>
      %dma_start3A_293 = arith.constant 0 : i32
      %dma_start3A_294 = tpu.memref_slice %arg5[%squeeze3A_286, %dma_start3A_293] : memref<100000x64xf32, #tpu.memory_space<hbm>> -> memref<1x64xf32, #tpu.memory_space<hbm>>
      tpu.enqueue_dma source(%dma_start3A_294 : memref<1x64xf32, #tpu.memory_space<hbm>>) target(%dma_start3A_292 : memref<1x64xf32, #tpu.memory_space<vmem>>) target_semaphore(%arg12 : memref<!tpu.dma_semaphore, #tpu.memory_space<semaphore_mem>>)
      %mul3A_295 = arith.constant 16 : i32
      %mul3A_296 = arith.muli %scan3A_20, %mul3A_295 : i32
      %add3A_297 = arith.constant 11 : i32
      %add3A_298 = arith.addi %mul3A_296, %add3A_297 : i32
      %slice3A_299 = vector.extract_strided_slice %get3A_26 {offsets = [11], sizes = [1], strides = [1]} : vector<16xi32> to vector<1xi32>
      %squeeze3A_300 = vector.extract %slice3A_299[0] : i32 from vector<1xi32>
      %dma_start3A_301 = arith.constant 0 : i32
      %dma_start3A_302 = tpu.memref_slice %arg10[%add3A_298, %dma_start3A_301] : memref<256x64xf32, #tpu.memory_space<vmem>> -> memref<1x64xf32, #tpu.memory_space<vmem>>
      %dma_start3A_303 = arith.constant 0 : i32
      %dma_start3A_304 = tpu.memref_slice %arg4[%squeeze3A_300, %dma_start3A_303] : memref<1000000x64xf32, #tpu.memory_space<hbm>> -> memref<1x64xf32, #tpu.memory_space<hbm>>
      %dma_start3A_305 = arith.constant 0 : i32
      %dma_start3A_306 = tpu.memref_slice %arg10[%add3A_298, %dma_start3A_305] : memref<256x64xf32, #tpu.memory_space<vmem>> -> memref<1x64xf32, #tpu.memory_space<vmem>>
      %dma_start3A_307 = arith.constant 0 : i32
      %dma_start3A_308 = tpu.memref_slice %arg4[%squeeze3A_300, %dma_start3A_307] : memref<1000000x64xf32, #tpu.memory_space<hbm>> -> memref<1x64xf32, #tpu.memory_space<hbm>>
      tpu.enqueue_dma source(%dma_start3A_308 : memref<1x64xf32, #tpu.memory_space<hbm>>) target(%dma_start3A_306 : memref<1x64xf32, #tpu.memory_space<vmem>>) target_semaphore(%arg12 : memref<!tpu.dma_semaphore, #tpu.memory_space<semaphore_mem>>)
      %slice3A_309 = vector.extract_strided_slice %get3A_33 {offsets = [11], sizes = [1], strides = [1]} : vector<16xi32> to vector<1xi32>
      %squeeze3A_310 = vector.extract %slice3A_309[0] : i32 from vector<1xi32>
      %dma_start3A_311 = arith.constant 0 : i32
      %dma_start3A_312 = tpu.memref_slice %arg11[%add3A_298, %dma_start3A_311] : memref<256x64xf32, #tpu.memory_space<vmem>> -> memref<1x64xf32, #tpu.memory_space<vmem>>
      %dma_start3A_313 = arith.constant 0 : i32
      %dma_start3A_314 = tpu.memref_slice %arg5[%squeeze3A_310, %dma_start3A_313] : memref<100000x64xf32, #tpu.memory_space<hbm>> -> memref<1x64xf32, #tpu.memory_space<hbm>>
      %dma_start3A_315 = arith.constant 0 : i32
      %dma_start3A_316 = tpu.memref_slice %arg11[%add3A_298, %dma_start3A_315] : memref<256x64xf32, #tpu.memory_space<vmem>> -> memref<1x64xf32, #tpu.memory_space<vmem>>
      %dma_start3A_317 = arith.constant 0 : i32
      %dma_start3A_318 = tpu.memref_slice %arg5[%squeeze3A_310, %dma_start3A_317] : memref<100000x64xf32, #tpu.memory_space<hbm>> -> memref<1x64xf32, #tpu.memory_space<hbm>>
      tpu.enqueue_dma source(%dma_start3A_318 : memref<1x64xf32, #tpu.memory_space<hbm>>) target(%dma_start3A_316 : memref<1x64xf32, #tpu.memory_space<vmem>>) target_semaphore(%arg12 : memref<!tpu.dma_semaphore, #tpu.memory_space<semaphore_mem>>)
      %mul3A_319 = arith.constant 16 : i32
      %mul3A_320 = arith.muli %scan3A_20, %mul3A_319 : i32
      %add3A_321 = arith.constant 12 : i32
      %add3A_322 = arith.addi %mul3A_320, %add3A_321 : i32
      %slice3A_323 = vector.extract_strided_slice %get3A_26 {offsets = [12], sizes = [1], strides = [1]} : vector<16xi32> to vector<1xi32>
      %squeeze3A_324 = vector.extract %slice3A_323[0] : i32 from vector<1xi32>
      %dma_start3A_325 = arith.constant 0 : i32
      %dma_start3A_326 = tpu.memref_slice %arg10[%add3A_322, %dma_start3A_325] : memref<256x64xf32, #tpu.memory_space<vmem>> -> memref<1x64xf32, #tpu.memory_space<vmem>>
      %dma_start3A_327 = arith.constant 0 : i32
      %dma_start3A_328 = tpu.memref_slice %arg4[%squeeze3A_324, %dma_start3A_327] : memref<1000000x64xf32, #tpu.memory_space<hbm>> -> memref<1x64xf32, #tpu.memory_space<hbm>>
      %dma_start3A_329 = arith.constant 0 : i32
      %dma_start3A_330 = tpu.memref_slice %arg10[%add3A_322, %dma_start3A_329] : memref<256x64xf32, #tpu.memory_space<vmem>> -> memref<1x64xf32, #tpu.memory_space<vmem>>
      %dma_start3A_331 = arith.constant 0 : i32
      %dma_start3A_332 = tpu.memref_slice %arg4[%squeeze3A_324, %dma_start3A_331] : memref<1000000x64xf32, #tpu.memory_space<hbm>> -> memref<1x64xf32, #tpu.memory_space<hbm>>
      tpu.enqueue_dma source(%dma_start3A_332 : memref<1x64xf32, #tpu.memory_space<hbm>>) target(%dma_start3A_330 : memref<1x64xf32, #tpu.memory_space<vmem>>) target_semaphore(%arg12 : memref<!tpu.dma_semaphore, #tpu.memory_space<semaphore_mem>>)
      %slice3A_333 = vector.extract_strided_slice %get3A_33 {offsets = [12], sizes = [1], strides = [1]} : vector<16xi32> to vector<1xi32>
      %squeeze3A_334 = vector.extract %slice3A_333[0] : i32 from vector<1xi32>
      %dma_start3A_335 = arith.constant 0 : i32
      %dma_start3A_336 = tpu.memref_slice %arg11[%add3A_322, %dma_start3A_335] : memref<256x64xf32, #tpu.memory_space<vmem>> -> memref<1x64xf32, #tpu.memory_space<vmem>>
      %dma_start3A_337 = arith.constant 0 : i32
      %dma_start3A_338 = tpu.memref_slice %arg5[%squeeze3A_334, %dma_start3A_337] : memref<100000x64xf32, #tpu.memory_space<hbm>> -> memref<1x64xf32, #tpu.memory_space<hbm>>
      %dma_start3A_339 = arith.constant 0 : i32
      %dma_start3A_340 = tpu.memref_slice %arg11[%add3A_322, %dma_start3A_339] : memref<256x64xf32, #tpu.memory_space<vmem>> -> memref<1x64xf32, #tpu.memory_space<vmem>>
      %dma_start3A_341 = arith.constant 0 : i32
      %dma_start3A_342 = tpu.memref_slice %arg5[%squeeze3A_334, %dma_start3A_341] : memref<100000x64xf32, #tpu.memory_space<hbm>> -> memref<1x64xf32, #tpu.memory_space<hbm>>
      tpu.enqueue_dma source(%dma_start3A_342 : memref<1x64xf32, #tpu.memory_space<hbm>>) target(%dma_start3A_340 : memref<1x64xf32, #tpu.memory_space<vmem>>) target_semaphore(%arg12 : memref<!tpu.dma_semaphore, #tpu.memory_space<semaphore_mem>>)
      %mul3A_343 = arith.constant 16 : i32
      %mul3A_344 = arith.muli %scan3A_20, %mul3A_343 : i32
      %add3A_345 = arith.constant 13 : i32
      %add3A_346 = arith.addi %mul3A_344, %add3A_345 : i32
      %slice3A_347 = vector.extract_strided_slice %get3A_26 {offsets = [13], sizes = [1], strides = [1]} : vector<16xi32> to vector<1xi32>
      %squeeze3A_348 = vector.extract %slice3A_347[0] : i32 from vector<1xi32>
      %dma_start3A_349 = arith.constant 0 : i32
      %dma_start3A_350 = tpu.memref_slice %arg10[%add3A_346, %dma_start3A_349] : memref<256x64xf32, #tpu.memory_space<vmem>> -> memref<1x64xf32, #tpu.memory_space<vmem>>
      %dma_start3A_351 = arith.constant 0 : i32
      %dma_start3A_352 = tpu.memref_slice %arg4[%squeeze3A_348, %dma_start3A_351] : memref<1000000x64xf32, #tpu.memory_space<hbm>> -> memref<1x64xf32, #tpu.memory_space<hbm>>
      %dma_start3A_353 = arith.constant 0 : i32
      %dma_start3A_354 = tpu.memref_slice %arg10[%add3A_346, %dma_start3A_353] : memref<256x64xf32, #tpu.memory_space<vmem>> -> memref<1x64xf32, #tpu.memory_space<vmem>>
      %dma_start3A_355 = arith.constant 0 : i32
      %dma_start3A_356 = tpu.memref_slice %arg4[%squeeze3A_348, %dma_start3A_355] : memref<1000000x64xf32, #tpu.memory_space<hbm>> -> memref<1x64xf32, #tpu.memory_space<hbm>>
      tpu.enqueue_dma source(%dma_start3A_356 : memref<1x64xf32, #tpu.memory_space<hbm>>) target(%dma_start3A_354 : memref<1x64xf32, #tpu.memory_space<vmem>>) target_semaphore(%arg12 : memref<!tpu.dma_semaphore, #tpu.memory_space<semaphore_mem>>)
      %slice3A_357 = vector.extract_strided_slice %get3A_33 {offsets = [13], sizes = [1], strides = [1]} : vector<16xi32> to vector<1xi32>
      %squeeze3A_358 = vector.extract %slice3A_357[0] : i32 from vector<1xi32>
      %dma_start3A_359 = arith.constant 0 : i32
      %dma_start3A_360 = tpu.memref_slice %arg11[%add3A_346, %dma_start3A_359] : memref<256x64xf32, #tpu.memory_space<vmem>> -> memref<1x64xf32, #tpu.memory_space<vmem>>
      %dma_start3A_361 = arith.constant 0 : i32
      %dma_start3A_362 = tpu.memref_slice %arg5[%squeeze3A_358, %dma_start3A_361] : memref<100000x64xf32, #tpu.memory_space<hbm>> -> memref<1x64xf32, #tpu.memory_space<hbm>>
      %dma_start3A_363 = arith.constant 0 : i32
      %dma_start3A_364 = tpu.memref_slice %arg11[%add3A_346, %dma_start3A_363] : memref<256x64xf32, #tpu.memory_space<vmem>> -> memref<1x64xf32, #tpu.memory_space<vmem>>
      %dma_start3A_365 = arith.constant 0 : i32
      %dma_start3A_366 = tpu.memref_slice %arg5[%squeeze3A_358, %dma_start3A_365] : memref<100000x64xf32, #tpu.memory_space<hbm>> -> memref<1x64xf32, #tpu.memory_space<hbm>>
      tpu.enqueue_dma source(%dma_start3A_366 : memref<1x64xf32, #tpu.memory_space<hbm>>) target(%dma_start3A_364 : memref<1x64xf32, #tpu.memory_space<vmem>>) target_semaphore(%arg12 : memref<!tpu.dma_semaphore, #tpu.memory_space<semaphore_mem>>)
      %mul3A_367 = arith.constant 16 : i32
      %mul3A_368 = arith.muli %scan3A_20, %mul3A_367 : i32
      %add3A_369 = arith.constant 14 : i32
      %add3A_370 = arith.addi %mul3A_368, %add3A_369 : i32
      %slice3A_371 = vector.extract_strided_slice %get3A_26 {offsets = [14], sizes = [1], strides = [1]} : vector<16xi32> to vector<1xi32>
      %squeeze3A_372 = vector.extract %slice3A_371[0] : i32 from vector<1xi32>
      %dma_start3A_373 = arith.constant 0 : i32
      %dma_start3A_374 = tpu.memref_slice %arg10[%add3A_370, %dma_start3A_373] : memref<256x64xf32, #tpu.memory_space<vmem>> -> memref<1x64xf32, #tpu.memory_space<vmem>>
      %dma_start3A_375 = arith.constant 0 : i32
      %dma_start3A_376 = tpu.memref_slice %arg4[%squeeze3A_372, %dma_start3A_375] : memref<1000000x64xf32, #tpu.memory_space<hbm>> -> memref<1x64xf32, #tpu.memory_space<hbm>>
      %dma_start3A_377 = arith.constant 0 : i32
      %dma_start3A_378 = tpu.memref_slice %arg10[%add3A_370, %dma_start3A_377] : memref<256x64xf32, #tpu.memory_space<vmem>> -> memref<1x64xf32, #tpu.memory_space<vmem>>
      %dma_start3A_379 = arith.constant 0 : i32
      %dma_start3A_380 = tpu.memref_slice %arg4[%squeeze3A_372, %dma_start3A_379] : memref<1000000x64xf32, #tpu.memory_space<hbm>> -> memref<1x64xf32, #tpu.memory_space<hbm>>
      tpu.enqueue_dma source(%dma_start3A_380 : memref<1x64xf32, #tpu.memory_space<hbm>>) target(%dma_start3A_378 : memref<1x64xf32, #tpu.memory_space<vmem>>) target_semaphore(%arg12 : memref<!tpu.dma_semaphore, #tpu.memory_space<semaphore_mem>>)
      %slice3A_381 = vector.extract_strided_slice %get3A_33 {offsets = [14], sizes = [1], strides = [1]} : vector<16xi32> to vector<1xi32>
      %squeeze3A_382 = vector.extract %slice3A_381[0] : i32 from vector<1xi32>
      %dma_start3A_383 = arith.constant 0 : i32
      %dma_start3A_384 = tpu.memref_slice %arg11[%add3A_370, %dma_start3A_383] : memref<256x64xf32, #tpu.memory_space<vmem>> -> memref<1x64xf32, #tpu.memory_space<vmem>>
      %dma_start3A_385 = arith.constant 0 : i32
      %dma_start3A_386 = tpu.memref_slice %arg5[%squeeze3A_382, %dma_start3A_385] : memref<100000x64xf32, #tpu.memory_space<hbm>> -> memref<1x64xf32, #tpu.memory_space<hbm>>
      %dma_start3A_387 = arith.constant 0 : i32
      %dma_start3A_388 = tpu.memref_slice %arg11[%add3A_370, %dma_start3A_387] : memref<256x64xf32, #tpu.memory_space<vmem>> -> memref<1x64xf32, #tpu.memory_space<vmem>>
      %dma_start3A_389 = arith.constant 0 : i32
      %dma_start3A_390 = tpu.memref_slice %arg5[%squeeze3A_382, %dma_start3A_389] : memref<100000x64xf32, #tpu.memory_space<hbm>> -> memref<1x64xf32, #tpu.memory_space<hbm>>
      tpu.enqueue_dma source(%dma_start3A_390 : memref<1x64xf32, #tpu.memory_space<hbm>>) target(%dma_start3A_388 : memref<1x64xf32, #tpu.memory_space<vmem>>) target_semaphore(%arg12 : memref<!tpu.dma_semaphore, #tpu.memory_space<semaphore_mem>>)
      %mul3A_391 = arith.constant 16 : i32
      %mul3A_392 = arith.muli %scan3A_20, %mul3A_391 : i32
      %add3A_393 = arith.constant 15 : i32
      %add3A_394 = arith.addi %mul3A_392, %add3A_393 : i32
      %slice3A_395 = vector.extract_strided_slice %get3A_26 {offsets = [15], sizes = [1], strides = [1]} : vector<16xi32> to vector<1xi32>
      %squeeze3A_396 = vector.extract %slice3A_395[0] : i32 from vector<1xi32>
      %dma_start3A_397 = arith.constant 0 : i32
      %dma_start3A_398 = tpu.memref_slice %arg10[%add3A_394, %dma_start3A_397] : memref<256x64xf32, #tpu.memory_space<vmem>> -> memref<1x64xf32, #tpu.memory_space<vmem>>
      %dma_start3A_399 = arith.constant 0 : i32
      %dma_start3A_400 = tpu.memref_slice %arg4[%squeeze3A_396, %dma_start3A_399] : memref<1000000x64xf32, #tpu.memory_space<hbm>> -> memref<1x64xf32, #tpu.memory_space<hbm>>
      %dma_start3A_401 = arith.constant 0 : i32
      %dma_start3A_402 = tpu.memref_slice %arg10[%add3A_394, %dma_start3A_401] : memref<256x64xf32, #tpu.memory_space<vmem>> -> memref<1x64xf32, #tpu.memory_space<vmem>>
      %dma_start3A_403 = arith.constant 0 : i32
      %dma_start3A_404 = tpu.memref_slice %arg4[%squeeze3A_396, %dma_start3A_403] : memref<1000000x64xf32, #tpu.memory_space<hbm>> -> memref<1x64xf32, #tpu.memory_space<hbm>>
      tpu.enqueue_dma source(%dma_start3A_404 : memref<1x64xf32, #tpu.memory_space<hbm>>) target(%dma_start3A_402 : memref<1x64xf32, #tpu.memory_space<vmem>>) target_semaphore(%arg12 : memref<!tpu.dma_semaphore, #tpu.memory_space<semaphore_mem>>)
      %slice3A_405 = vector.extract_strided_slice %get3A_33 {offsets = [15], sizes = [1], strides = [1]} : vector<16xi32> to vector<1xi32>
      %squeeze3A_406 = vector.extract %slice3A_405[0] : i32 from vector<1xi32>
      %dma_start3A_407 = arith.constant 0 : i32
      %dma_start3A_408 = tpu.memref_slice %arg11[%add3A_394, %dma_start3A_407] : memref<256x64xf32, #tpu.memory_space<vmem>> -> memref<1x64xf32, #tpu.memory_space<vmem>>
      %dma_start3A_409 = arith.constant 0 : i32
      %dma_start3A_410 = tpu.memref_slice %arg5[%squeeze3A_406, %dma_start3A_409] : memref<100000x64xf32, #tpu.memory_space<hbm>> -> memref<1x64xf32, #tpu.memory_space<hbm>>
      %dma_start3A_411 = arith.constant 0 : i32
      %dma_start3A_412 = tpu.memref_slice %arg11[%add3A_394, %dma_start3A_411] : memref<256x64xf32, #tpu.memory_space<vmem>> -> memref<1x64xf32, #tpu.memory_space<vmem>>
      %dma_start3A_413 = arith.constant 0 : i32
      %dma_start3A_414 = tpu.memref_slice %arg5[%squeeze3A_406, %dma_start3A_413] : memref<100000x64xf32, #tpu.memory_space<hbm>> -> memref<1x64xf32, #tpu.memory_space<hbm>>
      tpu.enqueue_dma source(%dma_start3A_414 : memref<1x64xf32, #tpu.memory_space<hbm>>) target(%dma_start3A_412 : memref<1x64xf32, #tpu.memory_space<vmem>>) target_semaphore(%arg12 : memref<!tpu.dma_semaphore, #tpu.memory_space<semaphore_mem>>)
      %dma_wait3A = arith.constant 0 : i32
      %dma_wait3A_415 = tpu.memref_slice %arg10[%add3A_37, %dma_wait3A] : memref<256x64xf32, #tpu.memory_space<vmem>> -> memref<1x64xf32, #tpu.memory_space<vmem>>
      %dma_wait3A_416 = arith.constant 0 : i32
      %dma_wait3A_417 = tpu.memref_slice %arg4[%squeeze3A, %dma_wait3A_416] : memref<1000000x64xf32, #tpu.memory_space<hbm>> -> memref<1x64xf32, #tpu.memory_space<hbm>>
      %dma_wait3A_418 = arith.constant 0 : i32
      %dma_wait3A_419 = tpu.memref_slice %arg10[%add3A_37, %dma_wait3A_418] : memref<256x64xf32, #tpu.memory_space<vmem>> -> memref<1x64xf32, #tpu.memory_space<vmem>>
      %dma_wait3A_420 = arith.constant 0 : i32
      %dma_wait3A_421 = tpu.memref_slice %arg4[%squeeze3A, %dma_wait3A_420] : memref<1000000x64xf32, #tpu.memory_space<hbm>> -> memref<1x64xf32, #tpu.memory_space<hbm>>
      tpu.wait_dma2 semaphore(%arg12 : memref<!tpu.dma_semaphore, #tpu.memory_space<semaphore_mem>>) src(%dma_wait3A_421 : memref<1x64xf32, #tpu.memory_space<hbm>>) dst(%dma_wait3A_419 : memref<1x64xf32, #tpu.memory_space<vmem>>)
      %dma_wait3A_422 = arith.constant 0 : i32
      %dma_wait3A_423 = tpu.memref_slice %arg11[%add3A_37, %dma_wait3A_422] : memref<256x64xf32, #tpu.memory_space<vmem>> -> memref<1x64xf32, #tpu.memory_space<vmem>>
      %dma_wait3A_424 = arith.constant 0 : i32
      %dma_wait3A_425 = tpu.memref_slice %arg5[%squeeze3A_46, %dma_wait3A_424] : memref<100000x64xf32, #tpu.memory_space<hbm>> -> memref<1x64xf32, #tpu.memory_space<hbm>>
      %dma_wait3A_426 = arith.constant 0 : i32
      %dma_wait3A_427 = tpu.memref_slice %arg11[%add3A_37, %dma_wait3A_426] : memref<256x64xf32, #tpu.memory_space<vmem>> -> memref<1x64xf32, #tpu.memory_space<vmem>>
      %dma_wait3A_428 = arith.constant 0 : i32
      %dma_wait3A_429 = tpu.memref_slice %arg5[%squeeze3A_46, %dma_wait3A_428] : memref<100000x64xf32, #tpu.memory_space<hbm>> -> memref<1x64xf32, #tpu.memory_space<hbm>>
      tpu.wait_dma2 semaphore(%arg12 : memref<!tpu.dma_semaphore, #tpu.memory_space<semaphore_mem>>) src(%dma_wait3A_429 : memref<1x64xf32, #tpu.memory_space<hbm>>) dst(%dma_wait3A_427 : memref<1x64xf32, #tpu.memory_space<vmem>>)
      %dma_wait3A_430 = arith.constant 0 : i32
      %dma_wait3A_431 = tpu.memref_slice %arg10[%add3A_58, %dma_wait3A_430] : memref<256x64xf32, #tpu.memory_space<vmem>> -> memref<1x64xf32, #tpu.memory_space<vmem>>
      %dma_wait3A_432 = arith.constant 0 : i32
      %dma_wait3A_433 = tpu.memref_slice %arg4[%squeeze3A_60, %dma_wait3A_432] : memref<1000000x64xf32, #tpu.memory_space<hbm>> -> memref<1x64xf32, #tpu.memory_space<hbm>>
      %dma_wait3A_434 = arith.constant 0 : i32
      %dma_wait3A_435 = tpu.memref_slice %arg10[%add3A_58, %dma_wait3A_434] : memref<256x64xf32, #tpu.memory_space<vmem>> -> memref<1x64xf32, #tpu.memory_space<vmem>>
      %dma_wait3A_436 = arith.constant 0 : i32
      %dma_wait3A_437 = tpu.memref_slice %arg4[%squeeze3A_60, %dma_wait3A_436] : memref<1000000x64xf32, #tpu.memory_space<hbm>> -> memref<1x64xf32, #tpu.memory_space<hbm>>
      tpu.wait_dma2 semaphore(%arg12 : memref<!tpu.dma_semaphore, #tpu.memory_space<semaphore_mem>>) src(%dma_wait3A_437 : memref<1x64xf32, #tpu.memory_space<hbm>>) dst(%dma_wait3A_435 : memref<1x64xf32, #tpu.memory_space<vmem>>)
      %dma_wait3A_438 = arith.constant 0 : i32
      %dma_wait3A_439 = tpu.memref_slice %arg11[%add3A_58, %dma_wait3A_438] : memref<256x64xf32, #tpu.memory_space<vmem>> -> memref<1x64xf32, #tpu.memory_space<vmem>>
      %dma_wait3A_440 = arith.constant 0 : i32
      %dma_wait3A_441 = tpu.memref_slice %arg5[%squeeze3A_70, %dma_wait3A_440] : memref<100000x64xf32, #tpu.memory_space<hbm>> -> memref<1x64xf32, #tpu.memory_space<hbm>>
      %dma_wait3A_442 = arith.constant 0 : i32
      %dma_wait3A_443 = tpu.memref_slice %arg11[%add3A_58, %dma_wait3A_442] : memref<256x64xf32, #tpu.memory_space<vmem>> -> memref<1x64xf32, #tpu.memory_space<vmem>>
      %dma_wait3A_444 = arith.constant 0 : i32
      %dma_wait3A_445 = tpu.memref_slice %arg5[%squeeze3A_70, %dma_wait3A_444] : memref<100000x64xf32, #tpu.memory_space<hbm>> -> memref<1x64xf32, #tpu.memory_space<hbm>>
      tpu.wait_dma2 semaphore(%arg12 : memref<!tpu.dma_semaphore, #tpu.memory_space<semaphore_mem>>) src(%dma_wait3A_445 : memref<1x64xf32, #tpu.memory_space<hbm>>) dst(%dma_wait3A_443 : memref<1x64xf32, #tpu.memory_space<vmem>>)
      %dma_wait3A_446 = arith.constant 0 : i32
      %dma_wait3A_447 = tpu.memref_slice %arg10[%add3A_82, %dma_wait3A_446] : memref<256x64xf32, #tpu.memory_space<vmem>> -> memref<1x64xf32, #tpu.memory_space<vmem>>
      %dma_wait3A_448 = arith.constant 0 : i32
      %dma_wait3A_449 = tpu.memref_slice %arg4[%squeeze3A_84, %dma_wait3A_448] : memref<1000000x64xf32, #tpu.memory_space<hbm>> -> memref<1x64xf32, #tpu.memory_space<hbm>>
      %dma_wait3A_450 = arith.constant 0 : i32
      %dma_wait3A_451 = tpu.memref_slice %arg10[%add3A_82, %dma_wait3A_450] : memref<256x64xf32, #tpu.memory_space<vmem>> -> memref<1x64xf32, #tpu.memory_space<vmem>>
      %dma_wait3A_452 = arith.constant 0 : i32
      %dma_wait3A_453 = tpu.memref_slice %arg4[%squeeze3A_84, %dma_wait3A_452] : memref<1000000x64xf32, #tpu.memory_space<hbm>> -> memref<1x64xf32, #tpu.memory_space<hbm>>
      tpu.wait_dma2 semaphore(%arg12 : memref<!tpu.dma_semaphore, #tpu.memory_space<semaphore_mem>>) src(%dma_wait3A_453 : memref<1x64xf32, #tpu.memory_space<hbm>>) dst(%dma_wait3A_451 : memref<1x64xf32, #tpu.memory_space<vmem>>)
      %dma_wait3A_454 = arith.constant 0 : i32
      %dma_wait3A_455 = tpu.memref_slice %arg11[%add3A_82, %dma_wait3A_454] : memref<256x64xf32, #tpu.memory_space<vmem>> -> memref<1x64xf32, #tpu.memory_space<vmem>>
      %dma_wait3A_456 = arith.constant 0 : i32
      %dma_wait3A_457 = tpu.memref_slice %arg5[%squeeze3A_94, %dma_wait3A_456] : memref<100000x64xf32, #tpu.memory_space<hbm>> -> memref<1x64xf32, #tpu.memory_space<hbm>>
      %dma_wait3A_458 = arith.constant 0 : i32
      %dma_wait3A_459 = tpu.memref_slice %arg11[%add3A_82, %dma_wait3A_458] : memref<256x64xf32, #tpu.memory_space<vmem>> -> memref<1x64xf32, #tpu.memory_space<vmem>>
      %dma_wait3A_460 = arith.constant 0 : i32
      %dma_wait3A_461 = tpu.memref_slice %arg5[%squeeze3A_94, %dma_wait3A_460] : memref<100000x64xf32, #tpu.memory_space<hbm>> -> memref<1x64xf32, #tpu.memory_space<hbm>>
      tpu.wait_dma2 semaphore(%arg12 : memref<!tpu.dma_semaphore, #tpu.memory_space<semaphore_mem>>) src(%dma_wait3A_461 : memref<1x64xf32, #tpu.memory_space<hbm>>) dst(%dma_wait3A_459 : memref<1x64xf32, #tpu.memory_space<vmem>>)
      %dma_wait3A_462 = arith.constant 0 : i32
      %dma_wait3A_463 = tpu.memref_slice %arg10[%add3A_106, %dma_wait3A_462] : memref<256x64xf32, #tpu.memory_space<vmem>> -> memref<1x64xf32, #tpu.memory_space<vmem>>
      %dma_wait3A_464 = arith.constant 0 : i32
      %dma_wait3A_465 = tpu.memref_slice %arg4[%squeeze3A_108, %dma_wait3A_464] : memref<1000000x64xf32, #tpu.memory_space<hbm>> -> memref<1x64xf32, #tpu.memory_space<hbm>>
      %dma_wait3A_466 = arith.constant 0 : i32
      %dma_wait3A_467 = tpu.memref_slice %arg10[%add3A_106, %dma_wait3A_466] : memref<256x64xf32, #tpu.memory_space<vmem>> -> memref<1x64xf32, #tpu.memory_space<vmem>>
      %dma_wait3A_468 = arith.constant 0 : i32
      %dma_wait3A_469 = tpu.memref_slice %arg4[%squeeze3A_108, %dma_wait3A_468] : memref<1000000x64xf32, #tpu.memory_space<hbm>> -> memref<1x64xf32, #tpu.memory_space<hbm>>
      tpu.wait_dma2 semaphore(%arg12 : memref<!tpu.dma_semaphore, #tpu.memory_space<semaphore_mem>>) src(%dma_wait3A_469 : memref<1x64xf32, #tpu.memory_space<hbm>>) dst(%dma_wait3A_467 : memref<1x64xf32, #tpu.memory_space<vmem>>)
      %dma_wait3A_470 = arith.constant 0 : i32
      %dma_wait3A_471 = tpu.memref_slice %arg11[%add3A_106, %dma_wait3A_470] : memref<256x64xf32, #tpu.memory_space<vmem>> -> memref<1x64xf32, #tpu.memory_space<vmem>>
      %dma_wait3A_472 = arith.constant 0 : i32
      %dma_wait3A_473 = tpu.memref_slice %arg5[%squeeze3A_118, %dma_wait3A_472] : memref<100000x64xf32, #tpu.memory_space<hbm>> -> memref<1x64xf32, #tpu.memory_space<hbm>>
      %dma_wait3A_474 = arith.constant 0 : i32
      %dma_wait3A_475 = tpu.memref_slice %arg11[%add3A_106, %dma_wait3A_474] : memref<256x64xf32, #tpu.memory_space<vmem>> -> memref<1x64xf32, #tpu.memory_space<vmem>>
      %dma_wait3A_476 = arith.constant 0 : i32
      %dma_wait3A_477 = tpu.memref_slice %arg5[%squeeze3A_118, %dma_wait3A_476] : memref<100000x64xf32, #tpu.memory_space<hbm>> -> memref<1x64xf32, #tpu.memory_space<hbm>>
      tpu.wait_dma2 semaphore(%arg12 : memref<!tpu.dma_semaphore, #tpu.memory_space<semaphore_mem>>) src(%dma_wait3A_477 : memref<1x64xf32, #tpu.memory_space<hbm>>) dst(%dma_wait3A_475 : memref<1x64xf32, #tpu.memory_space<vmem>>)
      %dma_wait3A_478 = arith.constant 0 : i32
      %dma_wait3A_479 = tpu.memref_slice %arg10[%add3A_130, %dma_wait3A_478] : memref<256x64xf32, #tpu.memory_space<vmem>> -> memref<1x64xf32, #tpu.memory_space<vmem>>
      %dma_wait3A_480 = arith.constant 0 : i32
      %dma_wait3A_481 = tpu.memref_slice %arg4[%squeeze3A_132, %dma_wait3A_480] : memref<1000000x64xf32, #tpu.memory_space<hbm>> -> memref<1x64xf32, #tpu.memory_space<hbm>>
      %dma_wait3A_482 = arith.constant 0 : i32
      %dma_wait3A_483 = tpu.memref_slice %arg10[%add3A_130, %dma_wait3A_482] : memref<256x64xf32, #tpu.memory_space<vmem>> -> memref<1x64xf32, #tpu.memory_space<vmem>>
      %dma_wait3A_484 = arith.constant 0 : i32
      %dma_wait3A_485 = tpu.memref_slice %arg4[%squeeze3A_132, %dma_wait3A_484] : memref<1000000x64xf32, #tpu.memory_space<hbm>> -> memref<1x64xf32, #tpu.memory_space<hbm>>
      tpu.wait_dma2 semaphore(%arg12 : memref<!tpu.dma_semaphore, #tpu.memory_space<semaphore_mem>>) src(%dma_wait3A_485 : memref<1x64xf32, #tpu.memory_space<hbm>>) dst(%dma_wait3A_483 : memref<1x64xf32, #tpu.memory_space<vmem>>)
      %dma_wait3A_486 = arith.constant 0 : i32
      %dma_wait3A_487 = tpu.memref_slice %arg11[%add3A_130, %dma_wait3A_486] : memref<256x64xf32, #tpu.memory_space<vmem>> -> memref<1x64xf32, #tpu.memory_space<vmem>>
      %dma_wait3A_488 = arith.constant 0 : i32
      %dma_wait3A_489 = tpu.memref_slice %arg5[%squeeze3A_142, %dma_wait3A_488] : memref<100000x64xf32, #tpu.memory_space<hbm>> -> memref<1x64xf32, #tpu.memory_space<hbm>>
      %dma_wait3A_490 = arith.constant 0 : i32
      %dma_wait3A_491 = tpu.memref_slice %arg11[%add3A_130, %dma_wait3A_490] : memref<256x64xf32, #tpu.memory_space<vmem>> -> memref<1x64xf32, #tpu.memory_space<vmem>>
      %dma_wait3A_492 = arith.constant 0 : i32
      %dma_wait3A_493 = tpu.memref_slice %arg5[%squeeze3A_142, %dma_wait3A_492] : memref<100000x64xf32, #tpu.memory_space<hbm>> -> memref<1x64xf32, #tpu.memory_space<hbm>>
      tpu.wait_dma2 semaphore(%arg12 : memref<!tpu.dma_semaphore, #tpu.memory_space<semaphore_mem>>) src(%dma_wait3A_493 : memref<1x64xf32, #tpu.memory_space<hbm>>) dst(%dma_wait3A_491 : memref<1x64xf32, #tpu.memory_space<vmem>>)
      %dma_wait3A_494 = arith.constant 0 : i32
      %dma_wait3A_495 = tpu.memref_slice %arg10[%add3A_154, %dma_wait3A_494] : memref<256x64xf32, #tpu.memory_space<vmem>> -> memref<1x64xf32, #tpu.memory_space<vmem>>
      %dma_wait3A_496 = arith.constant 0 : i32
      %dma_wait3A_497 = tpu.memref_slice %arg4[%squeeze3A_156, %dma_wait3A_496] : memref<1000000x64xf32, #tpu.memory_space<hbm>> -> memref<1x64xf32, #tpu.memory_space<hbm>>
      %dma_wait3A_498 = arith.constant 0 : i32
      %dma_wait3A_499 = tpu.memref_slice %arg10[%add3A_154, %dma_wait3A_498] : memref<256x64xf32, #tpu.memory_space<vmem>> -> memref<1x64xf32, #tpu.memory_space<vmem>>
      %dma_wait3A_500 = arith.constant 0 : i32
      %dma_wait3A_501 = tpu.memref_slice %arg4[%squeeze3A_156, %dma_wait3A_500] : memref<1000000x64xf32, #tpu.memory_space<hbm>> -> memref<1x64xf32, #tpu.memory_space<hbm>>
      tpu.wait_dma2 semaphore(%arg12 : memref<!tpu.dma_semaphore, #tpu.memory_space<semaphore_mem>>) src(%dma_wait3A_501 : memref<1x64xf32, #tpu.memory_space<hbm>>) dst(%dma_wait3A_499 : memref<1x64xf32, #tpu.memory_space<vmem>>)
      %dma_wait3A_502 = arith.constant 0 : i32
      %dma_wait3A_503 = tpu.memref_slice %arg11[%add3A_154, %dma_wait3A_502] : memref<256x64xf32, #tpu.memory_space<vmem>> -> memref<1x64xf32, #tpu.memory_space<vmem>>
      %dma_wait3A_504 = arith.constant 0 : i32
      %dma_wait3A_505 = tpu.memref_slice %arg5[%squeeze3A_166, %dma_wait3A_504] : memref<100000x64xf32, #tpu.memory_space<hbm>> -> memref<1x64xf32, #tpu.memory_space<hbm>>
      %dma_wait3A_506 = arith.constant 0 : i32
      %dma_wait3A_507 = tpu.memref_slice %arg11[%add3A_154, %dma_wait3A_506] : memref<256x64xf32, #tpu.memory_space<vmem>> -> memref<1x64xf32, #tpu.memory_space<vmem>>
      %dma_wait3A_508 = arith.constant 0 : i32
      %dma_wait3A_509 = tpu.memref_slice %arg5[%squeeze3A_166, %dma_wait3A_508] : memref<100000x64xf32, #tpu.memory_space<hbm>> -> memref<1x64xf32, #tpu.memory_space<hbm>>
      tpu.wait_dma2 semaphore(%arg12 : memref<!tpu.dma_semaphore, #tpu.memory_space<semaphore_mem>>) src(%dma_wait3A_509 : memref<1x64xf32, #tpu.memory_space<hbm>>) dst(%dma_wait3A_507 : memref<1x64xf32, #tpu.memory_space<vmem>>)
      %dma_wait3A_510 = arith.constant 0 : i32
      %dma_wait3A_511 = tpu.memref_slice %arg10[%add3A_178, %dma_wait3A_510] : memref<256x64xf32, #tpu.memory_space<vmem>> -> memref<1x64xf32, #tpu.memory_space<vmem>>
      %dma_wait3A_512 = arith.constant 0 : i32
      %dma_wait3A_513 = tpu.memref_slice %arg4[%squeeze3A_180, %dma_wait3A_512] : memref<1000000x64xf32, #tpu.memory_space<hbm>> -> memref<1x64xf32, #tpu.memory_space<hbm>>
      %dma_wait3A_514 = arith.constant 0 : i32
      %dma_wait3A_515 = tpu.memref_slice %arg10[%add3A_178, %dma_wait3A_514] : memref<256x64xf32, #tpu.memory_space<vmem>> -> memref<1x64xf32, #tpu.memory_space<vmem>>
      %dma_wait3A_516 = arith.constant 0 : i32
      %dma_wait3A_517 = tpu.memref_slice %arg4[%squeeze3A_180, %dma_wait3A_516] : memref<1000000x64xf32, #tpu.memory_space<hbm>> -> memref<1x64xf32, #tpu.memory_space<hbm>>
      tpu.wait_dma2 semaphore(%arg12 : memref<!tpu.dma_semaphore, #tpu.memory_space<semaphore_mem>>) src(%dma_wait3A_517 : memref<1x64xf32, #tpu.memory_space<hbm>>) dst(%dma_wait3A_515 : memref<1x64xf32, #tpu.memory_space<vmem>>)
      %dma_wait3A_518 = arith.constant 0 : i32
      %dma_wait3A_519 = tpu.memref_slice %arg11[%add3A_178, %dma_wait3A_518] : memref<256x64xf32, #tpu.memory_space<vmem>> -> memref<1x64xf32, #tpu.memory_space<vmem>>
      %dma_wait3A_520 = arith.constant 0 : i32
      %dma_wait3A_521 = tpu.memref_slice %arg5[%squeeze3A_190, %dma_wait3A_520] : memref<100000x64xf32, #tpu.memory_space<hbm>> -> memref<1x64xf32, #tpu.memory_space<hbm>>
      %dma_wait3A_522 = arith.constant 0 : i32
      %dma_wait3A_523 = tpu.memref_slice %arg11[%add3A_178, %dma_wait3A_522] : memref<256x64xf32, #tpu.memory_space<vmem>> -> memref<1x64xf32, #tpu.memory_space<vmem>>
      %dma_wait3A_524 = arith.constant 0 : i32
      %dma_wait3A_525 = tpu.memref_slice %arg5[%squeeze3A_190, %dma_wait3A_524] : memref<100000x64xf32, #tpu.memory_space<hbm>> -> memref<1x64xf32, #tpu.memory_space<hbm>>
      tpu.wait_dma2 semaphore(%arg12 : memref<!tpu.dma_semaphore, #tpu.memory_space<semaphore_mem>>) src(%dma_wait3A_525 : memref<1x64xf32, #tpu.memory_space<hbm>>) dst(%dma_wait3A_523 : memref<1x64xf32, #tpu.memory_space<vmem>>)
      %dma_wait3A_526 = arith.constant 0 : i32
      %dma_wait3A_527 = tpu.memref_slice %arg10[%add3A_202, %dma_wait3A_526] : memref<256x64xf32, #tpu.memory_space<vmem>> -> memref<1x64xf32, #tpu.memory_space<vmem>>
      %dma_wait3A_528 = arith.constant 0 : i32
      %dma_wait3A_529 = tpu.memref_slice %arg4[%squeeze3A_204, %dma_wait3A_528] : memref<1000000x64xf32, #tpu.memory_space<hbm>> -> memref<1x64xf32, #tpu.memory_space<hbm>>
      %dma_wait3A_530 = arith.constant 0 : i32
      %dma_wait3A_531 = tpu.memref_slice %arg10[%add3A_202, %dma_wait3A_530] : memref<256x64xf32, #tpu.memory_space<vmem>> -> memref<1x64xf32, #tpu.memory_space<vmem>>
      %dma_wait3A_532 = arith.constant 0 : i32
      %dma_wait3A_533 = tpu.memref_slice %arg4[%squeeze3A_204, %dma_wait3A_532] : memref<1000000x64xf32, #tpu.memory_space<hbm>> -> memref<1x64xf32, #tpu.memory_space<hbm>>
      tpu.wait_dma2 semaphore(%arg12 : memref<!tpu.dma_semaphore, #tpu.memory_space<semaphore_mem>>) src(%dma_wait3A_533 : memref<1x64xf32, #tpu.memory_space<hbm>>) dst(%dma_wait3A_531 : memref<1x64xf32, #tpu.memory_space<vmem>>)
      %dma_wait3A_534 = arith.constant 0 : i32
      %dma_wait3A_535 = tpu.memref_slice %arg11[%add3A_202, %dma_wait3A_534] : memref<256x64xf32, #tpu.memory_space<vmem>> -> memref<1x64xf32, #tpu.memory_space<vmem>>
      %dma_wait3A_536 = arith.constant 0 : i32
      %dma_wait3A_537 = tpu.memref_slice %arg5[%squeeze3A_214, %dma_wait3A_536] : memref<100000x64xf32, #tpu.memory_space<hbm>> -> memref<1x64xf32, #tpu.memory_space<hbm>>
      %dma_wait3A_538 = arith.constant 0 : i32
      %dma_wait3A_539 = tpu.memref_slice %arg11[%add3A_202, %dma_wait3A_538] : memref<256x64xf32, #tpu.memory_space<vmem>> -> memref<1x64xf32, #tpu.memory_space<vmem>>
      %dma_wait3A_540 = arith.constant 0 : i32
      %dma_wait3A_541 = tpu.memref_slice %arg5[%squeeze3A_214, %dma_wait3A_540] : memref<100000x64xf32, #tpu.memory_space<hbm>> -> memref<1x64xf32, #tpu.memory_space<hbm>>
      tpu.wait_dma2 semaphore(%arg12 : memref<!tpu.dma_semaphore, #tpu.memory_space<semaphore_mem>>) src(%dma_wait3A_541 : memref<1x64xf32, #tpu.memory_space<hbm>>) dst(%dma_wait3A_539 : memref<1x64xf32, #tpu.memory_space<vmem>>)
      %dma_wait3A_542 = arith.constant 0 : i32
      %dma_wait3A_543 = tpu.memref_slice %arg10[%add3A_226, %dma_wait3A_542] : memref<256x64xf32, #tpu.memory_space<vmem>> -> memref<1x64xf32, #tpu.memory_space<vmem>>
      %dma_wait3A_544 = arith.constant 0 : i32
      %dma_wait3A_545 = tpu.memref_slice %arg4[%squeeze3A_228, %dma_wait3A_544] : memref<1000000x64xf32, #tpu.memory_space<hbm>> -> memref<1x64xf32, #tpu.memory_space<hbm>>
      %dma_wait3A_546 = arith.constant 0 : i32
      %dma_wait3A_547 = tpu.memref_slice %arg10[%add3A_226, %dma_wait3A_546] : memref<256x64xf32, #tpu.memory_space<vmem>> -> memref<1x64xf32, #tpu.memory_space<vmem>>
      %dma_wait3A_548 = arith.constant 0 : i32
      %dma_wait3A_549 = tpu.memref_slice %arg4[%squeeze3A_228, %dma_wait3A_548] : memref<1000000x64xf32, #tpu.memory_space<hbm>> -> memref<1x64xf32, #tpu.memory_space<hbm>>
      tpu.wait_dma2 semaphore(%arg12 : memref<!tpu.dma_semaphore, #tpu.memory_space<semaphore_mem>>) src(%dma_wait3A_549 : memref<1x64xf32, #tpu.memory_space<hbm>>) dst(%dma_wait3A_547 : memref<1x64xf32, #tpu.memory_space<vmem>>)
      %dma_wait3A_550 = arith.constant 0 : i32
      %dma_wait3A_551 = tpu.memref_slice %arg11[%add3A_226, %dma_wait3A_550] : memref<256x64xf32, #tpu.memory_space<vmem>> -> memref<1x64xf32, #tpu.memory_space<vmem>>
      %dma_wait3A_552 = arith.constant 0 : i32
      %dma_wait3A_553 = tpu.memref_slice %arg5[%squeeze3A_238, %dma_wait3A_552] : memref<100000x64xf32, #tpu.memory_space<hbm>> -> memref<1x64xf32, #tpu.memory_space<hbm>>
      %dma_wait3A_554 = arith.constant 0 : i32
      %dma_wait3A_555 = tpu.memref_slice %arg11[%add3A_226, %dma_wait3A_554] : memref<256x64xf32, #tpu.memory_space<vmem>> -> memref<1x64xf32, #tpu.memory_space<vmem>>
      %dma_wait3A_556 = arith.constant 0 : i32
      %dma_wait3A_557 = tpu.memref_slice %arg5[%squeeze3A_238, %dma_wait3A_556] : memref<100000x64xf32, #tpu.memory_space<hbm>> -> memref<1x64xf32, #tpu.memory_space<hbm>>
      tpu.wait_dma2 semaphore(%arg12 : memref<!tpu.dma_semaphore, #tpu.memory_space<semaphore_mem>>) src(%dma_wait3A_557 : memref<1x64xf32, #tpu.memory_space<hbm>>) dst(%dma_wait3A_555 : memref<1x64xf32, #tpu.memory_space<vmem>>)
      %dma_wait3A_558 = arith.constant 0 : i32
      %dma_wait3A_559 = tpu.memref_slice %arg10[%add3A_250, %dma_wait3A_558] : memref<256x64xf32, #tpu.memory_space<vmem>> -> memref<1x64xf32, #tpu.memory_space<vmem>>
      %dma_wait3A_560 = arith.constant 0 : i32
      %dma_wait3A_561 = tpu.memref_slice %arg4[%squeeze3A_252, %dma_wait3A_560] : memref<1000000x64xf32, #tpu.memory_space<hbm>> -> memref<1x64xf32, #tpu.memory_space<hbm>>
      %dma_wait3A_562 = arith.constant 0 : i32
      %dma_wait3A_563 = tpu.memref_slice %arg10[%add3A_250, %dma_wait3A_562] : memref<256x64xf32, #tpu.memory_space<vmem>> -> memref<1x64xf32, #tpu.memory_space<vmem>>
      %dma_wait3A_564 = arith.constant 0 : i32
      %dma_wait3A_565 = tpu.memref_slice %arg4[%squeeze3A_252, %dma_wait3A_564] : memref<1000000x64xf32, #tpu.memory_space<hbm>> -> memref<1x64xf32, #tpu.memory_space<hbm>>
      tpu.wait_dma2 semaphore(%arg12 : memref<!tpu.dma_semaphore, #tpu.memory_space<semaphore_mem>>) src(%dma_wait3A_565 : memref<1x64xf32, #tpu.memory_space<hbm>>) dst(%dma_wait3A_563 : memref<1x64xf32, #tpu.memory_space<vmem>>)
      %dma_wait3A_566 = arith.constant 0 : i32
      %dma_wait3A_567 = tpu.memref_slice %arg11[%add3A_250, %dma_wait3A_566] : memref<256x64xf32, #tpu.memory_space<vmem>> -> memref<1x64xf32, #tpu.memory_space<vmem>>
      %dma_wait3A_568 = arith.constant 0 : i32
      %dma_wait3A_569 = tpu.memref_slice %arg5[%squeeze3A_262, %dma_wait3A_568] : memref<100000x64xf32, #tpu.memory_space<hbm>> -> memref<1x64xf32, #tpu.memory_space<hbm>>
      %dma_wait3A_570 = arith.constant 0 : i32
      %dma_wait3A_571 = tpu.memref_slice %arg11[%add3A_250, %dma_wait3A_570] : memref<256x64xf32, #tpu.memory_space<vmem>> -> memref<1x64xf32, #tpu.memory_space<vmem>>
      %dma_wait3A_572 = arith.constant 0 : i32
      %dma_wait3A_573 = tpu.memref_slice %arg5[%squeeze3A_262, %dma_wait3A_572] : memref<100000x64xf32, #tpu.memory_space<hbm>> -> memref<1x64xf32, #tpu.memory_space<hbm>>
      tpu.wait_dma2 semaphore(%arg12 : memref<!tpu.dma_semaphore, #tpu.memory_space<semaphore_mem>>) src(%dma_wait3A_573 : memref<1x64xf32, #tpu.memory_space<hbm>>) dst(%dma_wait3A_571 : memref<1x64xf32, #tpu.memory_space<vmem>>)
      %dma_wait3A_574 = arith.constant 0 : i32
      %dma_wait3A_575 = tpu.memref_slice %arg10[%add3A_274, %dma_wait3A_574] : memref<256x64xf32, #tpu.memory_space<vmem>> -> memref<1x64xf32, #tpu.memory_space<vmem>>
      %dma_wait3A_576 = arith.constant 0 : i32
      %dma_wait3A_577 = tpu.memref_slice %arg4[%squeeze3A_276, %dma_wait3A_576] : memref<1000000x64xf32, #tpu.memory_space<hbm>> -> memref<1x64xf32, #tpu.memory_space<hbm>>
      %dma_wait3A_578 = arith.constant 0 : i32
      %dma_wait3A_579 = tpu.memref_slice %arg10[%add3A_274, %dma_wait3A_578] : memref<256x64xf32, #tpu.memory_space<vmem>> -> memref<1x64xf32, #tpu.memory_space<vmem>>
      %dma_wait3A_580 = arith.constant 0 : i32
      %dma_wait3A_581 = tpu.memref_slice %arg4[%squeeze3A_276, %dma_wait3A_580] : memref<1000000x64xf32, #tpu.memory_space<hbm>> -> memref<1x64xf32, #tpu.memory_space<hbm>>
      tpu.wait_dma2 semaphore(%arg12 : memref<!tpu.dma_semaphore, #tpu.memory_space<semaphore_mem>>) src(%dma_wait3A_581 : memref<1x64xf32, #tpu.memory_space<hbm>>) dst(%dma_wait3A_579 : memref<1x64xf32, #tpu.memory_space<vmem>>)
      %dma_wait3A_582 = arith.constant 0 : i32
      %dma_wait3A_583 = tpu.memref_slice %arg11[%add3A_274, %dma_wait3A_582] : memref<256x64xf32, #tpu.memory_space<vmem>> -> memref<1x64xf32, #tpu.memory_space<vmem>>
      %dma_wait3A_584 = arith.constant 0 : i32
      %dma_wait3A_585 = tpu.memref_slice %arg5[%squeeze3A_286, %dma_wait3A_584] : memref<100000x64xf32, #tpu.memory_space<hbm>> -> memref<1x64xf32, #tpu.memory_space<hbm>>
      %dma_wait3A_586 = arith.constant 0 : i32
      %dma_wait3A_587 = tpu.memref_slice %arg11[%add3A_274, %dma_wait3A_586] : memref<256x64xf32, #tpu.memory_space<vmem>> -> memref<1x64xf32, #tpu.memory_space<vmem>>
      %dma_wait3A_588 = arith.constant 0 : i32
      %dma_wait3A_589 = tpu.memref_slice %arg5[%squeeze3A_286, %dma_wait3A_588] : memref<100000x64xf32, #tpu.memory_space<hbm>> -> memref<1x64xf32, #tpu.memory_space<hbm>>
      tpu.wait_dma2 semaphore(%arg12 : memref<!tpu.dma_semaphore, #tpu.memory_space<semaphore_mem>>) src(%dma_wait3A_589 : memref<1x64xf32, #tpu.memory_space<hbm>>) dst(%dma_wait3A_587 : memref<1x64xf32, #tpu.memory_space<vmem>>)
      %dma_wait3A_590 = arith.constant 0 : i32
      %dma_wait3A_591 = tpu.memref_slice %arg10[%add3A_298, %dma_wait3A_590] : memref<256x64xf32, #tpu.memory_space<vmem>> -> memref<1x64xf32, #tpu.memory_space<vmem>>
      %dma_wait3A_592 = arith.constant 0 : i32
      %dma_wait3A_593 = tpu.memref_slice %arg4[%squeeze3A_300, %dma_wait3A_592] : memref<1000000x64xf32, #tpu.memory_space<hbm>> -> memref<1x64xf32, #tpu.memory_space<hbm>>
      %dma_wait3A_594 = arith.constant 0 : i32
      %dma_wait3A_595 = tpu.memref_slice %arg10[%add3A_298, %dma_wait3A_594] : memref<256x64xf32, #tpu.memory_space<vmem>> -> memref<1x64xf32, #tpu.memory_space<vmem>>
      %dma_wait3A_596 = arith.constant 0 : i32
      %dma_wait3A_597 = tpu.memref_slice %arg4[%squeeze3A_300, %dma_wait3A_596] : memref<1000000x64xf32, #tpu.memory_space<hbm>> -> memref<1x64xf32, #tpu.memory_space<hbm>>
      tpu.wait_dma2 semaphore(%arg12 : memref<!tpu.dma_semaphore, #tpu.memory_space<semaphore_mem>>) src(%dma_wait3A_597 : memref<1x64xf32, #tpu.memory_space<hbm>>) dst(%dma_wait3A_595 : memref<1x64xf32, #tpu.memory_space<vmem>>)
      %dma_wait3A_598 = arith.constant 0 : i32
      %dma_wait3A_599 = tpu.memref_slice %arg11[%add3A_298, %dma_wait3A_598] : memref<256x64xf32, #tpu.memory_space<vmem>> -> memref<1x64xf32, #tpu.memory_space<vmem>>
      %dma_wait3A_600 = arith.constant 0 : i32
      %dma_wait3A_601 = tpu.memref_slice %arg5[%squeeze3A_310, %dma_wait3A_600] : memref<100000x64xf32, #tpu.memory_space<hbm>> -> memref<1x64xf32, #tpu.memory_space<hbm>>
      %dma_wait3A_602 = arith.constant 0 : i32
      %dma_wait3A_603 = tpu.memref_slice %arg11[%add3A_298, %dma_wait3A_602] : memref<256x64xf32, #tpu.memory_space<vmem>> -> memref<1x64xf32, #tpu.memory_space<vmem>>
      %dma_wait3A_604 = arith.constant 0 : i32
      %dma_wait3A_605 = tpu.memref_slice %arg5[%squeeze3A_310, %dma_wait3A_604] : memref<100000x64xf32, #tpu.memory_space<hbm>> -> memref<1x64xf32, #tpu.memory_space<hbm>>
      tpu.wait_dma2 semaphore(%arg12 : memref<!tpu.dma_semaphore, #tpu.memory_space<semaphore_mem>>) src(%dma_wait3A_605 : memref<1x64xf32, #tpu.memory_space<hbm>>) dst(%dma_wait3A_603 : memref<1x64xf32, #tpu.memory_space<vmem>>)
      %dma_wait3A_606 = arith.constant 0 : i32
      %dma_wait3A_607 = tpu.memref_slice %arg10[%add3A_322, %dma_wait3A_606] : memref<256x64xf32, #tpu.memory_space<vmem>> -> memref<1x64xf32, #tpu.memory_space<vmem>>
      %dma_wait3A_608 = arith.constant 0 : i32
      %dma_wait3A_609 = tpu.memref_slice %arg4[%squeeze3A_324, %dma_wait3A_608] : memref<1000000x64xf32, #tpu.memory_space<hbm>> -> memref<1x64xf32, #tpu.memory_space<hbm>>
      %dma_wait3A_610 = arith.constant 0 : i32
      %dma_wait3A_611 = tpu.memref_slice %arg10[%add3A_322, %dma_wait3A_610] : memref<256x64xf32, #tpu.memory_space<vmem>> -> memref<1x64xf32, #tpu.memory_space<vmem>>
      %dma_wait3A_612 = arith.constant 0 : i32
      %dma_wait3A_613 = tpu.memref_slice %arg4[%squeeze3A_324, %dma_wait3A_612] : memref<1000000x64xf32, #tpu.memory_space<hbm>> -> memref<1x64xf32, #tpu.memory_space<hbm>>
      tpu.wait_dma2 semaphore(%arg12 : memref<!tpu.dma_semaphore, #tpu.memory_space<semaphore_mem>>) src(%dma_wait3A_613 : memref<1x64xf32, #tpu.memory_space<hbm>>) dst(%dma_wait3A_611 : memref<1x64xf32, #tpu.memory_space<vmem>>)
      %dma_wait3A_614 = arith.constant 0 : i32
      %dma_wait3A_615 = tpu.memref_slice %arg11[%add3A_322, %dma_wait3A_614] : memref<256x64xf32, #tpu.memory_space<vmem>> -> memref<1x64xf32, #tpu.memory_space<vmem>>
      %dma_wait3A_616 = arith.constant 0 : i32
      %dma_wait3A_617 = tpu.memref_slice %arg5[%squeeze3A_334, %dma_wait3A_616] : memref<100000x64xf32, #tpu.memory_space<hbm>> -> memref<1x64xf32, #tpu.memory_space<hbm>>
      %dma_wait3A_618 = arith.constant 0 : i32
      %dma_wait3A_619 = tpu.memref_slice %arg11[%add3A_322, %dma_wait3A_618] : memref<256x64xf32, #tpu.memory_space<vmem>> -> memref<1x64xf32, #tpu.memory_space<vmem>>
      %dma_wait3A_620 = arith.constant 0 : i32
      %dma_wait3A_621 = tpu.memref_slice %arg5[%squeeze3A_334, %dma_wait3A_620] : memref<100000x64xf32, #tpu.memory_space<hbm>> -> memref<1x64xf32, #tpu.memory_space<hbm>>
      tpu.wait_dma2 semaphore(%arg12 : memref<!tpu.dma_semaphore, #tpu.memory_space<semaphore_mem>>) src(%dma_wait3A_621 : memref<1x64xf32, #tpu.memory_space<hbm>>) dst(%dma_wait3A_619 : memref<1x64xf32, #tpu.memory_space<vmem>>)
      %dma_wait3A_622 = arith.constant 0 : i32
      %dma_wait3A_623 = tpu.memref_slice %arg10[%add3A_346, %dma_wait3A_622] : memref<256x64xf32, #tpu.memory_space<vmem>> -> memref<1x64xf32, #tpu.memory_space<vmem>>
      %dma_wait3A_624 = arith.constant 0 : i32
      %dma_wait3A_625 = tpu.memref_slice %arg4[%squeeze3A_348, %dma_wait3A_624] : memref<1000000x64xf32, #tpu.memory_space<hbm>> -> memref<1x64xf32, #tpu.memory_space<hbm>>
      %dma_wait3A_626 = arith.constant 0 : i32
      %dma_wait3A_627 = tpu.memref_slice %arg10[%add3A_346, %dma_wait3A_626] : memref<256x64xf32, #tpu.memory_space<vmem>> -> memref<1x64xf32, #tpu.memory_space<vmem>>
      %dma_wait3A_628 = arith.constant 0 : i32
      %dma_wait3A_629 = tpu.memref_slice %arg4[%squeeze3A_348, %dma_wait3A_628] : memref<1000000x64xf32, #tpu.memory_space<hbm>> -> memref<1x64xf32, #tpu.memory_space<hbm>>
      tpu.wait_dma2 semaphore(%arg12 : memref<!tpu.dma_semaphore, #tpu.memory_space<semaphore_mem>>) src(%dma_wait3A_629 : memref<1x64xf32, #tpu.memory_space<hbm>>) dst(%dma_wait3A_627 : memref<1x64xf32, #tpu.memory_space<vmem>>)
      %dma_wait3A_630 = arith.constant 0 : i32
      %dma_wait3A_631 = tpu.memref_slice %arg11[%add3A_346, %dma_wait3A_630] : memref<256x64xf32, #tpu.memory_space<vmem>> -> memref<1x64xf32, #tpu.memory_space<vmem>>
      %dma_wait3A_632 = arith.constant 0 : i32
      %dma_wait3A_633 = tpu.memref_slice %arg5[%squeeze3A_358, %dma_wait3A_632] : memref<100000x64xf32, #tpu.memory_space<hbm>> -> memref<1x64xf32, #tpu.memory_space<hbm>>
      %dma_wait3A_634 = arith.constant 0 : i32
      %dma_wait3A_635 = tpu.memref_slice %arg11[%add3A_346, %dma_wait3A_634] : memref<256x64xf32, #tpu.memory_space<vmem>> -> memref<1x64xf32, #tpu.memory_space<vmem>>
      %dma_wait3A_636 = arith.constant 0 : i32
      %dma_wait3A_637 = tpu.memref_slice %arg5[%squeeze3A_358, %dma_wait3A_636] : memref<100000x64xf32, #tpu.memory_space<hbm>> -> memref<1x64xf32, #tpu.memory_space<hbm>>
      tpu.wait_dma2 semaphore(%arg12 : memref<!tpu.dma_semaphore, #tpu.memory_space<semaphore_mem>>) src(%dma_wait3A_637 : memref<1x64xf32, #tpu.memory_space<hbm>>) dst(%dma_wait3A_635 : memref<1x64xf32, #tpu.memory_space<vmem>>)
      %dma_wait3A_638 = arith.constant 0 : i32
      %dma_wait3A_639 = tpu.memref_slice %arg10[%add3A_370, %dma_wait3A_638] : memref<256x64xf32, #tpu.memory_space<vmem>> -> memref<1x64xf32, #tpu.memory_space<vmem>>
      %dma_wait3A_640 = arith.constant 0 : i32
      %dma_wait3A_641 = tpu.memref_slice %arg4[%squeeze3A_372, %dma_wait3A_640] : memref<1000000x64xf32, #tpu.memory_space<hbm>> -> memref<1x64xf32, #tpu.memory_space<hbm>>
      %dma_wait3A_642 = arith.constant 0 : i32
      %dma_wait3A_643 = tpu.memref_slice %arg10[%add3A_370, %dma_wait3A_642] : memref<256x64xf32, #tpu.memory_space<vmem>> -> memref<1x64xf32, #tpu.memory_space<vmem>>
      %dma_wait3A_644 = arith.constant 0 : i32
      %dma_wait3A_645 = tpu.memref_slice %arg4[%squeeze3A_372, %dma_wait3A_644] : memref<1000000x64xf32, #tpu.memory_space<hbm>> -> memref<1x64xf32, #tpu.memory_space<hbm>>
      tpu.wait_dma2 semaphore(%arg12 : memref<!tpu.dma_semaphore, #tpu.memory_space<semaphore_mem>>) src(%dma_wait3A_645 : memref<1x64xf32, #tpu.memory_space<hbm>>) dst(%dma_wait3A_643 : memref<1x64xf32, #tpu.memory_space<vmem>>)
      %dma_wait3A_646 = arith.constant 0 : i32
      %dma_wait3A_647 = tpu.memref_slice %arg11[%add3A_370, %dma_wait3A_646] : memref<256x64xf32, #tpu.memory_space<vmem>> -> memref<1x64xf32, #tpu.memory_space<vmem>>
      %dma_wait3A_648 = arith.constant 0 : i32
      %dma_wait3A_649 = tpu.memref_slice %arg5[%squeeze3A_382, %dma_wait3A_648] : memref<100000x64xf32, #tpu.memory_space<hbm>> -> memref<1x64xf32, #tpu.memory_space<hbm>>
      %dma_wait3A_650 = arith.constant 0 : i32
      %dma_wait3A_651 = tpu.memref_slice %arg11[%add3A_370, %dma_wait3A_650] : memref<256x64xf32, #tpu.memory_space<vmem>> -> memref<1x64xf32, #tpu.memory_space<vmem>>
      %dma_wait3A_652 = arith.constant 0 : i32
      %dma_wait3A_653 = tpu.memref_slice %arg5[%squeeze3A_382, %dma_wait3A_652] : memref<100000x64xf32, #tpu.memory_space<hbm>> -> memref<1x64xf32, #tpu.memory_space<hbm>>
      tpu.wait_dma2 semaphore(%arg12 : memref<!tpu.dma_semaphore, #tpu.memory_space<semaphore_mem>>) src(%dma_wait3A_653 : memref<1x64xf32, #tpu.memory_space<hbm>>) dst(%dma_wait3A_651 : memref<1x64xf32, #tpu.memory_space<vmem>>)
      %dma_wait3A_654 = arith.constant 0 : i32
      %dma_wait3A_655 = tpu.memref_slice %arg10[%add3A_394, %dma_wait3A_654] : memref<256x64xf32, #tpu.memory_space<vmem>> -> memref<1x64xf32, #tpu.memory_space<vmem>>
      %dma_wait3A_656 = arith.constant 0 : i32
      %dma_wait3A_657 = tpu.memref_slice %arg4[%squeeze3A_396, %dma_wait3A_656] : memref<1000000x64xf32, #tpu.memory_space<hbm>> -> memref<1x64xf32, #tpu.memory_space<hbm>>
      %dma_wait3A_658 = arith.constant 0 : i32
      %dma_wait3A_659 = tpu.memref_slice %arg10[%add3A_394, %dma_wait3A_658] : memref<256x64xf32, #tpu.memory_space<vmem>> -> memref<1x64xf32, #tpu.memory_space<vmem>>
      %dma_wait3A_660 = arith.constant 0 : i32
      %dma_wait3A_661 = tpu.memref_slice %arg4[%squeeze3A_396, %dma_wait3A_660] : memref<1000000x64xf32, #tpu.memory_space<hbm>> -> memref<1x64xf32, #tpu.memory_space<hbm>>
      tpu.wait_dma2 semaphore(%arg12 : memref<!tpu.dma_semaphore, #tpu.memory_space<semaphore_mem>>) src(%dma_wait3A_661 : memref<1x64xf32, #tpu.memory_space<hbm>>) dst(%dma_wait3A_659 : memref<1x64xf32, #tpu.memory_space<vmem>>)
      %dma_wait3A_662 = arith.constant 0 : i32
      %dma_wait3A_663 = tpu.memref_slice %arg11[%add3A_394, %dma_wait3A_662] : memref<256x64xf32, #tpu.memory_space<vmem>> -> memref<1x64xf32, #tpu.memory_space<vmem>>
      %dma_wait3A_664 = arith.constant 0 : i32
      %dma_wait3A_665 = tpu.memref_slice %arg5[%squeeze3A_406, %dma_wait3A_664] : memref<100000x64xf32, #tpu.memory_space<hbm>> -> memref<1x64xf32, #tpu.memory_space<hbm>>
      %dma_wait3A_666 = arith.constant 0 : i32
      %dma_wait3A_667 = tpu.memref_slice %arg11[%add3A_394, %dma_wait3A_666] : memref<256x64xf32, #tpu.memory_space<vmem>> -> memref<1x64xf32, #tpu.memory_space<vmem>>
      %dma_wait3A_668 = arith.constant 0 : i32
      %dma_wait3A_669 = tpu.memref_slice %arg5[%squeeze3A_406, %dma_wait3A_668] : memref<100000x64xf32, #tpu.memory_space<hbm>> -> memref<1x64xf32, #tpu.memory_space<hbm>>
      tpu.wait_dma2 semaphore(%arg12 : memref<!tpu.dma_semaphore, #tpu.memory_space<semaphore_mem>>) src(%dma_wait3A_669 : memref<1x64xf32, #tpu.memory_space<hbm>>) dst(%dma_wait3A_667 : memref<1x64xf32, #tpu.memory_space<vmem>>)
    }
    %scan3A_15 = arith.constant 16 : i32
    %add3A_16 = arith.constant 256 : i32
    %add3A_17 = arith.addi %mul3A_2, %add3A_16 : i32
    "tpu.region"() ({
      %run_scoped3A = tpu.sem_alloc : memref<!tpu.dma_semaphore, #tpu.memory_space<semaphore_mem>>
      %dma_start3A = arith.constant 0 : i32
      %dma_start3A_20 = tpu.memref_slice %arg6[%add3A_17, %dma_start3A] : memref<16384x64xf32, #tpu.memory_space<hbm>> -> memref<256x64xf32, #tpu.memory_space<hbm>>
      %dma_start3A_21 = arith.constant 0 : i32
      %dma_start3A_22 = tpu.memref_slice %arg6[%add3A_17, %dma_start3A_21] : memref<16384x64xf32, #tpu.memory_space<hbm>> -> memref<256x64xf32, #tpu.memory_space<hbm>>
      tpu.enqueue_dma source(%arg10 : memref<256x64xf32, #tpu.memory_space<vmem>>) target(%dma_start3A_22 : memref<256x64xf32, #tpu.memory_space<hbm>>) target_semaphore(%run_scoped3A : memref<!tpu.dma_semaphore, #tpu.memory_space<semaphore_mem>>)
      %dma_wait3A = arith.constant 0 : i32
      %dma_wait3A_23 = tpu.memref_slice %arg6[%add3A_17, %dma_wait3A] : memref<16384x64xf32, #tpu.memory_space<hbm>> -> memref<256x64xf32, #tpu.memory_space<hbm>>
      %dma_wait3A_24 = arith.constant 0 : i32
      %dma_wait3A_25 = tpu.memref_slice %arg6[%add3A_17, %dma_wait3A_24] : memref<16384x64xf32, #tpu.memory_space<hbm>> -> memref<256x64xf32, #tpu.memory_space<hbm>>
      tpu.wait_dma2 semaphore(%run_scoped3A : memref<!tpu.dma_semaphore, #tpu.memory_space<semaphore_mem>>) src(%arg10 : memref<256x64xf32, #tpu.memory_space<vmem>>) dst(%dma_wait3A_25 : memref<256x64xf32, #tpu.memory_space<hbm>>)
      tpu.yield
    }) : () -> ()
    %add3A_18 = arith.constant 256 : i32
    %add3A_19 = arith.addi %mul3A_2, %add3A_18 : i32
    "tpu.region"() ({
      %run_scoped3A = tpu.sem_alloc : memref<!tpu.dma_semaphore, #tpu.memory_space<semaphore_mem>>
      %dma_start3A = arith.constant 0 : i32
      %dma_start3A_20 = tpu.memref_slice %arg7[%add3A_19, %dma_start3A] : memref<16384x64xf32, #tpu.memory_space<hbm>> -> memref<256x64xf32, #tpu.memory_space<hbm>>
      %dma_start3A_21 = arith.constant 0 : i32
      %dma_start3A_22 = tpu.memref_slice %arg7[%add3A_19, %dma_start3A_21] : memref<16384x64xf32, #tpu.memory_space<hbm>> -> memref<256x64xf32, #tpu.memory_space<hbm>>
      tpu.enqueue_dma source(%arg11 : memref<256x64xf32, #tpu.memory_space<vmem>>) target(%dma_start3A_22 : memref<256x64xf32, #tpu.memory_space<hbm>>) target_semaphore(%run_scoped3A : memref<!tpu.dma_semaphore, #tpu.memory_space<semaphore_mem>>)
      %dma_wait3A = arith.constant 0 : i32
      %dma_wait3A_23 = tpu.memref_slice %arg7[%add3A_19, %dma_wait3A] : memref<16384x64xf32, #tpu.memory_space<hbm>> -> memref<256x64xf32, #tpu.memory_space<hbm>>
      %dma_wait3A_24 = arith.constant 0 : i32
      %dma_wait3A_25 = tpu.memref_slice %arg7[%add3A_19, %dma_wait3A_24] : memref<16384x64xf32, #tpu.memory_space<hbm>> -> memref<256x64xf32, #tpu.memory_space<hbm>>
      tpu.wait_dma2 semaphore(%run_scoped3A : memref<!tpu.dma_semaphore, #tpu.memory_space<semaphore_mem>>) src(%arg11 : memref<256x64xf32, #tpu.memory_space<vmem>>) dst(%dma_wait3A_25 : memref<256x64xf32, #tpu.memory_space<hbm>>)
      tpu.yield
    }) : () -> ()
    return
  }
}

</mosaic_0001>

<sc_bundles>
// kernel: _sc_gather.3.cloned.1.call-start
scs
__scs_entry_jumppad:
0x0: {  	(pc) =	sbr.rel $0x88, $3  }
0x1: {  	(tag) =	ssettag $0x0;
	lr =	simm.s32 $0x1  }
0x2: {  	[smem:$0x3F9D] =	sst lr;
	_ =	strace $0xD0000000  }
0x3: {  	_ = 	snop  }
0x4: {  	_ = 	snop  }
0x5: {  	_ = 	snop  }
0x6: {  	_ = 	snop  }
0x7: {  	_ = 	snop  }
__scs_overlays_trampoline_lowered:
0x8: {  	[smem:$0x3FAC] =	sst s0  }
0x9: {  	[smem:$0x3FAD] =	sst s1  }
0xa: {  	[smem:$0x3FAE] =	sst s2  }
0xb: {  	[smem:$0x3FAF] =	sst s3  }
0xc: {  	[smem:$0x3FB0] =	sst s4  }
0xd: {  	[smem:$0x3FB1] =	sst s5  }
0xe: {  	[smem:$0x3FB2] =	sst s6  }
0xf: {  	[smem:$0x3FB3] =	sst s7  }
0x10: {  	[smem:$0x3FB4] =	sst s8  }
0x11: {  	[smem:$0x3FB5] =	sst s9;
	s0 =	simm.s32 @!p0 $0x0  }
0x12: {  	s1 =	sld [smem:$0x3F9B];
	s0 =	simm.s32 @p0 $0x1  }
0x13: {  	[smem:$0x3FB6] =	sst s0;
	s0 =	simm.s32 @!p1 $0x0  }
0x14: {  	s2 =	sld [smem:$0x3F9A];
	s0 =	simm.s32 @p1 $0x1  }
0x15: {  	[smem:$0x3FB7] =	sst s0;
	s0 =	simm.s32 @!p2 $0x0  }
0x16: {  	s3 =	sld [smem:$0x3FDB];
	s0 =	simm.s32 @p2 $0x1  }
0x17: {  	s4 =	simm.s32 $0x1BF5;
	[smem:$0x3FB9] =	sst s0  }
0x18: {  	s0 =	sld [smem:$0x3F9C];
	_ =	swait.ge [sflag:s4], $0x0  }
0x19: {  	s7 =	sld [smem:$0x3F9D]  }
0x1a: {  	s8 =	sadd.s32 $0xFFFFE003, lr  }
0x1b: {  	s9 =	sadd.s32 $0xFFFFFEF7, lr;
	s5 =	simm.s32 $0xFFFFFFFF;
	p2 =	slt.u32 s8, $0xFFFFF086  }
0x1c: {  	p1 =	slt.u32 s9, $0xF7A;
	s5 =	simm.s32 @!p2 $0x0  }
0x1d: {  	s5 =	simm.s32 @p1 $0x1;
	p0 =	seq.s32 s7, s2  }
0x1e: {  	s7 =	smul.u32 @!p0 $0xF7A, s2;
	p2 =	seq.s32 @!p0 s5, $0x0  }
0x1f: {  	s9 =	smul.u32 $0xF7A, s1;
	s8 =	simm.s32 @!p0 $0x1BF5;
	p2 =	por !p2, p0  }
0x20: {  	[sflag:s8] =	ssyncset.s32 @!p0 $0xFFFFF086;
	s6 =	sadd.s32 @!p0 s3, s7;
	s7 =	simm.s32 @!p0 $0x108  }
0x21: {  	s3 =	sadd.s32 s3, s9;
	s6 =	sadd.s32 @!p0 $0x88, s6;
	s7 =	simm.s32 @p2 $0x1082  }
0x22: {  	[simem:s7], [sflag:s8] =	dma.local @!p0 [hbm:s6], $0xF7A  }
0x23: {  	s9 =	sor.u32 $0xD0000000, s2;
	s6 =	simm.s32 $0x108;
	_ =	swait.ge @!p0 [sflag:s8], $0x0  }
0x24: {  	s3 =	sadd.s32 $0x88, s3;
	s6 =	simm.s32 @!p1 $0x1082;
	[sflag:s4] =	ssyncset.s32 $0xFFFFF086  }
0x25: {  	[simem:s6], [sflag:s4] =	dma.local [hbm:s3], $0xF7A  }
0x26: {  	[smem:$0x3F9D] =	sst s1;
	(tag) =	ssettag s2;
	_ =	strace s9  }
0x27: {  	s1 =	sld [smem:$0x3FAD]  }
0x28: {  	s2 =	sld [smem:$0x3FAE]  }
0x29: {  	s4 =	sld [smem:$0x3FB0]  }
0x2a: {  	p0 =	seq.s32 s5, $0x0;
	s5 =	sld [smem:$0x3FB1]  }
0x2b: {  	s6 =	sld [smem:$0x3FB2]  }
0x2c: {  	s7 =	sld [smem:$0x3FB3]  }
0x2d: {  	s3 =	simm.s32 $0x108;
	s8 =	sld [smem:$0x3FB4]  }
0x2e: {  	s3 =	simm.s32 @!p0 $0x1082;
	s9 =	sld [smem:$0x3FB5]  }
0x2f: {  	lr =	sadd.s32 s0, s3;
	s0 =	sld [smem:$0x3FAC]  }
0x30: {  	s3 =	sld [smem:$0x3FAF]  }
0x31: {  	[smem:$0x3FB8] =	sst s10  }
0x32: {  	s10 =	sld [smem:$0x3FB6];
	_ =	sdelay $0x3  }
0x33: {  	p0 =	seq.s32 s10, $0x1;
	s10 =	sld [smem:$0x3FB8];
	_ =	sdelay $0x3  }
0x34: {  	[smem:$0x3FB8] =	sst s10  }
0x35: {  	s10 =	sld [smem:$0x3FB7];
	_ =	sdelay $0x3  }
0x36: {  	p1 =	seq.s32 s10, $0x1;
	s10 =	sld [smem:$0x3FB8];
	_ =	sdelay $0x3  }
0x37: {  	[smem:$0x3FB8] =	sst s10  }
0x38: {  	s10 =	sld [smem:$0x3FB9]  }
0x39: {  	_ = 	snop;
	(pc) =	sbr.ind lr, $3  }
0x3a: {  	_ = 	snop  }
0x3b: {  	_ = 	snop  }
0x3c: {  	p2 =	seq.s32 s10, $0x1;
	s10 =	sld [smem:$0x3FB8]  }
0x3d: {  	_ =	shalt  }
0x3e: {  	_ =	shalt  }
0x3f: {  	_ =	shalt  }
0x40: {  	_ =	shalt  }
0x41: {  	_ =	shalt  }
0x42: {  	_ =	shalt  }
0x43: {  	_ =	shalt  }
0x44: {  	_ =	shalt  }
0x45: {  	_ =	shalt  }
0x46: {  	_ =	shalt  }
0x47: {  	_ =	shalt  }
0x48: {  	_ =	shalt  }
0x49: {  	_ =	shalt  }
0x4a: {  	_ =	shalt  }
0x4b: {  	_ =	shalt  }
0x4c: {  	_ =	shalt  }
0x4d: {  	_ =	shalt  }
0x4e: {  	_ =	shalt  }
0x4f: {  	_ =	shalt  }
0x50: {  	_ =	shalt  }
0x51: {  	_ =	shalt  }
0x52: {  	_ =	shalt  }
0x53: {  	_ =	shalt  }
0x54: {  	_ =	shalt  }
0x55: {  	_ =	shalt  }
0x56: {  	_ =	shalt  }
0x57: {  	_ =	shalt  }
0x58: {  	_ =	shalt  }
0x59: {  	_ =	shalt  }
0x5a: {  	_ =	shalt  }
0x5b: {  	_ =	shalt  }
0x5c: {  	_ =	shalt  }
0x5d: {  	_ =	shalt  }
0x5e: {  	_ =	shalt  }
0x5f: {  	_ =	shalt  }
0x60: {  	_ =	shalt  }
0x61: {  	_ =	shalt  }
0x62: {  	_ =	shalt  }
0x63: {  	_ =	shalt  }
0x64: {  	_ =	shalt  }
0x65: {  	_ =	shalt  }
0x66: {  	_ =	shalt  }
0x67: {  	_ =	shalt  }
0x68: {  	_ =	shalt  }
0x69: {  	_ =	shalt  }
0x6a: {  	_ =	shalt  }
0x6b: {  	_ =	shalt  }
0x6c: {  	_ =	shalt  }
0x6d: {  	_ =	shalt  }
0x6e: {  	_ =	shalt  }
0x6f: {  	_ =	shalt  }
0x70: {  	_ =	shalt  }
0x71: {  	_ =	shalt  }
0x72: {  	_ =	shalt  }
0x73: {  	_ =	shalt  }
0x74: {  	_ =	shalt  }
0x75: {  	_ =	shalt  }
0x76: {  	_ =	shalt  }
0x77: {  	_ =	shalt  }
0x78: {  	_ =	shalt  }
0x79: {  	_ =	shalt  }
0x7a: {  	_ =	shalt  }
0x7b: {  	_ =	shalt  }
0x7c: {  	_ =	shalt  }
0x7d: {  	_ =	shalt  }
0x7e: {  	_ =	shalt  }
0x7f: {  	_ =	shalt  }
0x80: {  	_ =	shalt  }
0x81: {  	_ =	shalt  }
0x82: {  	_ =	shalt  }
0x83: {  	_ =	shalt  }
0x84: {  	_ =	shalt  }
0x85: {  	_ =	shalt  }
0x86: {  	_ =	shalt  }
0x87: {  	_ =	shalt  }
.Lfunc_end0:
.L_simem_size_0:
called_computation_lowered:
.L_overlay_start_0:
0x88: {  	s2 =	sld [smem:$0x3FD9]  }
0x89: {  	s3 =	sld [smem:$0x3FFE];
	_ =	sdelay $0x1  }
0x8a: {  	s1 =	srdreg.scid  }
0x8b: {  	s0 =	sand.u32 $0x1, s1  }
0x8c: {  	s17 =	sshll.u32 s0, $0xA;
	s2 =	sadd.s32 s3, s2  }
0x8d: {  	s2 =	sadd.s32 s2, s17  }
0x8e: {  	[smem:$0x3FC4] =	sst s2  }
0x8f: {  	_ = 	snop  }
0x90: {  	s2 =	sld [smem:$0x3FC9]  }
0x91: {  	s18 =	sld [smem:$0x3FC8];
	(tm) =	ssettm $0x1  }
0x92: {  	s4 =	sld [smem:$0x3FFB];
	_ =	sdelay $0x3  }
0x93: {  	_ =	strace s4  }
0x94: {  	s4 =	sld [smem:$0x3FFC];
	_ =	sdelay $0x3  }
0x95: {  	_ =	strace s4  }
0x96: {  	s4 =	sld [smem:$0x3FFD];
	_ =	sdelay $0x3  }
0x97: {  	_ =	strace s4  }
0x98: {  	_ =	strace $0x8FFFFFFF  }
0x99: {  	s19 =	sld [smem:$0x3FDB];
	_ =	sdelay $0x1  }
0x9a: {  	s5 =	simm.s32 $_scs_section_size  }
0x9b: {  	s6 =	simm.s32 $_size__tile_overlayer_lowered;
	s7 =	simm.s32 $_tile_overlayer_lowered  }
0x9c: {  	s22 =	simm.s32 $0x1BFF;
	s21 =	sshll.u32 s7, $0x1;
	s4 =	sadd.s32 s5, s19  }
0x9d: {  	s8 =	simm.s32 $0x0;
	s20 =	sshll.u32 s6, $0x1;
	s6 =	sadd.s32 s21, s4  }
0x9e: {  	[timem:s8], [sflag:s22] =	dma.local [hbm:s6], s20  }
0x9f: {  	_ =	swait.ge [sflag:s22], s20  }
0xa0: {  	s5 =	ssub.s32 $0x0, s20;
	[sflag:s22] =	ssyncset.done $0x0  }
0xa1: {  	[sflag:s22] =	ssyncadd.s32 s5;
	_ =	sdelay $0x1  }
0xa2: {  	s23 =	simm.s32 $0x1B8B  }
0xa3: {  	_ =	swait.ge [sflag:s23], $0x1  }
0xa4: {  	[sflag:s23] =	ssyncset.done $0x0  }
0xa5: {  	s25 =	simm.s32 $0x1B8E;
	s24 =	sld [smem:$0x3FFE];
	[sflag:s23] =	ssyncadd.s32 $0xFFFFFFFF  }
0xa6: {  	s26 =	simm.s32 $execute0_lowered;
	[smem:$0x3FD2] =	sst s25  }
0xa7: {  	s6 =	sshll.u32 s26, $0x1;
	_ =	strace $0x80000046;
	[dreg:$0x1] =	wrdreg $0xFFFFFFFF  }
0xa8: {  	s28 =	simm.s32 $_size_execute0_lowered;
	s4 =	sadd.s32 s4, s6;
	[dreg:$0x0] =	wrdreg $0x0  }
0xa9: {  	s6 =	sshll.u32 s28, $0x1;
	[dreg:$0x2] =	wrdreg s4  }
0xaa: {  	[dreg:$0x3] =	wrdreg s6  }
0xab: {  	[dreg:$0x4] =	wrdreg $0xC0  }
0xac: {  	_ =	task [dreg:s8], $0x5FFFF  }
0xad: {  	[dreg:$0x1] =	wrdreg $0xFFFFFFFF  }
0xae: {  	[dreg:$0x0] =	wrdreg $0x60  }
0xaf: {  	[dreg:$0x2] =	wrdreg s2  }
0xb0: {  	[dreg:$0x3] =	wrdreg s18  }
0xb1: {  	[dreg:$0x4] =	wrdreg s24  }
0xb2: {  	[dreg:$0x5] =	wrdreg $0x9  }
0xb3: {  	_ =	task.clear_ibuf [dreg:s8], $0x6FFFF;
	_ =	strace $0x90000046  }
0xb4: {  	s29 =	simm.s32 $0x9;
	_ =	strace $0x80000048  }
0xb5: {  	_ =	swait.ge [sflag:s29], $0x1  }
0xb6: {  	[sflag:s29] =	ssyncadd.s32 $0xFFFFFFFF  }
0xb7: {  	_ =	strace $0x90000048  }
0xb8: {  	_ =	sfence  }
0xb9: {  	s30 =	sld [smem:$0x0];
	_ =	sdelay $0x2  }
0xba: {  	s31 =	sshll.u32 s1, $0xD;
	s1 =	sshrl.u32 s1, $0x2  }
0xbb: {  	s3 =	sand.u32 $0x4000, s31;
	s1 =	sadd.s32 s1, s30  }
0xbc: {  	s0 =	sor.u32 s3, s0;
	s1 =	sshll.u32 s1, $0x11  }
0xbd: {  	s0 =	sor.u32 s1, s0  }
0xbe: {  	s0 =	sadd.s32 $0x8F2B, s0  }
0xbf: {  	[sflag:s0] =	ssyncadd.remote.s32 $0x1  }
0xc0: {  	_ =	sfence.sel $0xFFFF  }
0xc1: {  	[dreg:$0x0] =	wrdreg $0xFFFFFFFF;
	(pc) =	sbr.abs _section_cstart, $3  }
0xc2: {  	[dreg:$0x1] =	wrdreg $0xFFFFFFFF  }
0xc3: {  	_ =	task.clear_ibuf [dreg:s8], $0x2FFFF;
	_ =	strace $0x9FFFFFFF  }
0xc4: {  	(tm) =	ssettm $0x7FFFFFFF  }
0xc5: {  	_ =	shalt  }
tec
execute0_lowered:
.L_overlay_start_1:
0x0: {  	(tag) =	ssettag $0x1  }
0x1: {  	s0 =	rddreg [dreg:$0x0]  }
0x2: {  	s2 =	rddreg [dreg:$0x1]  }
0x3: {  	s5 =	rddreg [dreg:$0x2];
	s4 =	srdreg.scid  }
0x4: {  	s1 =	simm.s32 $0x0;
	s7 =	stileid.u32;
	s6 =	sand.u32 $0x1, s4  }
0x5: {  	[smem:$0x7FF] =	sst s1;
	s7 =	sshll.u32 s7, $0xA;
	s8 =	sshll.u32 s6, $0x9  }
0x6: {  	s3 =	sadd.s32 $0x187200, s5;
	s4 =	sadd.s32 $0x800, s5;
	s7 =	sor.u32 s8, s7  }
0x7: {  	s9 =	sadd.s32 $0x10C9600, s5;
	s6 =	ssub.s32 $0x2, s6;
	s10 =	sshrl.u32 s7, $0x3  }
0x8: {  	_ =	strace $0x80000047;
	s24 =	sshrl.u32 s6, $0x1;
	s0 =	sadd.s32 s0, s10  }
0x9: {  	s25 =	sshll.u32 s7, $0x4;
	s2 =	sadd.s32 s2, s10;
	[dreg:$0x18] =	wrdreg s0  }
0xa: {  	s6 =	ssub.s32 s6, s24;
	s26 =	sadd.s32 s9, s25;
	[dreg:$0x19] =	wrdreg s2  }
0xb: {  	s5 =	sadd.s32 $0x1109600, s5;
	s31 =	smax.u32 s6, $0x1;
	[dreg:$0x1a] =	wrdreg s26  }
0xc: {  	s28 =	sor.u32 $0x1000, s25;
	s0 =	sadd.s32 s5, s25;
	[dreg:$0x1e] =	wrdreg s31  }
0xd: {  	s29 =	sadd.s32 s9, s28;
	[dreg:$0x1b] =	wrdreg s0  }
0xe: {  	s13 =	simm.s32 $0x1;
	s30 =	sadd.s32 s5, s28;
	[dreg:$0x1c] =	wrdreg s29  }
0xf: {  	s2 =	simm.s32 $0x2;
	s5 =	simm.s32 $0x0;
	[dreg:$0x1d] =	wrdreg s30  }
.LBB2_1:
0x10: {  	[dreg:$0x1f] =	wrdreg s5  }
0x11: {  	s0 =	rddreg [dreg:$0x18]  }
0x12: {  	[tilespmem:s1], [sflag:$0x2] =	stream.linear.gather [hbm4b:s0+s1], $0x200, $0x38;
	[tilespmem:$0x10400] =	vst v63  }
0x13: {  	_ =	swait.ge [sflag:s2], $0x200  }
0x14: {  	[sflag:s2] =	ssyncset.done $0x0  }
0x15: {  	s5 =	simm.s32 $0x200;
	s12 =	rddreg [dreg:$0x19];
	[sflag:s2] =	ssyncadd.s32 $0xFFFFFE00  }
0x16: {  	[tilespmem:s5], [sflag:$0x2] =	stream.linear.gather [hbm4b:s12+s1], $0x200, $0x38;
	[tilespmem:$0x10400] =	vst v63  }
0x17: {  	_ =	swait.ge [sflag:s2], $0x200  }
0x18: {  	[sflag:s2] =	ssyncset.done $0x0  }
0x19: {  	[sflag:s2] =	ssyncadd.s32 $0xFFFFFE00  }
0x1a: {  	v0 =	vld [tilespmem:s1+$0x0];
	_ =	sdelay $0x1  }
0x1b: {  	v2 =	vld [tilespmem:s5+$0x0];
	_ =	sdelay $0x2  }
0x1c: {  	v1 =	vshll.u32 v0, $0x4  }
0x1d: {  	(v2sf) =	vpush v1, $0x0  }
0x1e: {  	v63 =	vshll.u32 v2, $0x4  }
0x1f: {  	(v2sf) =	vpush v63, $0x0;
	_ =	sdelay $0x1  }
0x20: {  	(v2sf) =	vpush v1, $0x1;
	_ =	sdelay $0x2  }
0x21: {  	(v2sf) =	vpush v63, $0x1;
	_ =	sdelay $0x7  }
0x22: {  	s14 =	spop (v2sf);
	(v2sf) =	vpush v1, $0x2;
	_ =	sdelay $0x1  }
0x23: {  	s16 =	spop (v2sf);
	(v2sf) =	vpush v63, $0x2;
	_ =	sdelay $0x1  }
0x24: {  	s18 =	spop (v2sf);
	(v2sf) =	vpush v1, $0x3;
	_ =	sdelay $0x2  }
0x25: {  	s20 =	spop (v2sf);
	(v2sf) =	vpush v63, $0x3;
	_ =	sdelay $0x4  }
0x26: {  	s0 =	sand.u32 $0x1FFFFFF0, s14  }
0x27: {  	s15 =	simm.s32 $0x400;
	s0 =	sadd.s32 s3, s0  }
0x28: {  	[tilespmem:s15], [sflag:$0x1] =	stream.linear.gather [hbm4b:s0+s1], $0x80, $0x38;
	[tilespmem:$0x10400] =	vst v63  }
0x29: {  	s22 =	spop (v2sf);
	(v2sf) =	vpush v1, $0x4  }
0x2a: {  	s0 =	sand.u32 $0x1FFFFFF0, s16  }
0x2b: {  	s17 =	simm.s32 $0x8400;
	s0 =	sadd.s32 s4, s0;
	s24 =	spop (v2sf);
	(v2sf) =	vpush v63, $0x4  }
0x2c: {  	[tilespmem:s17], [sflag:$0x1] =	stream.linear.gather [hbm4b:s0+s1], $0x80, $0x38;
	[tilespmem:$0x10400] =	vst v63  }
0x2d: {  	s0 =	sand.u32 $0x1FFFFFF0, s18;
	s26 =	spop (v2sf);
	(v2sf) =	vpush v1, $0x5  }
0x2e: {  	s19 =	simm.s32 $0x480;
	s0 =	sadd.s32 s3, s0  }
0x2f: {  	[tilespmem:s19], [sflag:$0x1] =	stream.linear.gather [hbm4b:s0+s1], $0x80, $0x38;
	[tilespmem:$0x10400] =	vst v63  }
0x30: {  	s29 =	spop (v2sf);
	(v2sf) =	vpush v63, $0x5  }
0x31: {  	s0 =	sand.u32 $0x1FFFFFF0, s20  }
0x32: {  	s21 =	simm.s32 $0x8480;
	s0 =	sadd.s32 s4, s0  }
0x33: {  	[tilespmem:s21], [sflag:$0x1] =	stream.linear.gather [hbm4b:s0+s1], $0x80, $0x38;
	[tilespmem:$0x10400] =	vst v63  }
0x34: {  	s0 =	sand.u32 $0x1FFFFFF0, s22  }
0x35: {  	s23 =	simm.s32 $0x500;
	s0 =	sadd.s32 s3, s0  }
0x36: {  	[tilespmem:s23], [sflag:$0x1] =	stream.linear.gather [hbm4b:s0+s1], $0x80, $0x38;
	[tilespmem:$0x10400] =	vst v63  }
0x37: {  	s0 =	sand.u32 $0x1FFFFFF0, s24  }
0x38: {  	s25 =	simm.s32 $0x8500;
	s0 =	sadd.s32 s4, s0;
	s2 =	spop (v2sf);
	(v2sf) =	vpush v1, $0x6  }
0x39: {  	[tilespmem:s25], [sflag:$0x1] =	stream.linear.gather [hbm4b:s0+s1], $0x80, $0x38;
	[tilespmem:$0x10400] =	vst v63  }
0x3a: {  	s7 =	spop (v2sf);
	(v2sf) =	vpush v63, $0x6  }
0x3b: {  	s0 =	sand.u32 $0x1FFFFFF0, s26  }
0x3c: {  	s28 =	simm.s32 $0x580;
	s0 =	sadd.s32 s3, s0;
	s9 =	spop (v2sf);
	(v2sf) =	vpush v1, $0x7  }
0x3d: {  	[tilespmem:s28], [sflag:$0x1] =	stream.linear.gather [hbm4b:s0+s1], $0x80, $0x38;
	[tilespmem:$0x10400] =	vst v63  }
0x3e: {  	s0 =	sand.u32 $0x1FFFFFF0, s29  }
0x3f: {  	s31 =	simm.s32 $0x8580;
	s0 =	sadd.s32 s4, s0;
	s11 =	spop (v2sf);
	(v2sf) =	vpush v63, $0x7  }
0x40: {  	[tilespmem:s31], [sflag:$0x1] =	stream.linear.gather [hbm4b:s0+s1], $0x80, $0x38;
	[tilespmem:$0x10400] =	vst v63  }
0x41: {  	s0 =	sand.u32 $0x1FFFFFF0, s2  }
0x42: {  	s6 =	simm.s32 $0x600;
	s0 =	sadd.s32 s3, s0  }
0x43: {  	[tilespmem:s6], [sflag:$0x1] =	stream.linear.gather [hbm4b:s0+s1], $0x80, $0x38;
	[tilespmem:$0x10400] =	vst v63  }
0x44: {  	s0 =	sand.u32 $0x1FFFFFF0, s7  }
0x45: {  	s8 =	simm.s32 $0x8600;
	s0 =	sadd.s32 s4, s0  }
0x46: {  	[tilespmem:s8], [sflag:$0x1] =	stream.linear.gather [hbm4b:s0+s1], $0x80, $0x38;
	[tilespmem:$0x10400] =	vst v63  }
0x47: {  	s14 =	spop (v2sf);
	(v2sf) =	vpush v1, $0x8  }
0x48: {  	s0 =	sand.u32 $0x1FFFFFF0, s9  }
0x49: {  	s10 =	simm.s32 $0x680;
	s0 =	sadd.s32 s3, s0;
	s16 =	spop (v2sf);
	(v2sf) =	vpush v63, $0x8  }
0x4a: {  	[tilespmem:s10], [sflag:$0x1] =	stream.linear.gather [hbm4b:s0+s1], $0x80, $0x38;
	[tilespmem:$0x10400] =	vst v63  }
0x4b: {  	s0 =	sand.u32 $0x1FFFFFF0, s11;
	s18 =	spop (v2sf);
	(v2sf) =	vpush v1, $0x9  }
0x4c: {  	s12 =	simm.s32 $0x8680;
	s0 =	sadd.s32 s4, s0  }
0x4d: {  	[tilespmem:s12], [sflag:$0x1] =	stream.linear.gather [hbm4b:s0+s1], $0x80, $0x38;
	[tilespmem:$0x10400] =	vst v63  }
0x4e: {  	s20 =	spop (v2sf);
	(v2sf) =	vpush v63, $0x9  }
0x4f: {  	s0 =	sand.u32 $0x1FFFFFF0, s14  }
0x50: {  	s15 =	simm.s32 $0x700;
	s0 =	sadd.s32 s3, s0  }
0x51: {  	[tilespmem:s15], [sflag:$0x1] =	stream.linear.gather [hbm4b:s0+s1], $0x80, $0x38;
	[tilespmem:$0x10400] =	vst v63  }
0x52: {  	s0 =	sand.u32 $0x1FFFFFF0, s16  }
0x53: {  	s17 =	simm.s32 $0x8700;
	s0 =	sadd.s32 s4, s0  }
0x54: {  	[tilespmem:s17], [sflag:$0x1] =	stream.linear.gather [hbm4b:s0+s1], $0x80, $0x38;
	[tilespmem:$0x10400] =	vst v63  }
0x55: {  	s0 =	sand.u32 $0x1FFFFFF0, s18  }
0x56: {  	s19 =	simm.s32 $0x780;
	s0 =	sadd.s32 s3, s0;
	s22 =	spop (v2sf);
	(v2sf) =	vpush v1, $0xA  }
0x57: {  	[tilespmem:s19], [sflag:$0x1] =	stream.linear.gather [hbm4b:s0+s1], $0x80, $0x38;
	[tilespmem:$0x10400] =	vst v63  }
0x58: {  	s24 =	spop (v2sf);
	(v2sf) =	vpush v63, $0xA  }
0x59: {  	s0 =	sand.u32 $0x1FFFFFF0, s20  }
0x5a: {  	s21 =	simm.s32 $0x8780;
	s0 =	sadd.s32 s4, s0;
	s26 =	spop (v2sf);
	(v2sf) =	vpush v1, $0xB  }
0x5b: {  	[tilespmem:s21], [sflag:$0x1] =	stream.linear.gather [hbm4b:s0+s1], $0x80, $0x38;
	[tilespmem:$0x10400] =	vst v63  }
0x5c: {  	s0 =	sand.u32 $0x1FFFFFF0, s22  }
0x5d: {  	s23 =	simm.s32 $0x800;
	s0 =	sadd.s32 s3, s0;
	s29 =	spop (v2sf);
	(v2sf) =	vpush v63, $0xB  }
0x5e: {  	[tilespmem:s23], [sflag:$0x1] =	stream.linear.gather [hbm4b:s0+s1], $0x80, $0x38;
	[tilespmem:$0x10400] =	vst v63  }
0x5f: {  	s0 =	sand.u32 $0x1FFFFFF0, s24  }
0x60: {  	s25 =	simm.s32 $0x8800;
	s0 =	sadd.s32 s4, s0  }
0x61: {  	[tilespmem:s25], [sflag:$0x1] =	stream.linear.gather [hbm4b:s0+s1], $0x80, $0x38;
	[tilespmem:$0x10400] =	vst v63  }
0x62: {  	s0 =	sand.u32 $0x1FFFFFF0, s26  }
0x63: {  	s28 =	simm.s32 $0x880;
	s0 =	sadd.s32 s3, s0  }
0x64: {  	[tilespmem:s28], [sflag:$0x1] =	stream.linear.gather [hbm4b:s0+s1], $0x80, $0x38;
	[tilespmem:$0x10400] =	vst v63  }
0x65: {  	s2 =	spop (v2sf);
	(v2sf) =	vpush v1, $0xC  }
0x66: {  	s0 =	sand.u32 $0x1FFFFFF0, s29  }
0x67: {  	s31 =	simm.s32 $0x8880;
	s0 =	sadd.s32 s4, s0;
	s7 =	spop (v2sf);
	(v2sf) =	vpush v63, $0xC  }
0x68: {  	[tilespmem:s31], [sflag:$0x1] =	stream.linear.gather [hbm4b:s0+s1], $0x80, $0x38;
	[tilespmem:$0x10400] =	vst v63  }
0x69: {  	s0 =	sand.u32 $0x1FFFFFF0, s2;
	s9 =	spop (v2sf);
	(v2sf) =	vpush v1, $0xD  }
0x6a: {  	s6 =	simm.s32 $0x900;
	s0 =	sadd.s32 s3, s0  }
0x6b: {  	[tilespmem:s6], [sflag:$0x1] =	stream.linear.gather [hbm4b:s0+s1], $0x80, $0x38;
	[tilespmem:$0x10400] =	vst v63  }
0x6c: {  	s11 =	spop (v2sf);
	(v2sf) =	vpush v63, $0xD  }
0x6d: {  	s0 =	sand.u32 $0x1FFFFFF0, s7  }
0x6e: {  	s8 =	simm.s32 $0x8900;
	s0 =	sadd.s32 s4, s0  }
0x6f: {  	[tilespmem:s8], [sflag:$0x1] =	stream.linear.gather [hbm4b:s0+s1], $0x80, $0x38;
	[tilespmem:$0x10400] =	vst v63  }
0x70: {  	s0 =	sand.u32 $0x1FFFFFF0, s9  }
0x71: {  	s10 =	simm.s32 $0x980;
	s0 =	sadd.s32 s3, s0  }
0x72: {  	[tilespmem:s10], [sflag:$0x1] =	stream.linear.gather [hbm4b:s0+s1], $0x80, $0x38;
	[tilespmem:$0x10400] =	vst v63  }
0x73: {  	s0 =	sand.u32 $0x1FFFFFF0, s11  }
0x74: {  	s12 =	simm.s32 $0x8980;
	s0 =	sadd.s32 s4, s0;
	s14 =	spop (v2sf);
	(v2sf) =	vpush v1, $0xE  }
0x75: {  	[tilespmem:s12], [sflag:$0x1] =	stream.linear.gather [hbm4b:s0+s1], $0x80, $0x38;
	[tilespmem:$0x10400] =	vst v63  }
0x76: {  	s16 =	spop (v2sf);
	(v2sf) =	vpush v63, $0xE  }
0x77: {  	s0 =	sand.u32 $0x1FFFFFF0, s14  }
0x78: {  	s15 =	simm.s32 $0xA00;
	s0 =	sadd.s32 s3, s0;
	s18 =	spop (v2sf)  }
0x79: {  	(v2sf) =	vpush v1, $0xF;
	[tilespmem:s15], [sflag:$0x1] =	stream.linear.gather [hbm4b:s0+s1], $0x80, $0x38;
	[tilespmem:$0x10400] =	vst v63  }
0x7a: {  	s0 =	sand.u32 $0x1FFFFFF0, s16  }
0x7b: {  	s17 =	simm.s32 $0x8A00;
	s20 =	spop (v2sf);
	s0 =	sadd.s32 s4, s0  }
0x7c: {  	(v2sf) =	vpush v63, $0xF;
	[tilespmem:s17], [sflag:$0x1] =	stream.linear.gather [hbm4b:s0+s1], $0x80, $0x38;
	[tilespmem:$0x10400] =	vst v63  }
0x7d: {  	s0 =	sand.u32 $0x1FFFFFF0, s18  }
0x7e: {  	s19 =	simm.s32 $0xA80;
	s0 =	sadd.s32 s3, s0  }
0x7f: {  	[tilespmem:s19], [sflag:$0x1] =	stream.linear.gather [hbm4b:s0+s1], $0x80, $0x38;
	[tilespmem:$0x10400] =	vst v63  }
0x80: {  	s0 =	sand.u32 $0x1FFFFFF0, s20  }
0x81: {  	s21 =	simm.s32 $0x8A80;
	s0 =	sadd.s32 s4, s0  }
0x82: {  	[tilespmem:s21], [sflag:$0x1] =	stream.linear.gather [hbm4b:s0+s1], $0x80, $0x38;
	[tilespmem:$0x10400] =	vst v63  }
0x83: {  	s22 =	spop (v2sf)  }
0x84: {  	s0 =	sand.u32 $0x1FFFFFF0, s22  }
0x85: {  	s23 =	simm.s32 $0xB00;
	s24 =	spop (v2sf);
	s0 =	sadd.s32 s3, s0  }
0x86: {  	[tilespmem:s23], [sflag:$0x1] =	stream.linear.gather [hbm4b:s0+s1], $0x80, $0x38;
	[tilespmem:$0x10400] =	vst v63  }
0x87: {  	s0 =	sand.u32 $0x1FFFFFF0, s24  }
0x88: {  	s25 =	simm.s32 $0x8B00;
	s26 =	spop (v2sf);
	s0 =	sadd.s32 s4, s0  }
0x89: {  	[tilespmem:s25], [sflag:$0x1] =	stream.linear.gather [hbm4b:s0+s1], $0x80, $0x38;
	[tilespmem:$0x10400] =	vst v63  }
0x8a: {  	s0 =	sand.u32 $0x1FFFFFF0, s26  }
0x8b: {  	s28 =	simm.s32 $0xB80;
	s29 =	spop (v2sf);
	s0 =	sadd.s32 s3, s0  }
0x8c: {  	[tilespmem:s28], [sflag:$0x1] =	stream.linear.gather [hbm4b:s0+s1], $0x80, $0x38;
	[tilespmem:$0x10400] =	vst v63  }
0x8d: {  	s0 =	sand.u32 $0x1FFFFFF0, s29  }
0x8e: {  	s31 =	simm.s32 $0x8B80;
	s0 =	sadd.s32 s4, s0  }
0x8f: {  	[tilespmem:s31], [sflag:$0x1] =	stream.linear.gather [hbm4b:s0+s1], $0x80, $0x38;
	[tilespmem:$0x10400] =	vst v63  }
0x90: {  	_ =	swait.ge [sflag:s13], $0x80  }
0x91: {  	[sflag:s13] =	ssyncset.done $0x0  }
0x92: {  	[sflag:s13] =	ssyncadd.s32 $0xFFFFFF80  }
0x93: {  	_ =	swait.ge [sflag:s13], $0x80  }
0x94: {  	[sflag:s13] =	ssyncset.done $0x0  }
0x95: {  	[sflag:s13] =	ssyncadd.s32 $0xFFFFFF80  }
0x96: {  	_ =	swait.ge [sflag:s13], $0x80  }
0x97: {  	[sflag:s13] =	ssyncset.done $0x0  }
0x98: {  	[sflag:s13] =	ssyncadd.s32 $0xFFFFFF80  }
0x99: {  	_ =	swait.ge [sflag:s13], $0x80  }
0x9a: {  	[sflag:s13] =	ssyncset.done $0x0  }
0x9b: {  	[sflag:s13] =	ssyncadd.s32 $0xFFFFFF80  }
0x9c: {  	_ =	swait.ge [sflag:s13], $0x80  }
0x9d: {  	[sflag:s13] =	ssyncset.done $0x0  }
0x9e: {  	[sflag:s13] =	ssyncadd.s32 $0xFFFFFF80  }
0x9f: {  	_ =	swait.ge [sflag:s13], $0x80  }
0xa0: {  	[sflag:s13] =	ssyncset.done $0x0  }
0xa1: {  	[sflag:s13] =	ssyncadd.s32 $0xFFFFFF80  }
0xa2: {  	_ =	swait.ge [sflag:s13], $0x80  }
0xa3: {  	[sflag:s13] =	ssyncset.done $0x0  }
0xa4: {  	[sflag:s13] =	ssyncadd.s32 $0xFFFFFF80  }
0xa5: {  	_ =	swait.ge [sflag:s13], $0x80  }
0xa6: {  	[sflag:s13] =	ssyncset.done $0x0  }
0xa7: {  	[sflag:s13] =	ssyncadd.s32 $0xFFFFFF80  }
0xa8: {  	_ =	swait.ge [sflag:s13], $0x80  }
0xa9: {  	[sflag:s13] =	ssyncset.done $0x0  }
0xaa: {  	[sflag:s13] =	ssyncadd.s32 $0xFFFFFF80  }
0xab: {  	_ =	swait.ge [sflag:s13], $0x80  }
0xac: {  	[sflag:s13] =	ssyncset.done $0x0  }
0xad: {  	[sflag:s13] =	ssyncadd.s32 $0xFFFFFF80  }
0xae: {  	_ =	swait.ge [sflag:s13], $0x80  }
0xaf: {  	[sflag:s13] =	ssyncset.done $0x0  }
0xb0: {  	[sflag:s13] =	ssyncadd.s32 $0xFFFFFF80  }
0xb1: {  	_ =	swait.ge [sflag:s13], $0x80  }
0xb2: {  	[sflag:s13] =	ssyncset.done $0x0  }
0xb3: {  	[sflag:s13] =	ssyncadd.s32 $0xFFFFFF80  }
0xb4: {  	_ =	swait.ge [sflag:s13], $0x80  }
0xb5: {  	[sflag:s13] =	ssyncset.done $0x0  }
0xb6: {  	[sflag:s13] =	ssyncadd.s32 $0xFFFFFF80  }
0xb7: {  	_ =	swait.ge [sflag:s13], $0x80  }
0xb8: {  	[sflag:s13] =	ssyncset.done $0x0  }
0xb9: {  	[sflag:s13] =	ssyncadd.s32 $0xFFFFFF80  }
0xba: {  	_ =	swait.ge [sflag:s13], $0x80  }
0xbb: {  	[sflag:s13] =	ssyncset.done $0x0  }
0xbc: {  	[sflag:s13] =	ssyncadd.s32 $0xFFFFFF80  }
0xbd: {  	_ =	swait.ge [sflag:s13], $0x80  }
0xbe: {  	[sflag:s13] =	ssyncset.done $0x0  }
0xbf: {  	[sflag:s13] =	ssyncadd.s32 $0xFFFFFF80  }
0xc0: {  	_ =	swait.ge [sflag:s13], $0x80  }
0xc1: {  	[sflag:s13] =	ssyncset.done $0x0  }
0xc2: {  	[sflag:s13] =	ssyncadd.s32 $0xFFFFFF80  }
0xc3: {  	_ =	swait.ge [sflag:s13], $0x80  }
0xc4: {  	[sflag:s13] =	ssyncset.done $0x0  }
0xc5: {  	[sflag:s13] =	ssyncadd.s32 $0xFFFFFF80  }
0xc6: {  	_ =	swait.ge [sflag:s13], $0x80  }
0xc7: {  	[sflag:s13] =	ssyncset.done $0x0  }
0xc8: {  	[sflag:s13] =	ssyncadd.s32 $0xFFFFFF80  }
0xc9: {  	_ =	swait.ge [sflag:s13], $0x80  }
0xca: {  	[sflag:s13] =	ssyncset.done $0x0  }
0xcb: {  	[sflag:s13] =	ssyncadd.s32 $0xFFFFFF80  }
0xcc: {  	_ =	swait.ge [sflag:s13], $0x80  }
0xcd: {  	[sflag:s13] =	ssyncset.done $0x0  }
0xce: {  	[sflag:s13] =	ssyncadd.s32 $0xFFFFFF80  }
0xcf: {  	_ =	swait.ge [sflag:s13], $0x80  }
0xd0: {  	[sflag:s13] =	ssyncset.done $0x0  }
0xd1: {  	[sflag:s13] =	ssyncadd.s32 $0xFFFFFF80  }
0xd2: {  	_ =	swait.ge [sflag:s13], $0x80  }
0xd3: {  	[sflag:s13] =	ssyncset.done $0x0  }
0xd4: {  	[sflag:s13] =	ssyncadd.s32 $0xFFFFFF80  }
0xd5: {  	_ =	swait.ge [sflag:s13], $0x80  }
0xd6: {  	[sflag:s13] =	ssyncset.done $0x0  }
0xd7: {  	[sflag:s13] =	ssyncadd.s32 $0xFFFFFF80  }
0xd8: {  	_ =	swait.ge [sflag:s13], $0x80  }
0xd9: {  	[sflag:s13] =	ssyncset.done $0x0  }
0xda: {  	[sflag:s13] =	ssyncadd.s32 $0xFFFFFF80  }
0xdb: {  	_ =	swait.ge [sflag:s13], $0x80  }
0xdc: {  	[sflag:s13] =	ssyncset.done $0x0  }
0xdd: {  	[sflag:s13] =	ssyncadd.s32 $0xFFFFFF80  }
0xde: {  	_ =	swait.ge [sflag:s13], $0x80  }
0xdf: {  	s30 =	simm.s32 $0x0;
	s18 =	simm.s32 $0x2000;
	[sflag:s13] =	ssyncset.done $0x0  }
.LBB2_2:
0xe0: {  	s5 =	sadd.s32 $0x10, s5  }
0xe1: {  	[sflag:s13] =	ssyncadd.s32 $0xFFFFFF80;
	[dreg:$0x4] =	wrdreg s5  }
0xe2: {  	_ =	swait.ge [sflag:s13], $0x80  }
0xe3: {  	[sflag:s13] =	ssyncset.done $0x0  }
0xe4: {  	[sflag:s13] =	ssyncadd.s32 $0xFFFFFF80  }
0xe5: {  	_ =	swait.ge [sflag:s13], $0x80  }
0xe6: {  	[sflag:s13] =	ssyncset.done $0x0  }
0xe7: {  	[sflag:s13] =	ssyncadd.s32 $0xFFFFFF80  }
0xe8: {  	_ =	swait.ge [sflag:s13], $0x80  }
0xe9: {  	[sflag:s13] =	ssyncset.done $0x0  }
0xea: {  	[sflag:s13] =	ssyncadd.s32 $0xFFFFFF80  }
0xeb: {  	_ =	swait.ge [sflag:s13], $0x80  }
0xec: {  	[sflag:s13] =	ssyncset.done $0x0  }
0xed: {  	[sflag:s13] =	ssyncadd.s32 $0xFFFFFF80  }
0xee: {  	_ =	swait.ge [sflag:s13], $0x80  }
0xef: {  	[sflag:s13] =	ssyncset.done $0x0  }
0xf0: {  	s30 =	sadd.s32 $0x10, s30;
	[sflag:s13] =	ssyncadd.s32 $0xFFFFFF80  }
0xf1: {  	v0 =	vld [tilespmem:s30+$0x0]  }
0xf2: {  	v2 =	vld [tilespmem:s5+$0x0];
	_ =	sdelay $0x3  }
0xf3: {  	v1 =	vshll.u32 v0, $0x4  }
0xf4: {  	v63 =	vshll.u32 v2, $0x4;
	(v2sf) =	vpush v1, $0x0  }
0xf5: {  	s0 =	smov.u32 s18;
	(v2sf) =	vpush v63, $0x0  }
0xf6: {  	s20 =	sshra.s32 s0, $0x2;
	(v2sf) =	vpush v1, $0x1  }
0xf7: {  	s23 =	sadd.s32 $0x8400, s20;
	s0 =	sadd.s32 $0x880, s20;
	s25 =	sadd.s32 $0x400, s20  }
0xf8: {  	s11 =	sadd.s32 $0x600, s20;
	s22 =	sadd.s32 $0x8900, s20;
	s17 =	sadd.s32 $0x580, s20;
	(v2sf) =	vpush v63, $0x1  }
0xf9: {  	s12 =	sadd.s32 $0x8580, s20;
	s24 =	sadd.s32 $0x8980, s20;
	s16 =	sadd.s32 $0x8600, s20  }
0xfa: {  	s26 =	sadd.s32 $0x8A00, s20;
	s21 =	sadd.s32 $0x8500, s20;
	s10 =	sadd.s32 $0x8680, s20;
	(v2sf) =	vpush v1, $0x2  }
0xfb: {  	s9 =	sadd.s32 $0x700, s20;
	s28 =	sadd.s32 $0x980, s20;
	[dreg:$0x16] =	wrdreg s0  }
0xfc: {  	s29 =	sadd.s32 $0x8A80, s20;
	s8 =	sadd.s32 $0x8700, s20;
	[dreg:$0x10] =	wrdreg s22;
	(v2sf) =	vpush v63, $0x2  }
0xfd: {  	s2 =	sadd.s32 $0x8880, s20;
	s7 =	sadd.s32 $0x780, s20;
	[dreg:$0xc] =	wrdreg s24  }
0xfe: {  	s14 =	sadd.s32 $0x8800, s20;
	s6 =	sadd.s32 $0x8780, s20;
	[dreg:$0x8] =	wrdreg s26;
	(v2sf) =	vpush v1, $0x3  }
0xff: {  	s15 =	sadd.s32 $0x800, s20;
	s19 =	sadd.s32 $0x8B00, s20;
	[dreg:$0x14] =	wrdreg s28  }
0x100: {  	s31 =	sadd.s32 $0xA80, s20;
	s22 =	sadd.s32 $0x500, s20;
	[dreg:$0x6] =	wrdreg s29;
	(v2sf) =	vpush v63, $0x3  }
0x101: {  	s24 =	sadd.s32 $0x8480, s20;
	s26 =	sadd.s32 $0x900, s20;
	[dreg:$0xa] =	wrdreg s19  }
0x102: {  	s0 =	sadd.s32 $0x480, s20;
	[dreg:$0x12] =	wrdreg s31;
	s28 =	sadd.s32 $0xB00, s20;
	(v2sf) =	vpush v1, $0x4  }
0x103: {  	[dreg:$0xe] =	wrdreg s28;
	s5 =	sadd.s32 $0x680, s20;
	s31 =	spop (v2sf)  }
0x104: {  	s29 =	sand.u32 $0x1FFFFFF0, s31;
	s31 =	sadd.s32 $0xA00, s20;
	s28 =	spop (v2sf);
	(v2sf) =	vpush v63, $0x4  }
0x105: {  	s19 =	sadd.s32 s3, s29;
	s28 =	sand.u32 $0x1FFFFFF0, s28;
	s29 =	spop (v2sf)  }
0x106: {  	(v2sf) =	vpush v1, $0x5;
	[tilespmem:s25], [sflag:$0x1] =	stream.linear.gather [hbm4b:s19+s1], $0x80, $0x38;
	[tilespmem:$0x10400] =	vst v63  }
0x107: {  	s19 =	sadd.s32 s4, s28;
	s25 =	sand.u32 $0x1FFFFFF0, s29;
	s29 =	spop (v2sf)  }
0x108: {  	(v2sf) =	vpush v63, $0x5;
	[tilespmem:s23], [sflag:$0x1] =	stream.linear.gather [hbm4b:s19+s1], $0x80, $0x38;
	[tilespmem:$0x10400] =	vst v63  }
0x109: {  	s25 =	sadd.s32 s3, s25;
	s28 =	sand.u32 $0x1FFFFFF0, s29;
	s29 =	spop (v2sf)  }
0x10a: {  	(v2sf) =	vpush v1, $0x6;
	[tilespmem:s0], [sflag:$0x1] =	stream.linear.gather [hbm4b:s25+s1], $0x80, $0x38;
	[tilespmem:$0x10400] =	vst v63  }
0x10b: {  	s23 =	sadd.s32 s4, s28;
	s28 =	sand.u32 $0x1FFFFFF0, s29;
	s29 =	spop (v2sf)  }
0x10c: {  	(v2sf) =	vpush v63, $0x6;
	[tilespmem:s24], [sflag:$0x1] =	stream.linear.gather [hbm4b:s23+s1], $0x80, $0x38;
	[tilespmem:$0x10400] =	vst v63  }
0x10d: {  	s19 =	sadd.s32 s3, s28;
	s23 =	sand.u32 $0x1FFFFFF0, s29;
	s24 =	spop (v2sf)  }
0x10e: {  	(v2sf) =	vpush v1, $0x7;
	[tilespmem:s22], [sflag:$0x1] =	stream.linear.gather [hbm4b:s19+s1], $0x80, $0x38;
	[tilespmem:$0x10400] =	vst v63  }
0x10f: {  	s25 =	sadd.s32 s4, s23;
	s28 =	sand.u32 $0x1FFFFFF0, s24;
	s29 =	spop (v2sf)  }
0x110: {  	(v2sf) =	vpush v63, $0x7;
	[tilespmem:s21], [sflag:$0x1] =	stream.linear.gather [hbm4b:s25+s1], $0x80, $0x38;
	[tilespmem:$0x10400] =	vst v63  }
0x111: {  	s23 =	sand.u32 $0x1FFFFFF0, s29;
	s24 =	spop (v2sf);
	s21 =	sadd.s32 s3, s28  }
0x112: {  	(v2sf) =	vpush v1, $0x8;
	[tilespmem:s17], [sflag:$0x1] =	stream.linear.gather [hbm4b:s21+s1], $0x80, $0x38;
	[tilespmem:$0x10400] =	vst v63  }
0x113: {  	s25 =	sadd.s32 s4, s23;
	s28 =	sand.u32 $0x1FFFFFF0, s24;
	s29 =	spop (v2sf)  }
0x114: {  	(v2sf) =	vpush v63, $0x8;
	[tilespmem:s12], [sflag:$0x1] =	stream.linear.gather [hbm4b:s25+s1], $0x80, $0x38;
	[tilespmem:$0x10400] =	vst v63  }
0x115: {  	s17 =	sadd.s32 s3, s28;
	s19 =	sand.u32 $0x1FFFFFF0, s29;
	s21 =	spop (v2sf);
	(v2sf) =	vpush v1, $0x9  }
0x116: {  	[tilespmem:s11], [sflag:$0x1] =	stream.linear.gather [hbm4b:s17+s1], $0x80, $0x38;
	[tilespmem:$0x10400] =	vst v63  }
0x117: {  	s22 =	sadd.s32 s4, s19;
	s23 =	sand.u32 $0x1FFFFFF0, s21;
	s24 =	spop (v2sf)  }
0x118: {  	(v2sf) =	vpush v63, $0x9;
	[tilespmem:s16], [sflag:$0x1] =	stream.linear.gather [hbm4b:s22+s1], $0x80, $0x38;
	[tilespmem:$0x10400] =	vst v63  }
0x119: {  	s25 =	sadd.s32 s3, s23;
	s28 =	sand.u32 $0x1FFFFFF0, s24;
	s29 =	spop (v2sf)  }
0x11a: {  	(v2sf) =	vpush v1, $0xA;
	[tilespmem:s5], [sflag:$0x1] =	stream.linear.gather [hbm4b:s25+s1], $0x80, $0x38;
	[tilespmem:$0x10400] =	vst v63  }
0x11b: {  	s11 =	sadd.s32 s4, s28;
	s12 =	sand.u32 $0x1FFFFFF0, s29;
	s16 =	spop (v2sf)  }
0x11c: {  	(v2sf) =	vpush v63, $0xA;
	[tilespmem:s10], [sflag:$0x1] =	stream.linear.gather [hbm4b:s11+s1], $0x80, $0x38;
	[tilespmem:$0x10400] =	vst v63  }
0x11d: {  	s17 =	sadd.s32 s3, s12;
	s19 =	sand.u32 $0x1FFFFFF0, s16;
	s21 =	spop (v2sf)  }
0x11e: {  	(v2sf) =	vpush v1, $0xB;
	[tilespmem:s9], [sflag:$0x1] =	stream.linear.gather [hbm4b:s17+s1], $0x80, $0x38;
	[tilespmem:$0x10400] =	vst v63  }
0x11f: {  	s22 =	sadd.s32 s4, s19;
	s23 =	sand.u32 $0x1FFFFFF0, s21;
	s24 =	spop (v2sf)  }
0x120: {  	[tilespmem:s8], [sflag:$0x1] =	stream.linear.gather [hbm4b:s22+s1], $0x80, $0x38;
	[tilespmem:$0x10400] =	vst v63  }
0x121: {  	(v2sf) =	vpush v63, $0xB;
	s25 =	sadd.s32 s3, s23;
	s28 =	sand.u32 $0x1FFFFFF0, s24;
	s29 =	spop (v2sf)  }
0x122: {  	[tilespmem:s7], [sflag:$0x1] =	stream.linear.gather [hbm4b:s25+s1], $0x80, $0x38;
	[tilespmem:$0x10400] =	vst v63  }
0x123: {  	(v2sf) =	vpush v1, $0xC;
	s24 =	rddreg [dreg:$0x16];
	s8 =	sand.u32 $0x1FFFFFF0, s29;
	s9 =	spop (v2sf)  }
0x124: {  	s7 =	sadd.s32 s4, s28;
	s11 =	sand.u32 $0x1FFFFFF0, s9;
	s12 =	spop (v2sf)  }
0x125: {  	(v2sf) =	vpush v63, $0xC;
	[tilespmem:s6], [sflag:$0x1] =	stream.linear.gather [hbm4b:s7+s1], $0x80, $0x38;
	[tilespmem:$0x10400] =	vst v63  }
0x126: {  	s10 =	sadd.s32 s3, s8;
	s16 =	sadd.s32 s4, s11;
	s17 =	sand.u32 $0x1FFFFFF0, s12  }
0x127: {  	s19 =	spop (v2sf);
	s12 =	rddreg [dreg:$0x10];
	s21 =	sadd.s32 s3, s17  }
0x128: {  	[tilespmem:s15], [sflag:$0x1] =	stream.linear.gather [hbm4b:s10+s1], $0x80, $0x38;
	[tilespmem:$0x10400] =	vst v63  }
0x129: {  	(v2sf) =	vpush v1, $0xD;
	s22 =	sand.u32 $0x1FFFFFF0, s19;
	s23 =	spop (v2sf);
	s17 =	rddreg [dreg:$0x14]  }
0x12a: {  	[tilespmem:s14], [sflag:$0x1] =	stream.linear.gather [hbm4b:s16+s1], $0x80, $0x38;
	[tilespmem:$0x10400] =	vst v63  }
0x12b: {  	(v2sf) =	vpush v63, $0xD;
	s25 =	sadd.s32 s4, s22;
	s28 =	sand.u32 $0x1FFFFFF0, s23;
	s29 =	spop (v2sf)  }
0x12c: {  	[tilespmem:s24], [sflag:$0x1] =	stream.linear.gather [hbm4b:s21+s1], $0x80, $0x38;
	[tilespmem:$0x10400] =	vst v63  }
0x12d: {  	(v2sf) =	vpush v1, $0xE;
	s23 =	rddreg [dreg:$0xc];
	s7 =	sand.u32 $0x1FFFFFF0, s29;
	s8 =	spop (v2sf)  }
0x12e: {  	s5 =	sadd.s32 s3, s28;
	s9 =	sadd.s32 s4, s7;
	s10 =	sand.u32 $0x1FFFFFF0, s8  }
0x12f: {  	(v2sf) =	vpush v63, $0xE;
	[tilespmem:s2], [sflag:$0x1] =	stream.linear.gather [hbm4b:s25+s1], $0x80, $0x38;
	[tilespmem:$0x10400] =	vst v63  }
0x130: {  	s7 =	rddreg [dreg:$0x8];
	s11 =	spop (v2sf);
	s14 =	sadd.s32 s3, s10  }
0x131: {  	(v2sf) =	vpush v1, $0xF;
	[tilespmem:s26], [sflag:$0x1] =	stream.linear.gather [hbm4b:s5+s1], $0x80, $0x38;
	[tilespmem:$0x10400] =	vst v63  }
0x132: {  	s15 =	sand.u32 $0x1FFFFFF0, s11;
	s16 =	spop (v2sf);
	s11 =	rddreg [dreg:$0x12]  }
0x133: {  	(v2sf) =	vpush v63, $0xF;
	[tilespmem:s12], [sflag:$0x1] =	stream.linear.gather [hbm4b:s9+s1], $0x80, $0x38;
	[tilespmem:$0x10400] =	vst v63  }
0x134: {  	s19 =	sadd.s32 s4, s15;
	s21 =	sand.u32 $0x1FFFFFF0, s16;
	s22 =	spop (v2sf)  }
0x135: {  	[tilespmem:s17], [sflag:$0x1] =	stream.linear.gather [hbm4b:s14+s1], $0x80, $0x38;
	[tilespmem:$0x10400] =	vst v63  }
0x136: {  	s16 =	rddreg [dreg:$0x6];
	s24 =	sadd.s32 s3, s21;
	s25 =	sand.u32 $0x1FFFFFF0, s22  }
0x137: {  	[tilespmem:s23], [sflag:$0x1] =	stream.linear.gather [hbm4b:s19+s1], $0x80, $0x38;
	[tilespmem:$0x10400] =	vst v63  }
0x138: {  	s26 =	spop (v2sf);
	s22 =	rddreg [dreg:$0xe];
	s28 =	sadd.s32 s4, s25  }
0x139: {  	[tilespmem:s31], [sflag:$0x1] =	stream.linear.gather [hbm4b:s24+s1], $0x80, $0x38;
	[tilespmem:$0x10400] =	vst v63  }
0x13a: {  	s29 =	sand.u32 $0x1FFFFFF0, s26;
	s26 =	rddreg [dreg:$0xa];
	s31 =	spop (v2sf)  }
0x13b: {  	[tilespmem:s7], [sflag:$0x1] =	stream.linear.gather [hbm4b:s28+s1], $0x80, $0x38;
	[tilespmem:$0x10400] =	vst v63  }
0x13c: {  	s8 =	sadd.s32 s3, s29;
	s9 =	sand.u32 $0x1FFFFFF0, s31;
	s10 =	spop (v2sf)  }
0x13d: {  	[tilespmem:s11], [sflag:$0x1] =	stream.linear.gather [hbm4b:s8+s1], $0x80, $0x38;
	[tilespmem:$0x10400] =	vst v63  }
0x13e: {  	s12 =	sadd.s32 s4, s9;
	s14 =	sand.u32 $0x1FFFFFF0, s10;
	s15 =	spop (v2sf)  }
0x13f: {  	[tilespmem:s16], [sflag:$0x1] =	stream.linear.gather [hbm4b:s12+s1], $0x80, $0x38;
	[tilespmem:$0x10400] =	vst v63  }
0x140: {  	s17 =	sadd.s32 s3, s14;
	s19 =	sand.u32 $0x1FFFFFF0, s15;
	s21 =	spop (v2sf)  }
0x141: {  	[tilespmem:s22], [sflag:$0x1] =	stream.linear.gather [hbm4b:s17+s1], $0x80, $0x38;
	[tilespmem:$0x10400] =	vst v63  }
0x142: {  	s23 =	sadd.s32 s4, s19;
	s24 =	sand.u32 $0x1FFFFFF0, s21;
	s25 =	spop (v2sf)  }
0x143: {  	[tilespmem:s26], [sflag:$0x1] =	stream.linear.gather [hbm4b:s23+s1], $0x80, $0x38;
	[tilespmem:$0x10400] =	vst v63  }
0x144: {  	s28 =	sadd.s32 $0xB80, s20;
	s2 =	sadd.s32 s3, s24;
	s5 =	sand.u32 $0x1FFFFFF0, s25  }
0x145: {  	[tilespmem:s28], [sflag:$0x1] =	stream.linear.gather [hbm4b:s2+s1], $0x80, $0x38;
	[tilespmem:$0x10400] =	vst v63  }
0x146: {  	s29 =	sadd.s32 $0x8B80, s20;
	s31 =	sadd.s32 s4, s5  }
0x147: {  	[tilespmem:s29], [sflag:$0x1] =	stream.linear.gather [hbm4b:s31+s1], $0x80, $0x38;
	[tilespmem:$0x10400] =	vst v63  }
0x148: {  	s5 =	rddreg [dreg:$0x4];
	_ =	swait.ge [sflag:s13], $0x80  }
0x149: {  	[sflag:s13] =	ssyncset.done $0x0  }
0x14a: {  	[sflag:s13] =	ssyncadd.s32 $0xFFFFFF80  }
0x14b: {  	_ =	swait.ge [sflag:s13], $0x80  }
0x14c: {  	[sflag:s13] =	ssyncset.done $0x0  }
0x14d: {  	[sflag:s13] =	ssyncadd.s32 $0xFFFFFF80  }
0x14e: {  	_ =	swait.ge [sflag:s13], $0x80  }
0x14f: {  	[sflag:s13] =	ssyncset.done $0x0  }
0x150: {  	[sflag:s13] =	ssyncadd.s32 $0xFFFFFF80  }
0x151: {  	_ =	swait.ge [sflag:s13], $0x80  }
0x152: {  	[sflag:s13] =	ssyncset.done $0x0  }
0x153: {  	[sflag:s13] =	ssyncadd.s32 $0xFFFFFF80  }
0x154: {  	_ =	swait.ge [sflag:s13], $0x80  }
0x155: {  	[sflag:s13] =	ssyncset.done $0x0  }
0x156: {  	[sflag:s13] =	ssyncadd.s32 $0xFFFFFF80  }
0x157: {  	_ =	swait.ge [sflag:s13], $0x80  }
0x158: {  	[sflag:s13] =	ssyncset.done $0x0  }
0x159: {  	[sflag:s13] =	ssyncadd.s32 $0xFFFFFF80  }
0x15a: {  	_ =	swait.ge [sflag:s13], $0x80  }
0x15b: {  	[sflag:s13] =	ssyncset.done $0x0  }
0x15c: {  	[sflag:s13] =	ssyncadd.s32 $0xFFFFFF80  }
0x15d: {  	_ =	swait.ge [sflag:s13], $0x80  }
0x15e: {  	[sflag:s13] =	ssyncset.done $0x0  }
0x15f: {  	[sflag:s13] =	ssyncadd.s32 $0xFFFFFF80  }
0x160: {  	_ =	swait.ge [sflag:s13], $0x80  }
0x161: {  	[sflag:s13] =	ssyncset.done $0x0  }
0x162: {  	[sflag:s13] =	ssyncadd.s32 $0xFFFFFF80  }
0x163: {  	_ =	swait.ge [sflag:s13], $0x80  }
0x164: {  	[sflag:s13] =	ssyncset.done $0x0  }
0x165: {  	[sflag:s13] =	ssyncadd.s32 $0xFFFFFF80  }
0x166: {  	_ =	swait.ge [sflag:s13], $0x80  }
0x167: {  	[sflag:s13] =	ssyncset.done $0x0  }
0x168: {  	[sflag:s13] =	ssyncadd.s32 $0xFFFFFF80  }
0x169: {  	_ =	swait.ge [sflag:s13], $0x80  }
0x16a: {  	[sflag:s13] =	ssyncset.done $0x0  }
0x16b: {  	[sflag:s13] =	ssyncadd.s32 $0xFFFFFF80  }
0x16c: {  	_ =	swait.ge [sflag:s13], $0x80  }
0x16d: {  	[sflag:s13] =	ssyncset.done $0x0  }
0x16e: {  	[sflag:s13] =	ssyncadd.s32 $0xFFFFFF80  }
0x16f: {  	_ =	swait.ge [sflag:s13], $0x80  }
0x170: {  	[sflag:s13] =	ssyncset.done $0x0  }
0x171: {  	[sflag:s13] =	ssyncadd.s32 $0xFFFFFF80  }
0x172: {  	_ =	swait.ge [sflag:s13], $0x80  }
0x173: {  	[sflag:s13] =	ssyncset.done $0x0  }
0x174: {  	[sflag:s13] =	ssyncadd.s32 $0xFFFFFF80  }
0x175: {  	_ =	swait.ge [sflag:s13], $0x80  }
0x176: {  	[sflag:s13] =	ssyncset.done $0x0  }
0x177: {  	[sflag:s13] =	ssyncadd.s32 $0xFFFFFF80  }
0x178: {  	_ =	swait.ge [sflag:s13], $0x80  }
0x179: {  	[sflag:s13] =	ssyncset.done $0x0  }
0x17a: {  	[sflag:s13] =	ssyncadd.s32 $0xFFFFFF80  }
0x17b: {  	_ =	swait.ge [sflag:s13], $0x80  }
0x17c: {  	[sflag:s13] =	ssyncset.done $0x0  }
0x17d: {  	[sflag:s13] =	ssyncadd.s32 $0xFFFFFF80  }
0x17e: {  	_ =	swait.ge [sflag:s13], $0x80  }
0x17f: {  	[sflag:s13] =	ssyncset.done $0x0  }
0x180: {  	[sflag:s13] =	ssyncadd.s32 $0xFFFFFF80  }
0x181: {  	_ =	swait.ge [sflag:s13], $0x80  }
0x182: {  	[sflag:s13] =	ssyncset.done $0x0  }
0x183: {  	[sflag:s13] =	ssyncadd.s32 $0xFFFFFF80  }
0x184: {  	_ =	swait.ge [sflag:s13], $0x80  }
0x185: {  	[sflag:s13] =	ssyncset.done $0x0  }
0x186: {  	[sflag:s13] =	ssyncadd.s32 $0xFFFFFF80  }
0x187: {  	_ =	swait.ge [sflag:s13], $0x80  }
0x188: {  	[sflag:s13] =	ssyncset.done $0x0  }
0x189: {  	[sflag:s13] =	ssyncadd.s32 $0xFFFFFF80  }
0x18a: {  	_ =	swait.ge [sflag:s13], $0x80  }
0x18b: {  	[sflag:s13] =	ssyncset.done $0x0  }
0x18c: {  	[sflag:s13] =	ssyncadd.s32 $0xFFFFFF80  }
0x18d: {  	_ =	swait.ge [sflag:s13], $0x80  }
0x18e: {  	[sflag:s13] =	ssyncset.done $0x0  }
0x18f: {  	[sflag:s13] =	ssyncadd.s32 $0xFFFFFF80  }
0x190: {  	_ =	swait.ge [sflag:s13], $0x80  }
0x191: {  	[sflag:s13] =	ssyncset.done $0x0  }
0x192: {  	p0 =	sne.s32 s18, $0x1E000;
	[sflag:s13] =	ssyncadd.s32 $0xFFFFFF80  }
.Ltmp0:
0x193: {  	_ =	swait.ge [sflag:s13], $0x80;
	(pc) =	sbr.rel @p0 .LBB2_2-.Ltmp0, $4  }
0x194: {  	[sflag:s13] =	ssyncset.done $0x0  }
0x195: {  	[sflag:s13] =	ssyncadd.s32 $0xFFFFFF80  }
0x196: {  	_ =	swait.ge [sflag:s13], $0x80  }
0x197: {  	s18 =	sadd.s32 $0x2000, s18;
	[sflag:s13] =	ssyncset.done $0x0  }
0x198: {  	[sflag:s13] =	ssyncadd.s32 $0xFFFFFF80  }
0x199: {  	_ =	swait.ge [sflag:s13], $0x80  }
0x19a: {  	[sflag:s13] =	ssyncset.done $0x0  }
0x19b: {  	[sflag:s13] =	ssyncadd.s32 $0xFFFFFF80  }
0x19c: {  	_ =	swait.ge [sflag:s13], $0x80  }
0x19d: {  	[sflag:s13] =	ssyncset.done $0x0  }
0x19e: {  	[sflag:s13] =	ssyncadd.s32 $0xFFFFFF80  }
0x19f: {  	_ =	swait.ge [sflag:s13], $0x80  }
0x1a0: {  	[sflag:s13] =	ssyncset.done $0x0  }
0x1a1: {  	[sflag:s13] =	ssyncadd.s32 $0xFFFFFF80  }
0x1a2: {  	_ =	swait.ge [sflag:s13], $0x80  }
0x1a3: {  	[sflag:s13] =	ssyncset.done $0x0  }
0x1a4: {  	[sflag:s13] =	ssyncadd.s32 $0xFFFFFF80  }
0x1a5: {  	_ =	swait.ge [sflag:s13], $0x80  }
0x1a6: {  	s0 =	simm.s32 $0x0;
	s5 =	simm.s32 $0x400;
	[sflag:s13] =	ssyncset.done $0x0  }
0x1a7: {  	s31 =	simm.s32 $0x2;
	s2 =	rddreg [dreg:$0x1a];
	[sflag:s13] =	ssyncadd.s32 $0xFFFFFF80  }
0x1a8: {  	[hbm4b:s2+s0] =	stream.linear.scatter [tilespmem:s5], [sflag:$0x2], $0x8000, $0x38;
	[tilespmem:$0x10400] =	vst v63  }
0x1a9: {  	_ =	swait.ge [sflag:s31], $0x8000  }
0x1aa: {  	[sflag:s31] =	ssyncset.done $0x0  }
0x1ab: {  	s6 =	simm.s32 $0x8400;
	s7 =	rddreg [dreg:$0x1b];
	[sflag:s31] =	ssyncadd.s32 $0xFFFF8000  }
0x1ac: {  	[hbm4b:s7+s0] =	stream.linear.scatter [tilespmem:s6], [sflag:$0x2], $0x8000, $0x38;
	[tilespmem:$0x10400] =	vst v63  }
0x1ad: {  	_ =	swait.ge [sflag:s31], $0x8000  }
0x1ae: {  	[sflag:s31] =	ssyncset.done $0x0  }
0x1af: {  	s5 =	simm.s32 $0x100;
	[sflag:s31] =	ssyncadd.s32 $0xFFFF8000  }
0x1b0: {  	v0 =	vld [tilespmem:s5+$0x0]  }
0x1b1: {  	s28 =	simm.s32 $0x300  }
0x1b2: {  	v2 =	vld [tilespmem:s28+$0x0];
	_ =	sdelay $0x2  }
0x1b3: {  	v1 =	vshll.u32 v0, $0x4  }
0x1b4: {  	(v2sf) =	vpush v1, $0x0  }
0x1b5: {  	v63 =	vshll.u32 v2, $0x4  }
0x1b6: {  	(v2sf) =	vpush v63, $0x0;
	_ =	sdelay $0x1  }
0x1b7: {  	(v2sf) =	vpush v1, $0x1;
	_ =	sdelay $0x2  }
0x1b8: {  	(v2sf) =	vpush v63, $0x1;
	_ =	sdelay $0x7  }
0x1b9: {  	s8 =	spop (v2sf);
	(v2sf) =	vpush v1, $0x2;
	_ =	sdelay $0x1  }
0x1ba: {  	s10 =	spop (v2sf);
	(v2sf) =	vpush v63, $0x2;
	_ =	sdelay $0x1  }
0x1bb: {  	s12 =	spop (v2sf);
	(v2sf) =	vpush v1, $0x3;
	_ =	sdelay $0x2  }
0x1bc: {  	s15 =	spop (v2sf);
	(v2sf) =	vpush v63, $0x3;
	_ =	sdelay $0x4  }
0x1bd: {  	s0 =	sand.u32 $0x1FFFFFF0, s8  }
0x1be: {  	s9 =	simm.s32 $0x400;
	s0 =	sadd.s32 s3, s0  }
0x1bf: {  	[tilespmem:s9], [sflag:$0x1] =	stream.linear.gather [hbm4b:s0+s1], $0x80, $0x38;
	[tilespmem:$0x10400] =	vst v63  }
0x1c0: {  	s17 =	spop (v2sf);
	(v2sf) =	vpush v1, $0x4  }
0x1c1: {  	s0 =	sand.u32 $0x1FFFFFF0, s10  }
0x1c2: {  	s11 =	simm.s32 $0x8400;
	s0 =	sadd.s32 s4, s0;
	s19 =	spop (v2sf);
	(v2sf) =	vpush v63, $0x4  }
0x1c3: {  	[tilespmem:s11], [sflag:$0x1] =	stream.linear.gather [hbm4b:s0+s1], $0x80, $0x38;
	[tilespmem:$0x10400] =	vst v63  }
0x1c4: {  	s0 =	sand.u32 $0x1FFFFFF0, s12;
	s21 =	spop (v2sf);
	(v2sf) =	vpush v1, $0x5  }
0x1c5: {  	s14 =	simm.s32 $0x480;
	s0 =	sadd.s32 s3, s0  }
0x1c6: {  	[tilespmem:s14], [sflag:$0x1] =	stream.linear.gather [hbm4b:s0+s1], $0x80, $0x38;
	[tilespmem:$0x10400] =	vst v63  }
0x1c7: {  	s23 =	spop (v2sf);
	(v2sf) =	vpush v63, $0x5  }
0x1c8: {  	s0 =	sand.u32 $0x1FFFFFF0, s15  }
0x1c9: {  	s16 =	simm.s32 $0x8480;
	s0 =	sadd.s32 s4, s0  }
0x1ca: {  	[tilespmem:s16], [sflag:$0x1] =	stream.linear.gather [hbm4b:s0+s1], $0x80, $0x38;
	[tilespmem:$0x10400] =	vst v63  }
0x1cb: {  	s0 =	sand.u32 $0x1FFFFFF0, s17  }
0x1cc: {  	s18 =	simm.s32 $0x500;
	s0 =	sadd.s32 s3, s0  }
0x1cd: {  	[tilespmem:s18], [sflag:$0x1] =	stream.linear.gather [hbm4b:s0+s1], $0x80, $0x38;
	[tilespmem:$0x10400] =	vst v63  }
0x1ce: {  	s0 =	sand.u32 $0x1FFFFFF0, s19  }
0x1cf: {  	s20 =	simm.s32 $0x8500;
	s0 =	sadd.s32 s4, s0;
	s25 =	spop (v2sf);
	(v2sf) =	vpush v1, $0x6  }
0x1d0: {  	[tilespmem:s20], [sflag:$0x1] =	stream.linear.gather [hbm4b:s0+s1], $0x80, $0x38;
	[tilespmem:$0x10400] =	vst v63  }
0x1d1: {  	s30 =	spop (v2sf);
	(v2sf) =	vpush v63, $0x6  }
0x1d2: {  	s0 =	sand.u32 $0x1FFFFFF0, s21  }
0x1d3: {  	s22 =	simm.s32 $0x580;
	s0 =	sadd.s32 s3, s0;
	s6 =	spop (v2sf);
	(v2sf) =	vpush v1, $0x7  }
0x1d4: {  	[tilespmem:s22], [sflag:$0x1] =	stream.linear.gather [hbm4b:s0+s1], $0x80, $0x38;
	[tilespmem:$0x10400] =	vst v63  }
0x1d5: {  	s0 =	sand.u32 $0x1FFFFFF0, s23  }
0x1d6: {  	s24 =	simm.s32 $0x8580;
	s0 =	sadd.s32 s4, s0;
	s8 =	spop (v2sf);
	(v2sf) =	vpush v63, $0x7  }
0x1d7: {  	[tilespmem:s24], [sflag:$0x1] =	stream.linear.gather [hbm4b:s0+s1], $0x80, $0x38;
	[tilespmem:$0x10400] =	vst v63  }
0x1d8: {  	s0 =	sand.u32 $0x1FFFFFF0, s25  }
0x1d9: {  	s26 =	simm.s32 $0x600;
	s0 =	sadd.s32 s3, s0  }
0x1da: {  	[tilespmem:s26], [sflag:$0x1] =	stream.linear.gather [hbm4b:s0+s1], $0x80, $0x38;
	[tilespmem:$0x10400] =	vst v63  }
0x1db: {  	s0 =	sand.u32 $0x1FFFFFF0, s30  }
0x1dc: {  	s31 =	simm.s32 $0x8600;
	s0 =	sadd.s32 s4, s0  }
0x1dd: {  	[tilespmem:s31], [sflag:$0x1] =	stream.linear.gather [hbm4b:s0+s1], $0x80, $0x38;
	[tilespmem:$0x10400] =	vst v63  }
0x1de: {  	s10 =	spop (v2sf);
	(v2sf) =	vpush v1, $0x8  }
0x1df: {  	s0 =	sand.u32 $0x1FFFFFF0, s6  }
0x1e0: {  	s7 =	simm.s32 $0x680;
	s0 =	sadd.s32 s3, s0;
	s12 =	spop (v2sf);
	(v2sf) =	vpush v63, $0x8  }
0x1e1: {  	[tilespmem:s7], [sflag:$0x1] =	stream.linear.gather [hbm4b:s0+s1], $0x80, $0x38;
	[tilespmem:$0x10400] =	vst v63  }
0x1e2: {  	s0 =	sand.u32 $0x1FFFFFF0, s8;
	s15 =	spop (v2sf);
	(v2sf) =	vpush v1, $0x9  }
0x1e3: {  	s9 =	simm.s32 $0x8680;
	s0 =	sadd.s32 s4, s0  }
0x1e4: {  	[tilespmem:s9], [sflag:$0x1] =	stream.linear.gather [hbm4b:s0+s1], $0x80, $0x38;
	[tilespmem:$0x10400] =	vst v63  }
0x1e5: {  	s17 =	spop (v2sf);
	(v2sf) =	vpush v63, $0x9  }
0x1e6: {  	s0 =	sand.u32 $0x1FFFFFF0, s10  }
0x1e7: {  	s11 =	simm.s32 $0x700;
	s0 =	sadd.s32 s3, s0  }
0x1e8: {  	[tilespmem:s11], [sflag:$0x1] =	stream.linear.gather [hbm4b:s0+s1], $0x80, $0x38;
	[tilespmem:$0x10400] =	vst v63  }
0x1e9: {  	s0 =	sand.u32 $0x1FFFFFF0, s12  }
0x1ea: {  	s14 =	simm.s32 $0x8700;
	s0 =	sadd.s32 s4, s0  }
0x1eb: {  	[tilespmem:s14], [sflag:$0x1] =	stream.linear.gather [hbm4b:s0+s1], $0x80, $0x38;
	[tilespmem:$0x10400] =	vst v63  }
0x1ec: {  	s0 =	sand.u32 $0x1FFFFFF0, s15  }
0x1ed: {  	s16 =	simm.s32 $0x780;
	s0 =	sadd.s32 s3, s0;
	s19 =	spop (v2sf);
	(v2sf) =	vpush v1, $0xA  }
0x1ee: {  	[tilespmem:s16], [sflag:$0x1] =	stream.linear.gather [hbm4b:s0+s1], $0x80, $0x38;
	[tilespmem:$0x10400] =	vst v63  }
0x1ef: {  	s21 =	spop (v2sf);
	(v2sf) =	vpush v63, $0xA  }
0x1f0: {  	s0 =	sand.u32 $0x1FFFFFF0, s17  }
0x1f1: {  	s18 =	simm.s32 $0x8780;
	s0 =	sadd.s32 s4, s0;
	s23 =	spop (v2sf);
	(v2sf) =	vpush v1, $0xB  }
0x1f2: {  	[tilespmem:s18], [sflag:$0x1] =	stream.linear.gather [hbm4b:s0+s1], $0x80, $0x38;
	[tilespmem:$0x10400] =	vst v63  }
0x1f3: {  	s0 =	sand.u32 $0x1FFFFFF0, s19  }
0x1f4: {  	s20 =	simm.s32 $0x800;
	s0 =	sadd.s32 s3, s0;
	s25 =	spop (v2sf);
	(v2sf) =	vpush v63, $0xB  }
0x1f5: {  	[tilespmem:s20], [sflag:$0x1] =	stream.linear.gather [hbm4b:s0+s1], $0x80, $0x38;
	[tilespmem:$0x10400] =	vst v63  }
0x1f6: {  	s0 =	sand.u32 $0x1FFFFFF0, s21  }
0x1f7: {  	s22 =	simm.s32 $0x8800;
	s0 =	sadd.s32 s4, s0  }
0x1f8: {  	[tilespmem:s22], [sflag:$0x1] =	stream.linear.gather [hbm4b:s0+s1], $0x80, $0x38;
	[tilespmem:$0x10400] =	vst v63  }
0x1f9: {  	s0 =	sand.u32 $0x1FFFFFF0, s23  }
0x1fa: {  	s24 =	simm.s32 $0x880;
	s0 =	sadd.s32 s3, s0  }
0x1fb: {  	[tilespmem:s24], [sflag:$0x1] =	stream.linear.gather [hbm4b:s0+s1], $0x80, $0x38;
	[tilespmem:$0x10400] =	vst v63  }
0x1fc: {  	s30 =	spop (v2sf);
	(v2sf) =	vpush v1, $0xC  }
0x1fd: {  	s0 =	sand.u32 $0x1FFFFFF0, s25  }
0x1fe: {  	s26 =	simm.s32 $0x8880;
	s0 =	sadd.s32 s4, s0;
	s6 =	spop (v2sf);
	(v2sf) =	vpush v63, $0xC  }
0x1ff: {  	[tilespmem:s26], [sflag:$0x1] =	stream.linear.gather [hbm4b:s0+s1], $0x80, $0x38;
	[tilespmem:$0x10400] =	vst v63  }
0x200: {  	s0 =	sand.u32 $0x1FFFFFF0, s30;
	s8 =	spop (v2sf);
	(v2sf) =	vpush v1, $0xD  }
0x201: {  	s31 =	simm.s32 $0x900;
	s0 =	sadd.s32 s3, s0  }
0x202: {  	[tilespmem:s31], [sflag:$0x1] =	stream.linear.gather [hbm4b:s0+s1], $0x80, $0x38;
	[tilespmem:$0x10400] =	vst v63  }
0x203: {  	s10 =	spop (v2sf);
	(v2sf) =	vpush v63, $0xD  }
0x204: {  	s0 =	sand.u32 $0x1FFFFFF0, s6  }
0x205: {  	s7 =	simm.s32 $0x8900;
	s0 =	sadd.s32 s4, s0  }
0x206: {  	[tilespmem:s7], [sflag:$0x1] =	stream.linear.gather [hbm4b:s0+s1], $0x80, $0x38;
	[tilespmem:$0x10400] =	vst v63  }
0x207: {  	s0 =	sand.u32 $0x1FFFFFF0, s8  }
0x208: {  	s9 =	simm.s32 $0x980;
	s0 =	sadd.s32 s3, s0  }
0x209: {  	[tilespmem:s9], [sflag:$0x1] =	stream.linear.gather [hbm4b:s0+s1], $0x80, $0x38;
	[tilespmem:$0x10400] =	vst v63  }
0x20a: {  	s0 =	sand.u32 $0x1FFFFFF0, s10  }
0x20b: {  	s11 =	simm.s32 $0x8980;
	s0 =	sadd.s32 s4, s0;
	s12 =	spop (v2sf);
	(v2sf) =	vpush v1, $0xE  }
0x20c: {  	[tilespmem:s11], [sflag:$0x1] =	stream.linear.gather [hbm4b:s0+s1], $0x80, $0x38;
	[tilespmem:$0x10400] =	vst v63  }
0x20d: {  	s15 =	spop (v2sf);
	(v2sf) =	vpush v63, $0xE  }
0x20e: {  	s0 =	sand.u32 $0x1FFFFFF0, s12  }
0x20f: {  	s14 =	simm.s32 $0xA00;
	s0 =	sadd.s32 s3, s0;
	s17 =	spop (v2sf)  }
0x210: {  	(v2sf) =	vpush v1, $0xF;
	[tilespmem:s14], [sflag:$0x1] =	stream.linear.gather [hbm4b:s0+s1], $0x80, $0x38;
	[tilespmem:$0x10400] =	vst v63  }
0x211: {  	s0 =	sand.u32 $0x1FFFFFF0, s15  }
0x212: {  	s16 =	simm.s32 $0x8A00;
	s19 =	spop (v2sf);
	s0 =	sadd.s32 s4, s0  }
0x213: {  	(v2sf) =	vpush v63, $0xF;
	[tilespmem:s16], [sflag:$0x1] =	stream.linear.gather [hbm4b:s0+s1], $0x80, $0x38;
	[tilespmem:$0x10400] =	vst v63  }
0x214: {  	s0 =	sand.u32 $0x1FFFFFF0, s17  }
0x215: {  	s18 =	simm.s32 $0xA80;
	s0 =	sadd.s32 s3, s0  }
0x216: {  	[tilespmem:s18], [sflag:$0x1] =	stream.linear.gather [hbm4b:s0+s1], $0x80, $0x38;
	[tilespmem:$0x10400] =	vst v63  }
0x217: {  	s0 =	sand.u32 $0x1FFFFFF0, s19  }
0x218: {  	s20 =	simm.s32 $0x8A80;
	s0 =	sadd.s32 s4, s0  }
0x219: {  	[tilespmem:s20], [sflag:$0x1] =	stream.linear.gather [hbm4b:s0+s1], $0x80, $0x38;
	[tilespmem:$0x10400] =	vst v63  }
0x21a: {  	s21 =	spop (v2sf)  }
0x21b: {  	s0 =	sand.u32 $0x1FFFFFF0, s21  }
0x21c: {  	s22 =	simm.s32 $0xB00;
	s23 =	spop (v2sf);
	s0 =	sadd.s32 s3, s0  }
0x21d: {  	[tilespmem:s22], [sflag:$0x1] =	stream.linear.gather [hbm4b:s0+s1], $0x80, $0x38;
	[tilespmem:$0x10400] =	vst v63  }
0x21e: {  	s0 =	sand.u32 $0x1FFFFFF0, s23  }
0x21f: {  	s24 =	simm.s32 $0x8B00;
	s25 =	spop (v2sf);
	s0 =	sadd.s32 s4, s0  }
0x220: {  	[tilespmem:s24], [sflag:$0x1] =	stream.linear.gather [hbm4b:s0+s1], $0x80, $0x38;
	[tilespmem:$0x10400] =	vst v63  }
0x221: {  	s0 =	sand.u32 $0x1FFFFFF0, s25  }
0x222: {  	s26 =	simm.s32 $0xB80;
	s30 =	spop (v2sf);
	s0 =	sadd.s32 s3, s0  }
0x223: {  	[tilespmem:s26], [sflag:$0x1] =	stream.linear.gather [hbm4b:s0+s1], $0x80, $0x38;
	[tilespmem:$0x10400] =	vst v63  }
0x224: {  	s0 =	sand.u32 $0x1FFFFFF0, s30  }
0x225: {  	s31 =	simm.s32 $0x8B80;
	s0 =	sadd.s32 s4, s0  }
0x226: {  	[tilespmem:s31], [sflag:$0x1] =	stream.linear.gather [hbm4b:s0+s1], $0x80, $0x38;
	[tilespmem:$0x10400] =	vst v63  }
0x227: {  	_ =	swait.ge [sflag:s13], $0x80  }
0x228: {  	[sflag:s13] =	ssyncset.done $0x0  }
0x229: {  	[sflag:s13] =	ssyncadd.s32 $0xFFFFFF80  }
0x22a: {  	_ =	swait.ge [sflag:s13], $0x80  }
0x22b: {  	[sflag:s13] =	ssyncset.done $0x0  }
0x22c: {  	[sflag:s13] =	ssyncadd.s32 $0xFFFFFF80  }
0x22d: {  	_ =	swait.ge [sflag:s13], $0x80  }
0x22e: {  	[sflag:s13] =	ssyncset.done $0x0  }
0x22f: {  	[sflag:s13] =	ssyncadd.s32 $0xFFFFFF80  }
0x230: {  	_ =	swait.ge [sflag:s13], $0x80  }
0x231: {  	[sflag:s13] =	ssyncset.done $0x0  }
0x232: {  	[sflag:s13] =	ssyncadd.s32 $0xFFFFFF80  }
0x233: {  	_ =	swait.ge [sflag:s13], $0x80  }
0x234: {  	[sflag:s13] =	ssyncset.done $0x0  }
0x235: {  	[sflag:s13] =	ssyncadd.s32 $0xFFFFFF80  }
0x236: {  	_ =	swait.ge [sflag:s13], $0x80  }
0x237: {  	[sflag:s13] =	ssyncset.done $0x0  }
0x238: {  	[sflag:s13] =	ssyncadd.s32 $0xFFFFFF80  }
0x239: {  	_ =	swait.ge [sflag:s13], $0x80  }
0x23a: {  	[sflag:s13] =	ssyncset.done $0x0  }
0x23b: {  	[sflag:s13] =	ssyncadd.s32 $0xFFFFFF80  }
0x23c: {  	_ =	swait.ge [sflag:s13], $0x80  }
0x23d: {  	[sflag:s13] =	ssyncset.done $0x0  }
0x23e: {  	[sflag:s13] =	ssyncadd.s32 $0xFFFFFF80  }
0x23f: {  	_ =	swait.ge [sflag:s13], $0x80  }
0x240: {  	[sflag:s13] =	ssyncset.done $0x0  }
0x241: {  	[sflag:s13] =	ssyncadd.s32 $0xFFFFFF80  }
0x242: {  	_ =	swait.ge [sflag:s13], $0x80  }
0x243: {  	[sflag:s13] =	ssyncset.done $0x0  }
0x244: {  	[sflag:s13] =	ssyncadd.s32 $0xFFFFFF80  }
0x245: {  	_ =	swait.ge [sflag:s13], $0x80  }
0x246: {  	[sflag:s13] =	ssyncset.done $0x0  }
0x247: {  	[sflag:s13] =	ssyncadd.s32 $0xFFFFFF80  }
0x248: {  	_ =	swait.ge [sflag:s13], $0x80  }
0x249: {  	[sflag:s13] =	ssyncset.done $0x0  }
0x24a: {  	[sflag:s13] =	ssyncadd.s32 $0xFFFFFF80  }
0x24b: {  	_ =	swait.ge [sflag:s13], $0x80  }
0x24c: {  	[sflag:s13] =	ssyncset.done $0x0  }
0x24d: {  	[sflag:s13] =	ssyncadd.s32 $0xFFFFFF80  }
0x24e: {  	_ =	swait.ge [sflag:s13], $0x80  }
0x24f: {  	[sflag:s13] =	ssyncset.done $0x0  }
0x250: {  	[sflag:s13] =	ssyncadd.s32 $0xFFFFFF80  }
0x251: {  	_ =	swait.ge [sflag:s13], $0x80  }
0x252: {  	[sflag:s13] =	ssyncset.done $0x0  }
0x253: {  	[sflag:s13] =	ssyncadd.s32 $0xFFFFFF80  }
0x254: {  	_ =	swait.ge [sflag:s13], $0x80  }
0x255: {  	[sflag:s13] =	ssyncset.done $0x0  }
0x256: {  	[sflag:s13] =	ssyncadd.s32 $0xFFFFFF80  }
0x257: {  	_ =	swait.ge [sflag:s13], $0x80  }
0x258: {  	[sflag:s13] =	ssyncset.done $0x0  }
0x259: {  	[sflag:s13] =	ssyncadd.s32 $0xFFFFFF80  }
0x25a: {  	_ =	swait.ge [sflag:s13], $0x80  }
0x25b: {  	[sflag:s13] =	ssyncset.done $0x0  }
0x25c: {  	[sflag:s13] =	ssyncadd.s32 $0xFFFFFF80  }
0x25d: {  	_ =	swait.ge [sflag:s13], $0x80  }
0x25e: {  	[sflag:s13] =	ssyncset.done $0x0  }
0x25f: {  	[sflag:s13] =	ssyncadd.s32 $0xFFFFFF80  }
0x260: {  	_ =	swait.ge [sflag:s13], $0x80  }
0x261: {  	[sflag:s13] =	ssyncset.done $0x0  }
0x262: {  	[sflag:s13] =	ssyncadd.s32 $0xFFFFFF80  }
0x263: {  	_ =	swait.ge [sflag:s13], $0x80  }
0x264: {  	[sflag:s13] =	ssyncset.done $0x0  }
0x265: {  	[sflag:s13] =	ssyncadd.s32 $0xFFFFFF80  }
0x266: {  	_ =	swait.ge [sflag:s13], $0x80  }
0x267: {  	[sflag:s13] =	ssyncset.done $0x0  }
0x268: {  	[sflag:s13] =	ssyncadd.s32 $0xFFFFFF80  }
0x269: {  	_ =	swait.ge [sflag:s13], $0x80  }
0x26a: {  	[sflag:s13] =	ssyncset.done $0x0  }
0x26b: {  	[sflag:s13] =	ssyncadd.s32 $0xFFFFFF80  }
0x26c: {  	_ =	swait.ge [sflag:s13], $0x80  }
0x26d: {  	[sflag:s13] =	ssyncset.done $0x0  }
0x26e: {  	[sflag:s13] =	ssyncadd.s32 $0xFFFFFF80  }
0x26f: {  	_ =	swait.ge [sflag:s13], $0x80  }
0x270: {  	[sflag:s13] =	ssyncset.done $0x0  }
0x271: {  	[sflag:s13] =	ssyncadd.s32 $0xFFFFFF80  }
0x272: {  	_ =	swait.ge [sflag:s13], $0x80  }
0x273: {  	[sflag:s13] =	ssyncset.done $0x0  }
0x274: {  	[sflag:s13] =	ssyncadd.s32 $0xFFFFFF80  }
0x275: {  	_ =	swait.ge [sflag:s13], $0x80  }
0x276: {  	s29 =	simm.s32 $0x2000;
	[sflag:s13] =	ssyncset.done $0x0  }
.LBB2_4:
0x277: {  	s5 =	sadd.s32 $0x10, s5  }
0x278: {  	[sflag:s13] =	ssyncadd.s32 $0xFFFFFF80;
	[dreg:$0x5] =	wrdreg s5  }
0x279: {  	_ =	swait.ge [sflag:s13], $0x80  }
0x27a: {  	[sflag:s13] =	ssyncset.done $0x0  }
0x27b: {  	[sflag:s13] =	ssyncadd.s32 $0xFFFFFF80  }
0x27c: {  	_ =	swait.ge [sflag:s13], $0x80  }
0x27d: {  	[sflag:s13] =	ssyncset.done $0x0  }
0x27e: {  	[sflag:s13] =	ssyncadd.s32 $0xFFFFFF80  }
0x27f: {  	_ =	swait.ge [sflag:s13], $0x80  }
0x280: {  	[sflag:s13] =	ssyncset.done $0x0  }
0x281: {  	[sflag:s13] =	ssyncadd.s32 $0xFFFFFF80  }
0x282: {  	_ =	swait.ge [sflag:s13], $0x80  }
0x283: {  	[sflag:s13] =	ssyncset.done $0x0  }
0x284: {  	[sflag:s13] =	ssyncadd.s32 $0xFFFFFF80  }
0x285: {  	_ =	swait.ge [sflag:s13], $0x80  }
0x286: {  	[sflag:s13] =	ssyncset.done $0x0  }
0x287: {  	[sflag:s13] =	ssyncadd.s32 $0xFFFFFF80  }
0x288: {  	s28 =	sadd.s32 $0x10, s28;
	v0 =	vld [tilespmem:s5+$0x0]  }
0x289: {  	v2 =	vld [tilespmem:s28+$0x0];
	_ =	sdelay $0x3  }
0x28a: {  	v1 =	vshll.u32 v0, $0x4  }
0x28b: {  	v63 =	vshll.u32 v2, $0x4;
	(v2sf) =	vpush v1, $0x0  }
0x28c: {  	s0 =	smov.u32 s29;
	(v2sf) =	vpush v63, $0x0  }
0x28d: {  	s20 =	sshra.s32 s0, $0x2;
	(v2sf) =	vpush v1, $0x1  }
0x28e: {  	s23 =	sadd.s32 $0x8400, s20;
	s0 =	sadd.s32 $0x880, s20;
	s25 =	sadd.s32 $0x400, s20  }
0x28f: {  	s11 =	sadd.s32 $0x600, s20;
	s9 =	sadd.s32 $0x8900, s20;
	s17 =	sadd.s32 $0x580, s20;
	(v2sf) =	vpush v63, $0x1  }
0x290: {  	s12 =	sadd.s32 $0x8580, s20;
	s10 =	sadd.s32 $0x8980, s20;
	s22 =	sadd.s32 $0x500, s20  }
0x291: {  	s16 =	sadd.s32 $0x8600, s20;
	s14 =	sadd.s32 $0x8A00, s20;
	s24 =	sadd.s32 $0x8480, s20;
	(v2sf) =	vpush v1, $0x2  }
0x292: {  	s21 =	sadd.s32 $0x8500, s20;
	s15 =	sadd.s32 $0x980, s20;
	[dreg:$0x17] =	wrdreg s0  }
0x293: {  	s18 =	sadd.s32 $0x8A80, s20;
	s8 =	sadd.s32 $0x8700, s20;
	[dreg:$0x11] =	wrdreg s9;
	(v2sf) =	vpush v63, $0x2  }
0x294: {  	s2 =	sadd.s32 $0x8880, s20;
	s30 =	sadd.s32 $0x900, s20;
	[dreg:$0xd] =	wrdreg s10  }
0x295: {  	s7 =	sadd.s32 $0x780, s20;
	s6 =	sadd.s32 $0x8780, s20;
	[dreg:$0x9] =	wrdreg s14;
	(v2sf) =	vpush v1, $0x3  }
0x296: {  	s19 =	sadd.s32 $0x8B00, s20;
	s26 =	sadd.s32 $0xA80, s20;
	[dreg:$0x15] =	wrdreg s15  }
0x297: {  	s31 =	sadd.s32 $0xB00, s20;
	s10 =	sadd.s32 $0x8680, s20;
	[dreg:$0x7] =	wrdreg s18;
	(v2sf) =	vpush v63, $0x3  }
0x298: {  	s9 =	sadd.s32 $0x700, s20;
	s14 =	sadd.s32 $0x8800, s20;
	[dreg:$0xb] =	wrdreg s19  }
0x299: {  	s18 =	sadd.s32 $0x480, s20;
	s15 =	sadd.s32 $0x800, s20;
	[dreg:$0x13] =	wrdreg s26;
	(v2sf) =	vpush v1, $0x4  }
0x29a: {  	[dreg:$0xf] =	wrdreg s31;
	s5 =	sadd.s32 $0x680, s20;
	s31 =	spop (v2sf)  }
0x29b: {  	s26 =	sand.u32 $0x1FFFFFF0, s31;
	s31 =	sadd.s32 $0xA00, s20;
	s19 =	spop (v2sf);
	(v2sf) =	vpush v63, $0x4  }
0x29c: {  	s26 =	sadd.s32 s3, s26;
	s0 =	sand.u32 $0x1FFFFFF0, s19;
	s19 =	spop (v2sf)  }
0x29d: {  	(v2sf) =	vpush v1, $0x5;
	[tilespmem:s25], [sflag:$0x1] =	stream.linear.gather [hbm4b:s26+s1], $0x80, $0x38;
	[tilespmem:$0x10400] =	vst v63  }
0x29e: {  	s0 =	sadd.s32 s4, s0;
	s19 =	sand.u32 $0x1FFFFFF0, s19;
	s26 =	spop (v2sf)  }
0x29f: {  	(v2sf) =	vpush v63, $0x5;
	[tilespmem:s23], [sflag:$0x1] =	stream.linear.gather [hbm4b:s0+s1], $0x80, $0x38;
	[tilespmem:$0x10400] =	vst v63  }
0x2a0: {  	s25 =	sand.u32 $0x1FFFFFF0, s26;
	s26 =	spop (v2sf);
	s23 =	sadd.s32 s3, s19  }
0x2a1: {  	(v2sf) =	vpush v1, $0x6;
	[tilespmem:s18], [sflag:$0x1] =	stream.linear.gather [hbm4b:s23+s1], $0x80, $0x38;
	[tilespmem:$0x10400] =	vst v63  }
0x2a2: {  	s19 =	sadd.s32 s4, s25;
	s25 =	sand.u32 $0x1FFFFFF0, s26;
	s26 =	spop (v2sf)  }
0x2a3: {  	(v2sf) =	vpush v63, $0x6;
	[tilespmem:s24], [sflag:$0x1] =	stream.linear.gather [hbm4b:s19+s1], $0x80, $0x38;
	[tilespmem:$0x10400] =	vst v63  }
0x2a4: {  	s18 =	sadd.s32 s3, s25;
	s23 =	spop (v2sf);
	s19 =	sand.u32 $0x1FFFFFF0, s26  }
0x2a5: {  	(v2sf) =	vpush v1, $0x7;
	[tilespmem:s22], [sflag:$0x1] =	stream.linear.gather [hbm4b:s18+s1], $0x80, $0x38;
	[tilespmem:$0x10400] =	vst v63  }
0x2a6: {  	s25 =	sand.u32 $0x1FFFFFF0, s23;
	s26 =	spop (v2sf);
	s24 =	sadd.s32 s4, s19  }
0x2a7: {  	(v2sf) =	vpush v63, $0x7;
	[tilespmem:s21], [sflag:$0x1] =	stream.linear.gather [hbm4b:s24+s1], $0x80, $0x38;
	[tilespmem:$0x10400] =	vst v63  }
0x2a8: {  	s23 =	spop (v2sf);
	s22 =	sand.u32 $0x1FFFFFF0, s26;
	s21 =	sadd.s32 s3, s25  }
0x2a9: {  	(v2sf) =	vpush v1, $0x8;
	[tilespmem:s17], [sflag:$0x1] =	stream.linear.gather [hbm4b:s21+s1], $0x80, $0x38;
	[tilespmem:$0x10400] =	vst v63  }
0x2aa: {  	s24 =	sadd.s32 s4, s22;
	s25 =	sand.u32 $0x1FFFFFF0, s23;
	s26 =	spop (v2sf)  }
0x2ab: {  	(v2sf) =	vpush v63, $0x8;
	[tilespmem:s12], [sflag:$0x1] =	stream.linear.gather [hbm4b:s24+s1], $0x80, $0x38;
	[tilespmem:$0x10400] =	vst v63  }
0x2ac: {  	s17 =	sadd.s32 s3, s25;
	s18 =	sand.u32 $0x1FFFFFF0, s26;
	s19 =	spop (v2sf);
	(v2sf) =	vpush v1, $0x9  }
0x2ad: {  	[tilespmem:s11], [sflag:$0x1] =	stream.linear.gather [hbm4b:s17+s1], $0x80, $0x38;
	[tilespmem:$0x10400] =	vst v63  }
0x2ae: {  	s21 =	sadd.s32 s4, s18;
	s22 =	sand.u32 $0x1FFFFFF0, s19;
	s23 =	spop (v2sf)  }
0x2af: {  	(v2sf) =	vpush v63, $0x9;
	[tilespmem:s16], [sflag:$0x1] =	stream.linear.gather [hbm4b:s21+s1], $0x80, $0x38;
	[tilespmem:$0x10400] =	vst v63  }
0x2b0: {  	s24 =	sadd.s32 s3, s22;
	s25 =	sand.u32 $0x1FFFFFF0, s23;
	s26 =	spop (v2sf);
	(v2sf) =	vpush v1, $0xA  }
0x2b1: {  	[tilespmem:s5], [sflag:$0x1] =	stream.linear.gather [hbm4b:s24+s1], $0x80, $0x38;
	[tilespmem:$0x10400] =	vst v63  }
0x2b2: {  	s11 =	sadd.s32 s4, s25;
	s12 =	sand.u32 $0x1FFFFFF0, s26;
	s16 =	spop (v2sf);
	(v2sf) =	vpush v63, $0xA  }
0x2b3: {  	[tilespmem:s10], [sflag:$0x1] =	stream.linear.gather [hbm4b:s11+s1], $0x80, $0x38;
	[tilespmem:$0x10400] =	vst v63  }
0x2b4: {  	s17 =	sadd.s32 s3, s12;
	s18 =	sand.u32 $0x1FFFFFF0, s16;
	s19 =	spop (v2sf);
	(v2sf) =	vpush v1, $0xB  }
0x2b5: {  	[tilespmem:s9], [sflag:$0x1] =	stream.linear.gather [hbm4b:s17+s1], $0x80, $0x38;
	[tilespmem:$0x10400] =	vst v63  }
0x2b6: {  	s21 =	sadd.s32 s4, s18;
	s22 =	sand.u32 $0x1FFFFFF0, s19;
	s23 =	spop (v2sf)  }
0x2b7: {  	[tilespmem:s8], [sflag:$0x1] =	stream.linear.gather [hbm4b:s21+s1], $0x80, $0x38;
	[tilespmem:$0x10400] =	vst v63  }
0x2b8: {  	(v2sf) =	vpush v63, $0xB;
	s24 =	sadd.s32 s3, s22;
	s25 =	sand.u32 $0x1FFFFFF0, s23;
	s26 =	spop (v2sf)  }
0x2b9: {  	[tilespmem:s7], [sflag:$0x1] =	stream.linear.gather [hbm4b:s24+s1], $0x80, $0x38;
	[tilespmem:$0x10400] =	vst v63  }
0x2ba: {  	(v2sf) =	vpush v1, $0xC;
	s23 =	rddreg [dreg:$0x17];
	s8 =	sand.u32 $0x1FFFFFF0, s26;
	s9 =	spop (v2sf)  }
0x2bb: {  	s10 =	sadd.s32 s3, s8;
	s7 =	sadd.s32 s4, s25;
	s12 =	spop (v2sf)  }
0x2bc: {  	(v2sf) =	vpush v63, $0xC;
	[tilespmem:s6], [sflag:$0x1] =	stream.linear.gather [hbm4b:s7+s1], $0x80, $0x38;
	[tilespmem:$0x10400] =	vst v63  }
0x2bd: {  	s11 =	sand.u32 $0x1FFFFFF0, s9;
	s17 =	sand.u32 $0x1FFFFFF0, s12;
	s12 =	rddreg [dreg:$0x11]  }
0x2be: {  	s16 =	sadd.s32 s4, s11;
	s18 =	spop (v2sf);
	s6 =	rddreg [dreg:$0x9]  }
0x2bf: {  	s19 =	sadd.s32 s3, s17;
	s21 =	sand.u32 $0x1FFFFFF0, s18;
	s22 =	spop (v2sf)  }
0x2c0: {  	(v2sf) =	vpush v1, $0xD;
	[tilespmem:s15], [sflag:$0x1] =	stream.linear.gather [hbm4b:s10+s1], $0x80, $0x38;
	[tilespmem:$0x10400] =	vst v63  }
0x2c1: {  	s17 =	rddreg [dreg:$0x15];
	s24 =	sadd.s32 s4, s21;
	s26 =	spop (v2sf)  }
0x2c2: {  	(v2sf) =	vpush v63, $0xD;
	[tilespmem:s14], [sflag:$0x1] =	stream.linear.gather [hbm4b:s16+s1], $0x80, $0x38;
	[tilespmem:$0x10400] =	vst v63  }
0x2c3: {  	s25 =	sand.u32 $0x1FFFFFF0, s22;
	s22 =	rddreg [dreg:$0xd];
	s8 =	spop (v2sf)  }
0x2c4: {  	(v2sf) =	vpush v1, $0xE;
	[tilespmem:s23], [sflag:$0x1] =	stream.linear.gather [hbm4b:s19+s1], $0x80, $0x38;
	[tilespmem:$0x10400] =	vst v63  }
0x2c5: {  	s5 =	sadd.s32 s3, s25;
	s7 =	sand.u32 $0x1FFFFFF0, s26;
	s10 =	sand.u32 $0x1FFFFFF0, s8  }
0x2c6: {  	(v2sf) =	vpush v63, $0xE;
	[tilespmem:s2], [sflag:$0x1] =	stream.linear.gather [hbm4b:s24+s1], $0x80, $0x38;
	[tilespmem:$0x10400] =	vst v63  }
0x2c7: {  	s9 =	sadd.s32 s4, s7;
	s11 =	spop (v2sf);
	s14 =	sadd.s32 s3, s10  }
0x2c8: {  	(v2sf) =	vpush v1, $0xF;
	[tilespmem:s30], [sflag:$0x1] =	stream.linear.gather [hbm4b:s5+s1], $0x80, $0x38;
	[tilespmem:$0x10400] =	vst v63  }
0x2c9: {  	s15 =	sand.u32 $0x1FFFFFF0, s11;
	s16 =	spop (v2sf);
	s11 =	rddreg [dreg:$0x13]  }
0x2ca: {  	(v2sf) =	vpush v63, $0xF;
	[tilespmem:s12], [sflag:$0x1] =	stream.linear.gather [hbm4b:s9+s1], $0x80, $0x38;
	[tilespmem:$0x10400] =	vst v63  }
0x2cb: {  	s18 =	sadd.s32 s4, s15;
	s19 =	sand.u32 $0x1FFFFFF0, s16;
	s21 =	spop (v2sf)  }
0x2cc: {  	[tilespmem:s17], [sflag:$0x1] =	stream.linear.gather [hbm4b:s14+s1], $0x80, $0x38;
	[tilespmem:$0x10400] =	vst v63  }
0x2cd: {  	s16 =	rddreg [dreg:$0x7];
	s23 =	sadd.s32 s3, s19;
	s24 =	sand.u32 $0x1FFFFFF0, s21  }
0x2ce: {  	[tilespmem:s22], [sflag:$0x1] =	stream.linear.gather [hbm4b:s18+s1], $0x80, $0x38;
	[tilespmem:$0x10400] =	vst v63  }
0x2cf: {  	s25 =	spop (v2sf);
	s21 =	rddreg [dreg:$0xf];
	s26 =	sadd.s32 s4, s24  }
0x2d0: {  	[tilespmem:s31], [sflag:$0x1] =	stream.linear.gather [hbm4b:s23+s1], $0x80, $0x38;
	[tilespmem:$0x10400] =	vst v63  }
0x2d1: {  	s30 =	sand.u32 $0x1FFFFFF0, s25;
	s25 =	rddreg [dreg:$0xb];
	s31 =	spop (v2sf)  }
0x2d2: {  	[tilespmem:s6], [sflag:$0x1] =	stream.linear.gather [hbm4b:s26+s1], $0x80, $0x38;
	[tilespmem:$0x10400] =	vst v63  }
0x2d3: {  	s8 =	sadd.s32 s3, s30;
	s9 =	sand.u32 $0x1FFFFFF0, s31;
	s10 =	spop (v2sf)  }
0x2d4: {  	[tilespmem:s11], [sflag:$0x1] =	stream.linear.gather [hbm4b:s8+s1], $0x80, $0x38;
	[tilespmem:$0x10400] =	vst v63  }
0x2d5: {  	s12 =	sadd.s32 s4, s9;
	s14 =	sand.u32 $0x1FFFFFF0, s10;
	s15 =	spop (v2sf)  }
0x2d6: {  	[tilespmem:s16], [sflag:$0x1] =	stream.linear.gather [hbm4b:s12+s1], $0x80, $0x38;
	[tilespmem:$0x10400] =	vst v63  }
0x2d7: {  	s17 =	sadd.s32 s3, s14;
	s18 =	sand.u32 $0x1FFFFFF0, s15;
	s19 =	spop (v2sf)  }
0x2d8: {  	[tilespmem:s21], [sflag:$0x1] =	stream.linear.gather [hbm4b:s17+s1], $0x80, $0x38;
	[tilespmem:$0x10400] =	vst v63  }
0x2d9: {  	s22 =	sadd.s32 s4, s18;
	s23 =	sand.u32 $0x1FFFFFF0, s19;
	s24 =	spop (v2sf)  }
0x2da: {  	[tilespmem:s25], [sflag:$0x1] =	stream.linear.gather [hbm4b:s22+s1], $0x80, $0x38;
	[tilespmem:$0x10400] =	vst v63  }
0x2db: {  	s26 =	sadd.s32 $0xB80, s20;
	s2 =	sadd.s32 s3, s23;
	s5 =	sand.u32 $0x1FFFFFF0, s24  }
0x2dc: {  	[tilespmem:s26], [sflag:$0x1] =	stream.linear.gather [hbm4b:s2+s1], $0x80, $0x38;
	[tilespmem:$0x10400] =	vst v63  }
0x2dd: {  	s30 =	sadd.s32 $0x8B80, s20;
	s31 =	sadd.s32 s4, s5  }
0x2de: {  	[tilespmem:s30], [sflag:$0x1] =	stream.linear.gather [hbm4b:s31+s1], $0x80, $0x38;
	[tilespmem:$0x10400] =	vst v63  }
0x2df: {  	s5 =	rddreg [dreg:$0x5];
	_ =	swait.ge [sflag:s13], $0x80  }
0x2e0: {  	[sflag:s13] =	ssyncset.done $0x0  }
0x2e1: {  	[sflag:s13] =	ssyncadd.s32 $0xFFFFFF80  }
0x2e2: {  	_ =	swait.ge [sflag:s13], $0x80  }
0x2e3: {  	[sflag:s13] =	ssyncset.done $0x0  }
0x2e4: {  	[sflag:s13] =	ssyncadd.s32 $0xFFFFFF80  }
0x2e5: {  	_ =	swait.ge [sflag:s13], $0x80  }
0x2e6: {  	[sflag:s13] =	ssyncset.done $0x0  }
0x2e7: {  	[sflag:s13] =	ssyncadd.s32 $0xFFFFFF80  }
0x2e8: {  	_ =	swait.ge [sflag:s13], $0x80  }
0x2e9: {  	[sflag:s13] =	ssyncset.done $0x0  }
0x2ea: {  	[sflag:s13] =	ssyncadd.s32 $0xFFFFFF80  }
0x2eb: {  	_ =	swait.ge [sflag:s13], $0x80  }
0x2ec: {  	[sflag:s13] =	ssyncset.done $0x0  }
0x2ed: {  	[sflag:s13] =	ssyncadd.s32 $0xFFFFFF80  }
0x2ee: {  	_ =	swait.ge [sflag:s13], $0x80  }
0x2ef: {  	[sflag:s13] =	ssyncset.done $0x0  }
0x2f0: {  	[sflag:s13] =	ssyncadd.s32 $0xFFFFFF80  }
0x2f1: {  	_ =	swait.ge [sflag:s13], $0x80  }
0x2f2: {  	[sflag:s13] =	ssyncset.done $0x0  }
0x2f3: {  	[sflag:s13] =	ssyncadd.s32 $0xFFFFFF80  }
0x2f4: {  	_ =	swait.ge [sflag:s13], $0x80  }
0x2f5: {  	[sflag:s13] =	ssyncset.done $0x0  }
0x2f6: {  	[sflag:s13] =	ssyncadd.s32 $0xFFFFFF80  }
0x2f7: {  	_ =	swait.ge [sflag:s13], $0x80  }
0x2f8: {  	[sflag:s13] =	ssyncset.done $0x0  }
0x2f9: {  	[sflag:s13] =	ssyncadd.s32 $0xFFFFFF80  }
0x2fa: {  	_ =	swait.ge [sflag:s13], $0x80  }
0x2fb: {  	[sflag:s13] =	ssyncset.done $0x0  }
0x2fc: {  	[sflag:s13] =	ssyncadd.s32 $0xFFFFFF80  }
0x2fd: {  	_ =	swait.ge [sflag:s13], $0x80  }
0x2fe: {  	[sflag:s13] =	ssyncset.done $0x0  }
0x2ff: {  	[sflag:s13] =	ssyncadd.s32 $0xFFFFFF80  }
0x300: {  	_ =	swait.ge [sflag:s13], $0x80  }
0x301: {  	[sflag:s13] =	ssyncset.done $0x0  }
0x302: {  	[sflag:s13] =	ssyncadd.s32 $0xFFFFFF80  }
0x303: {  	_ =	swait.ge [sflag:s13], $0x80  }
0x304: {  	[sflag:s13] =	ssyncset.done $0x0  }
0x305: {  	[sflag:s13] =	ssyncadd.s32 $0xFFFFFF80  }
0x306: {  	_ =	swait.ge [sflag:s13], $0x80  }
0x307: {  	[sflag:s13] =	ssyncset.done $0x0  }
0x308: {  	[sflag:s13] =	ssyncadd.s32 $0xFFFFFF80  }
0x309: {  	_ =	swait.ge [sflag:s13], $0x80  }
0x30a: {  	[sflag:s13] =	ssyncset.done $0x0  }
0x30b: {  	[sflag:s13] =	ssyncadd.s32 $0xFFFFFF80  }
0x30c: {  	_ =	swait.ge [sflag:s13], $0x80  }
0x30d: {  	[sflag:s13] =	ssyncset.done $0x0  }
0x30e: {  	[sflag:s13] =	ssyncadd.s32 $0xFFFFFF80  }
0x30f: {  	_ =	swait.ge [sflag:s13], $0x80  }
0x310: {  	[sflag:s13] =	ssyncset.done $0x0  }
0x311: {  	[sflag:s13] =	ssyncadd.s32 $0xFFFFFF80  }
0x312: {  	_ =	swait.ge [sflag:s13], $0x80  }
0x313: {  	[sflag:s13] =	ssyncset.done $0x0  }
0x314: {  	[sflag:s13] =	ssyncadd.s32 $0xFFFFFF80  }
0x315: {  	_ =	swait.ge [sflag:s13], $0x80  }
0x316: {  	[sflag:s13] =	ssyncset.done $0x0  }
0x317: {  	[sflag:s13] =	ssyncadd.s32 $0xFFFFFF80  }
0x318: {  	_ =	swait.ge [sflag:s13], $0x80  }
0x319: {  	[sflag:s13] =	ssyncset.done $0x0  }
0x31a: {  	[sflag:s13] =	ssyncadd.s32 $0xFFFFFF80  }
0x31b: {  	_ =	swait.ge [sflag:s13], $0x80  }
0x31c: {  	[sflag:s13] =	ssyncset.done $0x0  }
0x31d: {  	[sflag:s13] =	ssyncadd.s32 $0xFFFFFF80  }
0x31e: {  	_ =	swait.ge [sflag:s13], $0x80  }
0x31f: {  	[sflag:s13] =	ssyncset.done $0x0  }
0x320: {  	[sflag:s13] =	ssyncadd.s32 $0xFFFFFF80  }
0x321: {  	_ =	swait.ge [sflag:s13], $0x80  }
0x322: {  	[sflag:s13] =	ssyncset.done $0x0  }
0x323: {  	[sflag:s13] =	ssyncadd.s32 $0xFFFFFF80  }
0x324: {  	_ =	swait.ge [sflag:s13], $0x80  }
0x325: {  	[sflag:s13] =	ssyncset.done $0x0  }
0x326: {  	[sflag:s13] =	ssyncadd.s32 $0xFFFFFF80  }
0x327: {  	_ =	swait.ge [sflag:s13], $0x80  }
0x328: {  	[sflag:s13] =	ssyncset.done $0x0  }
0x329: {  	p0 =	sne.s32 s29, $0x1E000;
	[sflag:s13] =	ssyncadd.s32 $0xFFFFFF80  }
.Ltmp1:
0x32a: {  	_ =	swait.ge [sflag:s13], $0x80;
	(pc) =	sbr.rel @p0 .LBB2_4-.Ltmp1, $4  }
0x32b: {  	[sflag:s13] =	ssyncset.done $0x0  }
0x32c: {  	[sflag:s13] =	ssyncadd.s32 $0xFFFFFF80  }
0x32d: {  	_ =	swait.ge [sflag:s13], $0x80  }
0x32e: {  	s29 =	sadd.s32 $0x2000, s29;
	[sflag:s13] =	ssyncset.done $0x0  }
0x32f: {  	[sflag:s13] =	ssyncadd.s32 $0xFFFFFF80  }
0x330: {  	_ =	swait.ge [sflag:s13], $0x80  }
0x331: {  	[sflag:s13] =	ssyncset.done $0x0  }
0x332: {  	[sflag:s13] =	ssyncadd.s32 $0xFFFFFF80  }
0x333: {  	_ =	swait.ge [sflag:s13], $0x80  }
0x334: {  	[sflag:s13] =	ssyncset.done $0x0  }
0x335: {  	[sflag:s13] =	ssyncadd.s32 $0xFFFFFF80  }
0x336: {  	_ =	swait.ge [sflag:s13], $0x80  }
0x337: {  	[sflag:s13] =	ssyncset.done $0x0  }
0x338: {  	[sflag:s13] =	ssyncadd.s32 $0xFFFFFF80  }
0x339: {  	_ =	swait.ge [sflag:s13], $0x80  }
0x33a: {  	[sflag:s13] =	ssyncset.done $0x0  }
0x33b: {  	[sflag:s13] =	ssyncadd.s32 $0xFFFFFF80  }
0x33c: {  	_ =	swait.ge [sflag:s13], $0x80  }
0x33d: {  	[sflag:s13] =	ssyncset.done $0x0  }
0x33e: {  	s2 =	simm.s32 $0x400;
	s0 =	rddreg [dreg:$0x1c];
	[sflag:s13] =	ssyncadd.s32 $0xFFFFFF80  }
0x33f: {  	[hbm4b:s0+s1] =	stream.linear.scatter [tilespmem:s2], [sflag:$0x2], $0x8000, $0x38;
	[tilespmem:$0x10400] =	vst v63  }
0x340: {  	s2 =	simm.s32 $0x2  }
0x341: {  	_ =	swait.ge [sflag:s2], $0x8000  }
0x342: {  	[sflag:s2] =	ssyncset.done $0x0  }
0x343: {  	s5 =	simm.s32 $0x8400;
	s29 =	rddreg [dreg:$0x1d];
	[sflag:s2] =	ssyncadd.s32 $0xFFFF8000  }
0x344: {  	[hbm4b:s29+s1] =	stream.linear.scatter [tilespmem:s5], [sflag:$0x2], $0x8000, $0x38;
	[tilespmem:$0x10400] =	vst v63  }
0x345: {  	_ =	swait.ge [sflag:s2], $0x8000  }
0x346: {  	s30 =	rddreg [dreg:$0x1f]  }
0x347: {  	s31 =	rddreg [dreg:$0x1e];
	s5 =	sadd.s32 $0x1, s30  }
0x348: {  	p0 =	sne.s32 s5, s31  }
.Ltmp2:
0x349: {  	_ = 	snop;
	(pc) =	sbr.rel @p0 .LBB2_1-.Ltmp2, $3  }
0x34a: {  	_ =	sdelay $0x1  }
0x34b: {  	[sflag:s2] =	ssyncset.done $0x0  }
0x34c: {  	[sflag:s2] =	ssyncadd.s32 $0xFFFF8000  }
0x34d: {  	_ =	sfence.sel $0x180000  }
0x34e: {  	[bflag:$0x0] =	sbarrier.arrive $0xFFFF  }
0x34f: {  	_ =	strace $0x90000047  }
0x350: {  	s0 =	stileid.u32;
	[bflag:$0x2] =	sbarrier.arrive $0xFFFF  }
0x351: {  	p0 =	sne.s32 s0, $0x0;
	s0 =	rddreg [dreg:$0x3]  }
0x352: {  	s0 =	sadd.s32 @!p0 $0x100000, s0  }
0x353: {  	[sflag:s0] =	ssyncadd.tile.s32 @!p0 $0x1;
	_ =	shalt  }
.Lfunc_end2:
_tile_overlayer_lowered:
.L_overlay_start_2:
0x354: {  	(tag) =	ssettag $0x2  }
0x355: {  	s0 =	rddreg [dreg:$0x0];
	s2 =	stileid.u32  }
0x356: {  	s1 =	rddreg [dreg:$0x1];
	p0 =	sne.s32 s2, $0x0  }
0x357: {  	s3 =	rddreg [dreg:$0x2];
	[bflag:$0x3] =	sbarrier.arrive $0xFFFF;
	s2 =	simm.s32 @!p0 $0x1C02  }
0x358: {  	[timem:s3], [sflag:s2] =	dma.local @!p0 [hbm:s0], s1  }
0x359: {  	s0 =	simm.s32 @!p0 $0x2  }
0x35a: {  	_ =	swait.ge @!p0 [sflag:s0], s1  }
0x35b: {  	s1 =	ssub.s32 @!p0 $0x0, s1;
	[sflag:s0] =	ssyncset.done @!p0 $0x0  }
0x35c: {  	[sflag:s0] =	ssyncadd.s32 @!p0 s1  }
0x35d: {  	[bflag:$0x3] =	sbarrier.arrive $0xFFFF  }
0x35e: {  	_ =	shalt  }

</sc_bundles>
